<compile_context>
chip_gen: v7x
topology: tpu7x:2x2x1
jax: 0.10.2.dev20260603
libtpu: 0.0.44.dev20260713+nightly
codegen_flags: <defaults>
</compile_context>

<pallas_src>
import functools

import jax
import jax.numpy as jnp
from jax import lax
from jax.experimental import pallas as pl
from jax.experimental.pallas import tpu as pltpu
from jax.experimental.pallas import tpu_sc as plsc

_B, _N, _D = 4, 4096, 2048
_NW = 32
_ROWS_PW = (_B * _N) // _NW
_SPB = _N // _ROWS_PW
_CHUNK = 32
_NCH = _ROWS_PW // _CHUNK


def _body(x_hbm, keep_hbm, tok_hbm, out_hbm, keep_v, tok_tile, sem):
    cid = lax.axis_index("c")
    sid = lax.axis_index("s")
    wid = sid * 2 + cid

    b = wid // _SPB
    n_base = (wid % _SPB) * _ROWS_PW
    row_base = wid * _ROWS_PW

    pltpu.sync_copy(keep_hbm, keep_v.at[pl.ds(0, _B)])
    kv = keep_v[...]
    kb = kv[0]
    for i in range(1, _B):
        kb = jnp.where(b == i, kv[i], kb)

    for i in range(_CHUNK):
        pltpu.sync_copy(tok_hbm, tok_tile.at[i])

    def chunk_body(c, carry):
        n0 = n_base + c * _CHUNK
        r0 = row_base + c * _CHUNK

        @pl.when(n0 + _CHUNK <= kb)
        def _copy_full():
            pltpu.sync_copy(x_hbm.at[pl.ds(r0, _CHUNK)],
                            out_hbm.at[pl.ds(r0, _CHUNK)])

        @pl.when(n0 >= kb)
        def _tok_full():
            pltpu.sync_copy(tok_tile, out_hbm.at[pl.ds(r0, _CHUNK)])

        @pl.when(jnp.logical_and(n0 < kb, n0 + _CHUNK > kb))
        def _straddle():
            def row_body(j, carry2):
                @pl.when(n0 + j < kb)
                def _r_copy():
                    pltpu.sync_copy(x_hbm.at[pl.ds(r0 + j, 1)],
                                    out_hbm.at[pl.ds(r0 + j, 1)])

                @pl.when(n0 + j >= kb)
                def _r_tok():
                    pltpu.sync_copy(tok_tile.at[pl.ds(0, 1)],
                                    out_hbm.at[pl.ds(r0 + j, 1)])
                return carry2
            lax.fori_loop(0, _CHUNK, row_body, 0)
        return carry

    lax.fori_loop(0, _NCH, chunk_body, 0)


def kernel(x, eval_keep_k, dropout_mask_token):
    Bx, Nx, Dx = x.shape
    x2 = x.reshape(Bx * Nx, Dx)
    mesh = plsc.VectorSubcoreMesh(core_axis_name="c", subcore_axis_name="s")
    run = pl.kernel(
        _body,
        out_type=jax.ShapeDtypeStruct((Bx * Nx, Dx), x.dtype),
        mesh=mesh,
        scratch_types=[
            pltpu.VMEM((16,), jnp.int32),
            pltpu.VMEM((_CHUNK, _D), jnp.float32),
            pltpu.SemaphoreType.DMA,
        ],
    )
    out = run(x2, eval_keep_k.astype(jnp.int32), dropout_mask_token)
    return out.reshape(Bx, Nx, Dx)

# --- scband reference (transcript-rebuilt; emitter-appended) ---
"""Pipeline reference for scband-masked-nested-dropout-6219112645491 (READ-ONLY COPY).

The authoritative reference and input builder live on the scoring server;
editing this copy changes nothing except your own understanding.
"""

import jax, jax.numpy as jnp
import numpy as np

B, N, D = 4, 4096, 2048

def setup_inputs(seed: int = 0) -> dict:
    key = jax.random.key(seed)
    k1, k2, k3 = jax.random.split(key, 3)
    x = jax.random.normal(k1, (B, N, D), dtype=jnp.float32)
    # keep_k per batch element (eval path with explicit eval_keep_k)
    eval_keep_k = jax.random.randint(k2, (B,), 0, N)
    # learnable mask token: trunc_normal_(std=0.02)
    dropout_mask_token = jax.random.truncated_normal(k3, -2.0, 2.0, (D,), dtype=jnp.float32) * 0.02
    return {"x": x, "eval_keep_k": eval_keep_k, "dropout_mask_token": dropout_mask_token}

def reference(x, eval_keep_k, dropout_mask_token):
    # Faithful translation of the eval-mode forward with eval_keep_k provided:
    #   mask = keep_k[:, None] <= arange(N)[None, :]
    #   x[mask] = dropout_mask_token  (scatter-overwrite of dropped token positions)
    Bx, Nx, Dx = x.shape
    mask = eval_keep_k[:, None] <= jnp.arange(Nx)[None, :]
    out = jnp.where(mask[:, :, None], dropout_mask_token[None, None, :], x)
    return out

if __name__ == "__main__":
    import jax
    _d = setup_inputs()
    print(jax.jit(kernel)(*tuple(_d.values())))

</pallas_src>

<mosaic_0001>
#map = affine_map<(d0, d1) -> (0, 0)>
#map1 = affine_map<(d0, d1) -> (0)>
module attributes {stable_mosaic.version = 14 : i64} {
  func.func @_body(%arg0: i32, %arg1: i32, %arg2: memref<16384x2048xf32, #tpu.memory_space<hbm>>, %arg3: memref<4xi32, #tpu.memory_space<hbm>>, %arg4: memref<2048xf32, #tpu.memory_space<hbm>>, %arg5: memref<16384x2048xf32, #tpu.memory_space<hbm>>, %arg6: memref<16xi32, #tpu.memory_space<vmem>>, %arg7: memref<32x2048xf32, #tpu.memory_space<vmem>>, %arg8: memref<!tpu.dma_semaphore, #tpu.memory_space<semaphore_mem>>) attributes {dimension_semantics = [#tpu.dimension_semantics<core_parallel>, #tpu.dimension_semantics<subcore_parallel>], iteration_bounds = array<i64: 2, 16>, scalar_prefetch = 0 : i64, scratch_operands = 3 : i64, tpu.core_type = #tpu.core_type<sc_vector_subcore>, window_params = [{transform_indices = #map}, {transform_indices = #map1}, {transform_indices = #map1}, {transform_indices = #map}]} {
    %mul3A = arith.constant 2 : i32
    %mul3A_0 = arith.muli %arg1, %mul3A : i32
    %add3A = arith.addi %mul3A_0, %arg0 : i32
    %jit3A = arith.constant 8 : i32
    %div3A = arith.divsi %add3A, %jit3A : i32
    %sign3A = arith.constant 0 : i32
    %sign3A_1 = arith.cmpi sgt, %add3A, %sign3A : i32
    %sign3A_2 = arith.extui %sign3A_1 : i1 to i32
    %sign3A_3 = arith.constant 0 : i32
    %sign3A_4 = arith.cmpi slt, %add3A, %sign3A_3 : i32
    %sign3A_5 = arith.extui %sign3A_4 : i1 to i32
    %sign3A_6 = arith.subi %sign3A_2, %sign3A_5 : i32
    %sign3A_7 = arith.constant 0 : i32
    %sign3A_8 = arith.cmpi sgt, %jit3A, %sign3A_7 : i32
    %sign3A_9 = arith.extui %sign3A_8 : i1 to i32
    %sign3A_10 = arith.constant 0 : i32
    %sign3A_11 = arith.cmpi slt, %jit3A, %sign3A_10 : i32
    %sign3A_12 = arith.extui %sign3A_11 : i1 to i32
    %sign3A_13 = arith.subi %sign3A_9, %sign3A_12 : i32
    %ne3A = arith.cmpi ne, %sign3A_6, %sign3A_13 : i32
    %rem3A = arith.remsi %add3A, %jit3A : i32
    %ne3A_14 = arith.constant 0 : i32
    %ne3A_15 = arith.cmpi ne, %rem3A, %ne3A_14 : i32
    %and3A = arith.andi %ne3A, %ne3A_15 : i1
    %sub3A = arith.constant 1 : i32
    %sub3A_16 = arith.subi %div3A, %sub3A : i32
    %select_n3A = arith.select %and3A, %sub3A_16, %div3A : i32
    %jit3A_17 = arith.constant 8 : i32
    %eq3A = arith.constant 0 : i32
    %eq3A_18 = arith.cmpi eq, %jit3A_17, %eq3A : i32
    %jit3A_19 = arith.constant 1 : i32
    %select_n3A_20 = arith.select %eq3A_18, %jit3A_19, %jit3A_17 : i32
    %rem3A_21 = arith.remsi %add3A, %select_n3A_20 : i32
    %ne3A_22 = arith.constant 0 : i32
    %ne3A_23 = arith.cmpi ne, %rem3A_21, %ne3A_22 : i32
    %lt3A = arith.constant 0 : i32
    %lt3A_24 = arith.cmpi slt, %rem3A_21, %lt3A : i32
    %lt3A_25 = arith.constant 0 : i32
    %lt3A_26 = arith.cmpi slt, %select_n3A_20, %lt3A_25 : i32
    %ne3A_27 = arith.xori %lt3A_24, %lt3A_26 : i1
    %and3A_28 = arith.andi %ne3A_27, %ne3A_23 : i1
    %add3A_29 = arith.addi %rem3A_21, %select_n3A_20 : i32
    %select_n3A_30 = arith.select %and3A_28, %add3A_29, %rem3A_21 : i32
    %mul3A_31 = arith.constant 512 : i32
    %mul3A_32 = arith.muli %select_n3A_30, %mul3A_31 : i32
    %mul3A_33 = arith.constant 512 : i32
    %mul3A_34 = arith.muli %add3A, %mul3A_33 : i32
    "tpu.region"() ({
      %run_scoped3A_88 = tpu.sem_alloc : memref<!tpu.dma_semaphore, #tpu.memory_space<semaphore_mem>>
      %dma_start3A = arith.constant 0 : i32
      %dma_start3A_89 = tpu.memref_slice %arg6[%dma_start3A] : memref<16xi32, #tpu.memory_space<vmem>> -> memref<4xi32, #tpu.memory_space<vmem>>
      %dma_start3A_90 = arith.constant 0 : i32
      %dma_start3A_91 = tpu.memref_slice %arg6[%dma_start3A_90] : memref<16xi32, #tpu.memory_space<vmem>> -> memref<4xi32, #tpu.memory_space<vmem>>
      tpu.enqueue_dma source(%arg3 : memref<4xi32, #tpu.memory_space<hbm>>) target(%dma_start3A_91 : memref<4xi32, #tpu.memory_space<vmem>>) target_semaphore(%run_scoped3A_88 : memref<!tpu.dma_semaphore, #tpu.memory_space<semaphore_mem>>)
      %dma_wait3A = arith.constant 0 : i32
      %dma_wait3A_92 = tpu.memref_slice %arg6[%dma_wait3A] : memref<16xi32, #tpu.memory_space<vmem>> -> memref<4xi32, #tpu.memory_space<vmem>>
      %dma_wait3A_93 = arith.constant 0 : i32
      %dma_wait3A_94 = tpu.memref_slice %arg6[%dma_wait3A_93] : memref<16xi32, #tpu.memory_space<vmem>> -> memref<4xi32, #tpu.memory_space<vmem>>
      tpu.wait_dma2 semaphore(%run_scoped3A_88 : memref<!tpu.dma_semaphore, #tpu.memory_space<semaphore_mem>>) src(%arg3 : memref<4xi32, #tpu.memory_space<hbm>>) dst(%dma_wait3A_94 : memref<4xi32, #tpu.memory_space<vmem>>)
      tpu.yield
    }) : () -> ()
    %get3A = arith.constant 0 : index
    %get3A_35 = tpu.vector_load %arg6[%get3A] {strides = array<i32>} : memref<16xi32, #tpu.memory_space<vmem>>, vector<16xi32>,
    %get3A_36 = vector.shape_cast %get3A_35 : vector<16xi32> to vector<16xi32>
    %slice3A = vector.extract_strided_slice %get3A_36 {offsets = [0], sizes = [1], strides = [1]} : vector<16xi32> to vector<1xi32>
    %squeeze3A = vector.extract %slice3A[0] : i32 from vector<1xi32>
    %eq3A_37 = arith.constant 1 : i32
    %eq3A_38 = arith.cmpi eq, %select_n3A, %eq3A_37 : i32
    %slice3A_39 = vector.extract_strided_slice %get3A_36 {offsets = [1], sizes = [1], strides = [1]} : vector<16xi32> to vector<1xi32>
    %squeeze3A_40 = vector.extract %slice3A_39[0] : i32 from vector<1xi32>
    %select_n3A_41 = arith.select %eq3A_38, %squeeze3A_40, %squeeze3A : i32
    %eq3A_42 = arith.constant 2 : i32
    %eq3A_43 = arith.cmpi eq, %select_n3A, %eq3A_42 : i32
    %slice3A_44 = vector.extract_strided_slice %get3A_36 {offsets = [2], sizes = [1], strides = [1]} : vector<16xi32> to vector<1xi32>
    %squeeze3A_45 = vector.extract %slice3A_44[0] : i32 from vector<1xi32>
    %select_n3A_46 = arith.select %eq3A_43, %squeeze3A_45, %select_n3A_41 : i32
    %eq3A_47 = arith.constant 3 : i32
    %eq3A_48 = arith.cmpi eq, %select_n3A, %eq3A_47 : i32
    %slice3A_49 = vector.extract_strided_slice %get3A_36 {offsets = [3], sizes = [1], strides = [1]} : vector<16xi32> to vector<1xi32>
    %squeeze3A_50 = vector.extract %slice3A_49[0] : i32 from vector<1xi32>
    %select_n3A_51 = arith.select %eq3A_48, %squeeze3A_50, %select_n3A_46 : i32
    %run_scoped3A = arith.constant 0 : i32
    "tpu.region"() ({
      %run_scoped3A_88 = tpu.sem_alloc : memref<!tpu.dma_semaphore, #tpu.memory_space<semaphore_mem>>
      %dma_start3A = arith.constant 0 : i32
      %dma_start3A_89 = tpu.memref_slice %arg7[%run_scoped3A, %dma_start3A] : memref<32x2048xf32, #tpu.memory_space<vmem>> -> memref<1x2048xf32, #tpu.memory_space<vmem>>
      %dma_start3A_90 = tpu.memref_squeeze %dma_start3A_89 : memref<1x2048xf32, #tpu.memory_space<vmem>> -> memref<2048xf32, #tpu.memory_space<vmem>>
      %dma_start3A_91 = arith.constant 0 : i32
      %dma_start3A_92 = tpu.memref_slice %arg7[%run_scoped3A, %dma_start3A_91] : memref<32x2048xf32, #tpu.memory_space<vmem>> -> memref<1x2048xf32, #tpu.memory_space<vmem>>
      %dma_start3A_93 = tpu.memref_squeeze %dma_start3A_92 : memref<1x2048xf32, #tpu.memory_space<vmem>> -> memref<2048xf32, #tpu.memory_space<vmem>>
      tpu.enqueue_dma source(%arg4 : memref<2048xf32, #tpu.memory_space<hbm>>) target(%dma_start3A_93 : memref<2048xf32, #tpu.memory_space<vmem>>) target_semaphore(%run_scoped3A_88 : memref<!tpu.dma_semaphore, #tpu.memory_space<semaphore_mem>>)
      %dma_wait3A = arith.constant 0 : i32
      %dma_wait3A_94 = tpu.memref_slice %arg7[%run_scoped3A, %dma_wait3A] : memref<32x2048xf32, #tpu.memory_space<vmem>> -> memref<1x2048xf32, #tpu.memory_space<vmem>>
      %dma_wait3A_95 = tpu.memref_squeeze %dma_wait3A_94 : memref<1x2048xf32, #tpu.memory_space<vmem>> -> memref<2048xf32, #tpu.memory_space<vmem>>
      %dma_wait3A_96 = arith.constant 0 : i32
      %dma_wait3A_97 = tpu.memref_slice %arg7[%run_scoped3A, %dma_wait3A_96] : memref<32x2048xf32, #tpu.memory_space<vmem>> -> memref<1x2048xf32, #tpu.memory_space<vmem>>
      %dma_wait3A_98 = tpu.memref_squeeze %dma_wait3A_97 : memref<1x2048xf32, #tpu.memory_space<vmem>> -> memref<2048xf32, #tpu.memory_space<vmem>>
      tpu.wait_dma2 semaphore(%run_scoped3A_88 : memref<!tpu.dma_semaphore, #tpu.memory_space<semaphore_mem>>) src(%arg4 : memref<2048xf32, #tpu.memory_space<hbm>>) dst(%dma_wait3A_98 : memref<2048xf32, #tpu.memory_space<vmem>>)
      tpu.yield
    }) : () -> ()
    %run_scoped3A_52 = arith.constant 1 : i32
    "tpu.region"() ({
      %run_scoped3A_88 = tpu.sem_alloc : memref<!tpu.dma_semaphore, #tpu.memory_space<semaphore_mem>>
      %dma_start3A = arith.constant 0 : i32
      %dma_start3A_89 = tpu.memref_slice %arg7[%run_scoped3A_52, %dma_start3A] : memref<32x2048xf32, #tpu.memory_space<vmem>> -> memref<1x2048xf32, #tpu.memory_space<vmem>>
      %dma_start3A_90 = tpu.memref_squeeze %dma_start3A_89 : memref<1x2048xf32, #tpu.memory_space<vmem>> -> memref<2048xf32, #tpu.memory_space<vmem>>
      %dma_start3A_91 = arith.constant 0 : i32
      %dma_start3A_92 = tpu.memref_slice %arg7[%run_scoped3A_52, %dma_start3A_91] : memref<32x2048xf32, #tpu.memory_space<vmem>> -> memref<1x2048xf32, #tpu.memory_space<vmem>>
      %dma_start3A_93 = tpu.memref_squeeze %dma_start3A_92 : memref<1x2048xf32, #tpu.memory_space<vmem>> -> memref<2048xf32, #tpu.memory_space<vmem>>
      tpu.enqueue_dma source(%arg4 : memref<2048xf32, #tpu.memory_space<hbm>>) target(%dma_start3A_93 : memref<2048xf32, #tpu.memory_space<vmem>>) target_semaphore(%run_scoped3A_88 : memref<!tpu.dma_semaphore, #tpu.memory_space<semaphore_mem>>)
      %dma_wait3A = arith.constant 0 : i32
      %dma_wait3A_94 = tpu.memref_slice %arg7[%run_scoped3A_52, %dma_wait3A] : memref<32x2048xf32, #tpu.memory_space<vmem>> -> memref<1x2048xf32, #tpu.memory_space<vmem>>
      %dma_wait3A_95 = tpu.memref_squeeze %dma_wait3A_94 : memref<1x2048xf32, #tpu.memory_space<vmem>> -> memref<2048xf32, #tpu.memory_space<vmem>>
      %dma_wait3A_96 = arith.constant 0 : i32
      %dma_wait3A_97 = tpu.memref_slice %arg7[%run_scoped3A_52, %dma_wait3A_96] : memref<32x2048xf32, #tpu.memory_space<vmem>> -> memref<1x2048xf32, #tpu.memory_space<vmem>>
      %dma_wait3A_98 = tpu.memref_squeeze %dma_wait3A_97 : memref<1x2048xf32, #tpu.memory_space<vmem>> -> memref<2048xf32, #tpu.memory_space<vmem>>
      tpu.wait_dma2 semaphore(%run_scoped3A_88 : memref<!tpu.dma_semaphore, #tpu.memory_space<semaphore_mem>>) src(%arg4 : memref<2048xf32, #tpu.memory_space<hbm>>) dst(%dma_wait3A_98 : memref<2048xf32, #tpu.memory_space<vmem>>)
      tpu.yield
    }) : () -> ()
    %run_scoped3A_53 = arith.constant 2 : i32
    "tpu.region"() ({
      %run_scoped3A_88 = tpu.sem_alloc : memref<!tpu.dma_semaphore, #tpu.memory_space<semaphore_mem>>
      %dma_start3A = arith.constant 0 : i32
      %dma_start3A_89 = tpu.memref_slice %arg7[%run_scoped3A_53, %dma_start3A] : memref<32x2048xf32, #tpu.memory_space<vmem>> -> memref<1x2048xf32, #tpu.memory_space<vmem>>
      %dma_start3A_90 = tpu.memref_squeeze %dma_start3A_89 : memref<1x2048xf32, #tpu.memory_space<vmem>> -> memref<2048xf32, #tpu.memory_space<vmem>>
      %dma_start3A_91 = arith.constant 0 : i32
      %dma_start3A_92 = tpu.memref_slice %arg7[%run_scoped3A_53, %dma_start3A_91] : memref<32x2048xf32, #tpu.memory_space<vmem>> -> memref<1x2048xf32, #tpu.memory_space<vmem>>
      %dma_start3A_93 = tpu.memref_squeeze %dma_start3A_92 : memref<1x2048xf32, #tpu.memory_space<vmem>> -> memref<2048xf32, #tpu.memory_space<vmem>>
      tpu.enqueue_dma source(%arg4 : memref<2048xf32, #tpu.memory_space<hbm>>) target(%dma_start3A_93 : memref<2048xf32, #tpu.memory_space<vmem>>) target_semaphore(%run_scoped3A_88 : memref<!tpu.dma_semaphore, #tpu.memory_space<semaphore_mem>>)
      %dma_wait3A = arith.constant 0 : i32
      %dma_wait3A_94 = tpu.memref_slice %arg7[%run_scoped3A_53, %dma_wait3A] : memref<32x2048xf32, #tpu.memory_space<vmem>> -> memref<1x2048xf32, #tpu.memory_space<vmem>>
      %dma_wait3A_95 = tpu.memref_squeeze %dma_wait3A_94 : memref<1x2048xf32, #tpu.memory_space<vmem>> -> memref<2048xf32, #tpu.memory_space<vmem>>
      %dma_wait3A_96 = arith.constant 0 : i32
      %dma_wait3A_97 = tpu.memref_slice %arg7[%run_scoped3A_53, %dma_wait3A_96] : memref<32x2048xf32, #tpu.memory_space<vmem>> -> memref<1x2048xf32, #tpu.memory_space<vmem>>
      %dma_wait3A_98 = tpu.memref_squeeze %dma_wait3A_97 : memref<1x2048xf32, #tpu.memory_space<vmem>> -> memref<2048xf32, #tpu.memory_space<vmem>>
      tpu.wait_dma2 semaphore(%run_scoped3A_88 : memref<!tpu.dma_semaphore, #tpu.memory_space<semaphore_mem>>) src(%arg4 : memref<2048xf32, #tpu.memory_space<hbm>>) dst(%dma_wait3A_98 : memref<2048xf32, #tpu.memory_space<vmem>>)
      tpu.yield
    }) : () -> ()
    %run_scoped3A_54 = arith.constant 3 : i32
    "tpu.region"() ({
      %run_scoped3A_88 = tpu.sem_alloc : memref<!tpu.dma_semaphore, #tpu.memory_space<semaphore_mem>>
      %dma_start3A = arith.constant 0 : i32
      %dma_start3A_89 = tpu.memref_slice %arg7[%run_scoped3A_54, %dma_start3A] : memref<32x2048xf32, #tpu.memory_space<vmem>> -> memref<1x2048xf32, #tpu.memory_space<vmem>>
      %dma_start3A_90 = tpu.memref_squeeze %dma_start3A_89 : memref<1x2048xf32, #tpu.memory_space<vmem>> -> memref<2048xf32, #tpu.memory_space<vmem>>
      %dma_start3A_91 = arith.constant 0 : i32
      %dma_start3A_92 = tpu.memref_slice %arg7[%run_scoped3A_54, %dma_start3A_91] : memref<32x2048xf32, #tpu.memory_space<vmem>> -> memref<1x2048xf32, #tpu.memory_space<vmem>>
      %dma_start3A_93 = tpu.memref_squeeze %dma_start3A_92 : memref<1x2048xf32, #tpu.memory_space<vmem>> -> memref<2048xf32, #tpu.memory_space<vmem>>
      tpu.enqueue_dma source(%arg4 : memref<2048xf32, #tpu.memory_space<hbm>>) target(%dma_start3A_93 : memref<2048xf32, #tpu.memory_space<vmem>>) target_semaphore(%run_scoped3A_88 : memref<!tpu.dma_semaphore, #tpu.memory_space<semaphore_mem>>)
      %dma_wait3A = arith.constant 0 : i32
      %dma_wait3A_94 = tpu.memref_slice %arg7[%run_scoped3A_54, %dma_wait3A] : memref<32x2048xf32, #tpu.memory_space<vmem>> -> memref<1x2048xf32, #tpu.memory_space<vmem>>
      %dma_wait3A_95 = tpu.memref_squeeze %dma_wait3A_94 : memref<1x2048xf32, #tpu.memory_space<vmem>> -> memref<2048xf32, #tpu.memory_space<vmem>>
      %dma_wait3A_96 = arith.constant 0 : i32
      %dma_wait3A_97 = tpu.memref_slice %arg7[%run_scoped3A_54, %dma_wait3A_96] : memref<32x2048xf32, #tpu.memory_space<vmem>> -> memref<1x2048xf32, #tpu.memory_space<vmem>>
      %dma_wait3A_98 = tpu.memref_squeeze %dma_wait3A_97 : memref<1x2048xf32, #tpu.memory_space<vmem>> -> memref<2048xf32, #tpu.memory_space<vmem>>
      tpu.wait_dma2 semaphore(%run_scoped3A_88 : memref<!tpu.dma_semaphore, #tpu.memory_space<semaphore_mem>>) src(%arg4 : memref<2048xf32, #tpu.memory_space<hbm>>) dst(%dma_wait3A_98 : memref<2048xf32, #tpu.memory_space<vmem>>)
      tpu.yield
    }) : () -> ()
    %run_scoped3A_55 = arith.constant 4 : i32
    "tpu.region"() ({
      %run_scoped3A_88 = tpu.sem_alloc : memref<!tpu.dma_semaphore, #tpu.memory_space<semaphore_mem>>
      %dma_start3A = arith.constant 0 : i32
      %dma_start3A_89 = tpu.memref_slice %arg7[%run_scoped3A_55, %dma_start3A] : memref<32x2048xf32, #tpu.memory_space<vmem>> -> memref<1x2048xf32, #tpu.memory_space<vmem>>
      %dma_start3A_90 = tpu.memref_squeeze %dma_start3A_89 : memref<1x2048xf32, #tpu.memory_space<vmem>> -> memref<2048xf32, #tpu.memory_space<vmem>>
      %dma_start3A_91 = arith.constant 0 : i32
      %dma_start3A_92 = tpu.memref_slice %arg7[%run_scoped3A_55, %dma_start3A_91] : memref<32x2048xf32, #tpu.memory_space<vmem>> -> memref<1x2048xf32, #tpu.memory_space<vmem>>
      %dma_start3A_93 = tpu.memref_squeeze %dma_start3A_92 : memref<1x2048xf32, #tpu.memory_space<vmem>> -> memref<2048xf32, #tpu.memory_space<vmem>>
      tpu.enqueue_dma source(%arg4 : memref<2048xf32, #tpu.memory_space<hbm>>) target(%dma_start3A_93 : memref<2048xf32, #tpu.memory_space<vmem>>) target_semaphore(%run_scoped3A_88 : memref<!tpu.dma_semaphore, #tpu.memory_space<semaphore_mem>>)
      %dma_wait3A = arith.constant 0 : i32
      %dma_wait3A_94 = tpu.memref_slice %arg7[%run_scoped3A_55, %dma_wait3A] : memref<32x2048xf32, #tpu.memory_space<vmem>> -> memref<1x2048xf32, #tpu.memory_space<vmem>>
      %dma_wait3A_95 = tpu.memref_squeeze %dma_wait3A_94 : memref<1x2048xf32, #tpu.memory_space<vmem>> -> memref<2048xf32, #tpu.memory_space<vmem>>
      %dma_wait3A_96 = arith.constant 0 : i32
      %dma_wait3A_97 = tpu.memref_slice %arg7[%run_scoped3A_55, %dma_wait3A_96] : memref<32x2048xf32, #tpu.memory_space<vmem>> -> memref<1x2048xf32, #tpu.memory_space<vmem>>
      %dma_wait3A_98 = tpu.memref_squeeze %dma_wait3A_97 : memref<1x2048xf32, #tpu.memory_space<vmem>> -> memref<2048xf32, #tpu.memory_space<vmem>>
      tpu.wait_dma2 semaphore(%run_scoped3A_88 : memref<!tpu.dma_semaphore, #tpu.memory_space<semaphore_mem>>) src(%arg4 : memref<2048xf32, #tpu.memory_space<hbm>>) dst(%dma_wait3A_98 : memref<2048xf32, #tpu.memory_space<vmem>>)
      tpu.yield
    }) : () -> ()
    %run_scoped3A_56 = arith.constant 5 : i32
    "tpu.region"() ({
      %run_scoped3A_88 = tpu.sem_alloc : memref<!tpu.dma_semaphore, #tpu.memory_space<semaphore_mem>>
      %dma_start3A = arith.constant 0 : i32
      %dma_start3A_89 = tpu.memref_slice %arg7[%run_scoped3A_56, %dma_start3A] : memref<32x2048xf32, #tpu.memory_space<vmem>> -> memref<1x2048xf32, #tpu.memory_space<vmem>>
      %dma_start3A_90 = tpu.memref_squeeze %dma_start3A_89 : memref<1x2048xf32, #tpu.memory_space<vmem>> -> memref<2048xf32, #tpu.memory_space<vmem>>
      %dma_start3A_91 = arith.constant 0 : i32
      %dma_start3A_92 = tpu.memref_slice %arg7[%run_scoped3A_56, %dma_start3A_91] : memref<32x2048xf32, #tpu.memory_space<vmem>> -> memref<1x2048xf32, #tpu.memory_space<vmem>>
      %dma_start3A_93 = tpu.memref_squeeze %dma_start3A_92 : memref<1x2048xf32, #tpu.memory_space<vmem>> -> memref<2048xf32, #tpu.memory_space<vmem>>
      tpu.enqueue_dma source(%arg4 : memref<2048xf32, #tpu.memory_space<hbm>>) target(%dma_start3A_93 : memref<2048xf32, #tpu.memory_space<vmem>>) target_semaphore(%run_scoped3A_88 : memref<!tpu.dma_semaphore, #tpu.memory_space<semaphore_mem>>)
      %dma_wait3A = arith.constant 0 : i32
      %dma_wait3A_94 = tpu.memref_slice %arg7[%run_scoped3A_56, %dma_wait3A] : memref<32x2048xf32, #tpu.memory_space<vmem>> -> memref<1x2048xf32, #tpu.memory_space<vmem>>
      %dma_wait3A_95 = tpu.memref_squeeze %dma_wait3A_94 : memref<1x2048xf32, #tpu.memory_space<vmem>> -> memref<2048xf32, #tpu.memory_space<vmem>>
      %dma_wait3A_96 = arith.constant 0 : i32
      %dma_wait3A_97 = tpu.memref_slice %arg7[%run_scoped3A_56, %dma_wait3A_96] : memref<32x2048xf32, #tpu.memory_space<vmem>> -> memref<1x2048xf32, #tpu.memory_space<vmem>>
      %dma_wait3A_98 = tpu.memref_squeeze %dma_wait3A_97 : memref<1x2048xf32, #tpu.memory_space<vmem>> -> memref<2048xf32, #tpu.memory_space<vmem>>
      tpu.wait_dma2 semaphore(%run_scoped3A_88 : memref<!tpu.dma_semaphore, #tpu.memory_space<semaphore_mem>>) src(%arg4 : memref<2048xf32, #tpu.memory_space<hbm>>) dst(%dma_wait3A_98 : memref<2048xf32, #tpu.memory_space<vmem>>)
      tpu.yield
    }) : () -> ()
    %run_scoped3A_57 = arith.constant 6 : i32
    "tpu.region"() ({
      %run_scoped3A_88 = tpu.sem_alloc : memref<!tpu.dma_semaphore, #tpu.memory_space<semaphore_mem>>
      %dma_start3A = arith.constant 0 : i32
      %dma_start3A_89 = tpu.memref_slice %arg7[%run_scoped3A_57, %dma_start3A] : memref<32x2048xf32, #tpu.memory_space<vmem>> -> memref<1x2048xf32, #tpu.memory_space<vmem>>
      %dma_start3A_90 = tpu.memref_squeeze %dma_start3A_89 : memref<1x2048xf32, #tpu.memory_space<vmem>> -> memref<2048xf32, #tpu.memory_space<vmem>>
      %dma_start3A_91 = arith.constant 0 : i32
      %dma_start3A_92 = tpu.memref_slice %arg7[%run_scoped3A_57, %dma_start3A_91] : memref<32x2048xf32, #tpu.memory_space<vmem>> -> memref<1x2048xf32, #tpu.memory_space<vmem>>
      %dma_start3A_93 = tpu.memref_squeeze %dma_start3A_92 : memref<1x2048xf32, #tpu.memory_space<vmem>> -> memref<2048xf32, #tpu.memory_space<vmem>>
      tpu.enqueue_dma source(%arg4 : memref<2048xf32, #tpu.memory_space<hbm>>) target(%dma_start3A_93 : memref<2048xf32, #tpu.memory_space<vmem>>) target_semaphore(%run_scoped3A_88 : memref<!tpu.dma_semaphore, #tpu.memory_space<semaphore_mem>>)
      %dma_wait3A = arith.constant 0 : i32
      %dma_wait3A_94 = tpu.memref_slice %arg7[%run_scoped3A_57, %dma_wait3A] : memref<32x2048xf32, #tpu.memory_space<vmem>> -> memref<1x2048xf32, #tpu.memory_space<vmem>>
      %dma_wait3A_95 = tpu.memref_squeeze %dma_wait3A_94 : memref<1x2048xf32, #tpu.memory_space<vmem>> -> memref<2048xf32, #tpu.memory_space<vmem>>
      %dma_wait3A_96 = arith.constant 0 : i32
      %dma_wait3A_97 = tpu.memref_slice %arg7[%run_scoped3A_57, %dma_wait3A_96] : memref<32x2048xf32, #tpu.memory_space<vmem>> -> memref<1x2048xf32, #tpu.memory_space<vmem>>
      %dma_wait3A_98 = tpu.memref_squeeze %dma_wait3A_97 : memref<1x2048xf32, #tpu.memory_space<vmem>> -> memref<2048xf32, #tpu.memory_space<vmem>>
      tpu.wait_dma2 semaphore(%run_scoped3A_88 : memref<!tpu.dma_semaphore, #tpu.memory_space<semaphore_mem>>) src(%arg4 : memref<2048xf32, #tpu.memory_space<hbm>>) dst(%dma_wait3A_98 : memref<2048xf32, #tpu.memory_space<vmem>>)
      tpu.yield
    }) : () -> ()
    %run_scoped3A_58 = arith.constant 7 : i32
    "tpu.region"() ({
      %run_scoped3A_88 = tpu.sem_alloc : memref<!tpu.dma_semaphore, #tpu.memory_space<semaphore_mem>>
      %dma_start3A = arith.constant 0 : i32
      %dma_start3A_89 = tpu.memref_slice %arg7[%run_scoped3A_58, %dma_start3A] : memref<32x2048xf32, #tpu.memory_space<vmem>> -> memref<1x2048xf32, #tpu.memory_space<vmem>>
      %dma_start3A_90 = tpu.memref_squeeze %dma_start3A_89 : memref<1x2048xf32, #tpu.memory_space<vmem>> -> memref<2048xf32, #tpu.memory_space<vmem>>
      %dma_start3A_91 = arith.constant 0 : i32
      %dma_start3A_92 = tpu.memref_slice %arg7[%run_scoped3A_58, %dma_start3A_91] : memref<32x2048xf32, #tpu.memory_space<vmem>> -> memref<1x2048xf32, #tpu.memory_space<vmem>>
      %dma_start3A_93 = tpu.memref_squeeze %dma_start3A_92 : memref<1x2048xf32, #tpu.memory_space<vmem>> -> memref<2048xf32, #tpu.memory_space<vmem>>
      tpu.enqueue_dma source(%arg4 : memref<2048xf32, #tpu.memory_space<hbm>>) target(%dma_start3A_93 : memref<2048xf32, #tpu.memory_space<vmem>>) target_semaphore(%run_scoped3A_88 : memref<!tpu.dma_semaphore, #tpu.memory_space<semaphore_mem>>)
      %dma_wait3A = arith.constant 0 : i32
      %dma_wait3A_94 = tpu.memref_slice %arg7[%run_scoped3A_58, %dma_wait3A] : memref<32x2048xf32, #tpu.memory_space<vmem>> -> memref<1x2048xf32, #tpu.memory_space<vmem>>
      %dma_wait3A_95 = tpu.memref_squeeze %dma_wait3A_94 : memref<1x2048xf32, #tpu.memory_space<vmem>> -> memref<2048xf32, #tpu.memory_space<vmem>>
      %dma_wait3A_96 = arith.constant 0 : i32
      %dma_wait3A_97 = tpu.memref_slice %arg7[%run_scoped3A_58, %dma_wait3A_96] : memref<32x2048xf32, #tpu.memory_space<vmem>> -> memref<1x2048xf32, #tpu.memory_space<vmem>>
      %dma_wait3A_98 = tpu.memref_squeeze %dma_wait3A_97 : memref<1x2048xf32, #tpu.memory_space<vmem>> -> memref<2048xf32, #tpu.memory_space<vmem>>
      tpu.wait_dma2 semaphore(%run_scoped3A_88 : memref<!tpu.dma_semaphore, #tpu.memory_space<semaphore_mem>>) src(%arg4 : memref<2048xf32, #tpu.memory_space<hbm>>) dst(%dma_wait3A_98 : memref<2048xf32, #tpu.memory_space<vmem>>)
      tpu.yield
    }) : () -> ()
    %run_scoped3A_59 = arith.constant 8 : i32
    "tpu.region"() ({
      %run_scoped3A_88 = tpu.sem_alloc : memref<!tpu.dma_semaphore, #tpu.memory_space<semaphore_mem>>
      %dma_start3A = arith.constant 0 : i32
      %dma_start3A_89 = tpu.memref_slice %arg7[%run_scoped3A_59, %dma_start3A] : memref<32x2048xf32, #tpu.memory_space<vmem>> -> memref<1x2048xf32, #tpu.memory_space<vmem>>
      %dma_start3A_90 = tpu.memref_squeeze %dma_start3A_89 : memref<1x2048xf32, #tpu.memory_space<vmem>> -> memref<2048xf32, #tpu.memory_space<vmem>>
      %dma_start3A_91 = arith.constant 0 : i32
      %dma_start3A_92 = tpu.memref_slice %arg7[%run_scoped3A_59, %dma_start3A_91] : memref<32x2048xf32, #tpu.memory_space<vmem>> -> memref<1x2048xf32, #tpu.memory_space<vmem>>
      %dma_start3A_93 = tpu.memref_squeeze %dma_start3A_92 : memref<1x2048xf32, #tpu.memory_space<vmem>> -> memref<2048xf32, #tpu.memory_space<vmem>>
      tpu.enqueue_dma source(%arg4 : memref<2048xf32, #tpu.memory_space<hbm>>) target(%dma_start3A_93 : memref<2048xf32, #tpu.memory_space<vmem>>) target_semaphore(%run_scoped3A_88 : memref<!tpu.dma_semaphore, #tpu.memory_space<semaphore_mem>>)
      %dma_wait3A = arith.constant 0 : i32
      %dma_wait3A_94 = tpu.memref_slice %arg7[%run_scoped3A_59, %dma_wait3A] : memref<32x2048xf32, #tpu.memory_space<vmem>> -> memref<1x2048xf32, #tpu.memory_space<vmem>>
      %dma_wait3A_95 = tpu.memref_squeeze %dma_wait3A_94 : memref<1x2048xf32, #tpu.memory_space<vmem>> -> memref<2048xf32, #tpu.memory_space<vmem>>
      %dma_wait3A_96 = arith.constant 0 : i32
      %dma_wait3A_97 = tpu.memref_slice %arg7[%run_scoped3A_59, %dma_wait3A_96] : memref<32x2048xf32, #tpu.memory_space<vmem>> -> memref<1x2048xf32, #tpu.memory_space<vmem>>
      %dma_wait3A_98 = tpu.memref_squeeze %dma_wait3A_97 : memref<1x2048xf32, #tpu.memory_space<vmem>> -> memref<2048xf32, #tpu.memory_space<vmem>>
      tpu.wait_dma2 semaphore(%run_scoped3A_88 : memref<!tpu.dma_semaphore, #tpu.memory_space<semaphore_mem>>) src(%arg4 : memref<2048xf32, #tpu.memory_space<hbm>>) dst(%dma_wait3A_98 : memref<2048xf32, #tpu.memory_space<vmem>>)
      tpu.yield
    }) : () -> ()
    %run_scoped3A_60 = arith.constant 9 : i32
    "tpu.region"() ({
      %run_scoped3A_88 = tpu.sem_alloc : memref<!tpu.dma_semaphore, #tpu.memory_space<semaphore_mem>>
      %dma_start3A = arith.constant 0 : i32
      %dma_start3A_89 = tpu.memref_slice %arg7[%run_scoped3A_60, %dma_start3A] : memref<32x2048xf32, #tpu.memory_space<vmem>> -> memref<1x2048xf32, #tpu.memory_space<vmem>>
      %dma_start3A_90 = tpu.memref_squeeze %dma_start3A_89 : memref<1x2048xf32, #tpu.memory_space<vmem>> -> memref<2048xf32, #tpu.memory_space<vmem>>
      %dma_start3A_91 = arith.constant 0 : i32
      %dma_start3A_92 = tpu.memref_slice %arg7[%run_scoped3A_60, %dma_start3A_91] : memref<32x2048xf32, #tpu.memory_space<vmem>> -> memref<1x2048xf32, #tpu.memory_space<vmem>>
      %dma_start3A_93 = tpu.memref_squeeze %dma_start3A_92 : memref<1x2048xf32, #tpu.memory_space<vmem>> -> memref<2048xf32, #tpu.memory_space<vmem>>
      tpu.enqueue_dma source(%arg4 : memref<2048xf32, #tpu.memory_space<hbm>>) target(%dma_start3A_93 : memref<2048xf32, #tpu.memory_space<vmem>>) target_semaphore(%run_scoped3A_88 : memref<!tpu.dma_semaphore, #tpu.memory_space<semaphore_mem>>)
      %dma_wait3A = arith.constant 0 : i32
      %dma_wait3A_94 = tpu.memref_slice %arg7[%run_scoped3A_60, %dma_wait3A] : memref<32x2048xf32, #tpu.memory_space<vmem>> -> memref<1x2048xf32, #tpu.memory_space<vmem>>
      %dma_wait3A_95 = tpu.memref_squeeze %dma_wait3A_94 : memref<1x2048xf32, #tpu.memory_space<vmem>> -> memref<2048xf32, #tpu.memory_space<vmem>>
      %dma_wait3A_96 = arith.constant 0 : i32
      %dma_wait3A_97 = tpu.memref_slice %arg7[%run_scoped3A_60, %dma_wait3A_96] : memref<32x2048xf32, #tpu.memory_space<vmem>> -> memref<1x2048xf32, #tpu.memory_space<vmem>>
      %dma_wait3A_98 = tpu.memref_squeeze %dma_wait3A_97 : memref<1x2048xf32, #tpu.memory_space<vmem>> -> memref<2048xf32, #tpu.memory_space<vmem>>
      tpu.wait_dma2 semaphore(%run_scoped3A_88 : memref<!tpu.dma_semaphore, #tpu.memory_space<semaphore_mem>>) src(%arg4 : memref<2048xf32, #tpu.memory_space<hbm>>) dst(%dma_wait3A_98 : memref<2048xf32, #tpu.memory_space<vmem>>)
      tpu.yield
    }) : () -> ()
    %run_scoped3A_61 = arith.constant 10 : i32
    "tpu.region"() ({
      %run_scoped3A_88 = tpu.sem_alloc : memref<!tpu.dma_semaphore, #tpu.memory_space<semaphore_mem>>
      %dma_start3A = arith.constant 0 : i32
      %dma_start3A_89 = tpu.memref_slice %arg7[%run_scoped3A_61, %dma_start3A] : memref<32x2048xf32, #tpu.memory_space<vmem>> -> memref<1x2048xf32, #tpu.memory_space<vmem>>
      %dma_start3A_90 = tpu.memref_squeeze %dma_start3A_89 : memref<1x2048xf32, #tpu.memory_space<vmem>> -> memref<2048xf32, #tpu.memory_space<vmem>>
      %dma_start3A_91 = arith.constant 0 : i32
      %dma_start3A_92 = tpu.memref_slice %arg7[%run_scoped3A_61, %dma_start3A_91] : memref<32x2048xf32, #tpu.memory_space<vmem>> -> memref<1x2048xf32, #tpu.memory_space<vmem>>
      %dma_start3A_93 = tpu.memref_squeeze %dma_start3A_92 : memref<1x2048xf32, #tpu.memory_space<vmem>> -> memref<2048xf32, #tpu.memory_space<vmem>>
      tpu.enqueue_dma source(%arg4 : memref<2048xf32, #tpu.memory_space<hbm>>) target(%dma_start3A_93 : memref<2048xf32, #tpu.memory_space<vmem>>) target_semaphore(%run_scoped3A_88 : memref<!tpu.dma_semaphore, #tpu.memory_space<semaphore_mem>>)
      %dma_wait3A = arith.constant 0 : i32
      %dma_wait3A_94 = tpu.memref_slice %arg7[%run_scoped3A_61, %dma_wait3A] : memref<32x2048xf32, #tpu.memory_space<vmem>> -> memref<1x2048xf32, #tpu.memory_space<vmem>>
      %dma_wait3A_95 = tpu.memref_squeeze %dma_wait3A_94 : memref<1x2048xf32, #tpu.memory_space<vmem>> -> memref<2048xf32, #tpu.memory_space<vmem>>
      %dma_wait3A_96 = arith.constant 0 : i32
      %dma_wait3A_97 = tpu.memref_slice %arg7[%run_scoped3A_61, %dma_wait3A_96] : memref<32x2048xf32, #tpu.memory_space<vmem>> -> memref<1x2048xf32, #tpu.memory_space<vmem>>
      %dma_wait3A_98 = tpu.memref_squeeze %dma_wait3A_97 : memref<1x2048xf32, #tpu.memory_space<vmem>> -> memref<2048xf32, #tpu.memory_space<vmem>>
      tpu.wait_dma2 semaphore(%run_scoped3A_88 : memref<!tpu.dma_semaphore, #tpu.memory_space<semaphore_mem>>) src(%arg4 : memref<2048xf32, #tpu.memory_space<hbm>>) dst(%dma_wait3A_98 : memref<2048xf32, #tpu.memory_space<vmem>>)
      tpu.yield
    }) : () -> ()
    %run_scoped3A_62 = arith.constant 11 : i32
    "tpu.region"() ({
      %run_scoped3A_88 = tpu.sem_alloc : memref<!tpu.dma_semaphore, #tpu.memory_space<semaphore_mem>>
      %dma_start3A = arith.constant 0 : i32
      %dma_start3A_89 = tpu.memref_slice %arg7[%run_scoped3A_62, %dma_start3A] : memref<32x2048xf32, #tpu.memory_space<vmem>> -> memref<1x2048xf32, #tpu.memory_space<vmem>>
      %dma_start3A_90 = tpu.memref_squeeze %dma_start3A_89 : memref<1x2048xf32, #tpu.memory_space<vmem>> -> memref<2048xf32, #tpu.memory_space<vmem>>
      %dma_start3A_91 = arith.constant 0 : i32
      %dma_start3A_92 = tpu.memref_slice %arg7[%run_scoped3A_62, %dma_start3A_91] : memref<32x2048xf32, #tpu.memory_space<vmem>> -> memref<1x2048xf32, #tpu.memory_space<vmem>>
      %dma_start3A_93 = tpu.memref_squeeze %dma_start3A_92 : memref<1x2048xf32, #tpu.memory_space<vmem>> -> memref<2048xf32, #tpu.memory_space<vmem>>
      tpu.enqueue_dma source(%arg4 : memref<2048xf32, #tpu.memory_space<hbm>>) target(%dma_start3A_93 : memref<2048xf32, #tpu.memory_space<vmem>>) target_semaphore(%run_scoped3A_88 : memref<!tpu.dma_semaphore, #tpu.memory_space<semaphore_mem>>)
      %dma_wait3A = arith.constant 0 : i32
      %dma_wait3A_94 = tpu.memref_slice %arg7[%run_scoped3A_62, %dma_wait3A] : memref<32x2048xf32, #tpu.memory_space<vmem>> -> memref<1x2048xf32, #tpu.memory_space<vmem>>
      %dma_wait3A_95 = tpu.memref_squeeze %dma_wait3A_94 : memref<1x2048xf32, #tpu.memory_space<vmem>> -> memref<2048xf32, #tpu.memory_space<vmem>>
      %dma_wait3A_96 = arith.constant 0 : i32
      %dma_wait3A_97 = tpu.memref_slice %arg7[%run_scoped3A_62, %dma_wait3A_96] : memref<32x2048xf32, #tpu.memory_space<vmem>> -> memref<1x2048xf32, #tpu.memory_space<vmem>>
      %dma_wait3A_98 = tpu.memref_squeeze %dma_wait3A_97 : memref<1x2048xf32, #tpu.memory_space<vmem>> -> memref<2048xf32, #tpu.memory_space<vmem>>
      tpu.wait_dma2 semaphore(%run_scoped3A_88 : memref<!tpu.dma_semaphore, #tpu.memory_space<semaphore_mem>>) src(%arg4 : memref<2048xf32, #tpu.memory_space<hbm>>) dst(%dma_wait3A_98 : memref<2048xf32, #tpu.memory_space<vmem>>)
      tpu.yield
    }) : () -> ()
    %run_scoped3A_63 = arith.constant 12 : i32
    "tpu.region"() ({
      %run_scoped3A_88 = tpu.sem_alloc : memref<!tpu.dma_semaphore, #tpu.memory_space<semaphore_mem>>
      %dma_start3A = arith.constant 0 : i32
      %dma_start3A_89 = tpu.memref_slice %arg7[%run_scoped3A_63, %dma_start3A] : memref<32x2048xf32, #tpu.memory_space<vmem>> -> memref<1x2048xf32, #tpu.memory_space<vmem>>
      %dma_start3A_90 = tpu.memref_squeeze %dma_start3A_89 : memref<1x2048xf32, #tpu.memory_space<vmem>> -> memref<2048xf32, #tpu.memory_space<vmem>>
      %dma_start3A_91 = arith.constant 0 : i32
      %dma_start3A_92 = tpu.memref_slice %arg7[%run_scoped3A_63, %dma_start3A_91] : memref<32x2048xf32, #tpu.memory_space<vmem>> -> memref<1x2048xf32, #tpu.memory_space<vmem>>
      %dma_start3A_93 = tpu.memref_squeeze %dma_start3A_92 : memref<1x2048xf32, #tpu.memory_space<vmem>> -> memref<2048xf32, #tpu.memory_space<vmem>>
      tpu.enqueue_dma source(%arg4 : memref<2048xf32, #tpu.memory_space<hbm>>) target(%dma_start3A_93 : memref<2048xf32, #tpu.memory_space<vmem>>) target_semaphore(%run_scoped3A_88 : memref<!tpu.dma_semaphore, #tpu.memory_space<semaphore_mem>>)
      %dma_wait3A = arith.constant 0 : i32
      %dma_wait3A_94 = tpu.memref_slice %arg7[%run_scoped3A_63, %dma_wait3A] : memref<32x2048xf32, #tpu.memory_space<vmem>> -> memref<1x2048xf32, #tpu.memory_space<vmem>>
      %dma_wait3A_95 = tpu.memref_squeeze %dma_wait3A_94 : memref<1x2048xf32, #tpu.memory_space<vmem>> -> memref<2048xf32, #tpu.memory_space<vmem>>
      %dma_wait3A_96 = arith.constant 0 : i32
      %dma_wait3A_97 = tpu.memref_slice %arg7[%run_scoped3A_63, %dma_wait3A_96] : memref<32x2048xf32, #tpu.memory_space<vmem>> -> memref<1x2048xf32, #tpu.memory_space<vmem>>
      %dma_wait3A_98 = tpu.memref_squeeze %dma_wait3A_97 : memref<1x2048xf32, #tpu.memory_space<vmem>> -> memref<2048xf32, #tpu.memory_space<vmem>>
      tpu.wait_dma2 semaphore(%run_scoped3A_88 : memref<!tpu.dma_semaphore, #tpu.memory_space<semaphore_mem>>) src(%arg4 : memref<2048xf32, #tpu.memory_space<hbm>>) dst(%dma_wait3A_98 : memref<2048xf32, #tpu.memory_space<vmem>>)
      tpu.yield
    }) : () -> ()
    %run_scoped3A_64 = arith.constant 13 : i32
    "tpu.region"() ({
      %run_scoped3A_88 = tpu.sem_alloc : memref<!tpu.dma_semaphore, #tpu.memory_space<semaphore_mem>>
      %dma_start3A = arith.constant 0 : i32
      %dma_start3A_89 = tpu.memref_slice %arg7[%run_scoped3A_64, %dma_start3A] : memref<32x2048xf32, #tpu.memory_space<vmem>> -> memref<1x2048xf32, #tpu.memory_space<vmem>>
      %dma_start3A_90 = tpu.memref_squeeze %dma_start3A_89 : memref<1x2048xf32, #tpu.memory_space<vmem>> -> memref<2048xf32, #tpu.memory_space<vmem>>
      %dma_start3A_91 = arith.constant 0 : i32
      %dma_start3A_92 = tpu.memref_slice %arg7[%run_scoped3A_64, %dma_start3A_91] : memref<32x2048xf32, #tpu.memory_space<vmem>> -> memref<1x2048xf32, #tpu.memory_space<vmem>>
      %dma_start3A_93 = tpu.memref_squeeze %dma_start3A_92 : memref<1x2048xf32, #tpu.memory_space<vmem>> -> memref<2048xf32, #tpu.memory_space<vmem>>
      tpu.enqueue_dma source(%arg4 : memref<2048xf32, #tpu.memory_space<hbm>>) target(%dma_start3A_93 : memref<2048xf32, #tpu.memory_space<vmem>>) target_semaphore(%run_scoped3A_88 : memref<!tpu.dma_semaphore, #tpu.memory_space<semaphore_mem>>)
      %dma_wait3A = arith.constant 0 : i32
      %dma_wait3A_94 = tpu.memref_slice %arg7[%run_scoped3A_64, %dma_wait3A] : memref<32x2048xf32, #tpu.memory_space<vmem>> -> memref<1x2048xf32, #tpu.memory_space<vmem>>
      %dma_wait3A_95 = tpu.memref_squeeze %dma_wait3A_94 : memref<1x2048xf32, #tpu.memory_space<vmem>> -> memref<2048xf32, #tpu.memory_space<vmem>>
      %dma_wait3A_96 = arith.constant 0 : i32
      %dma_wait3A_97 = tpu.memref_slice %arg7[%run_scoped3A_64, %dma_wait3A_96] : memref<32x2048xf32, #tpu.memory_space<vmem>> -> memref<1x2048xf32, #tpu.memory_space<vmem>>
      %dma_wait3A_98 = tpu.memref_squeeze %dma_wait3A_97 : memref<1x2048xf32, #tpu.memory_space<vmem>> -> memref<2048xf32, #tpu.memory_space<vmem>>
      tpu.wait_dma2 semaphore(%run_scoped3A_88 : memref<!tpu.dma_semaphore, #tpu.memory_space<semaphore_mem>>) src(%arg4 : memref<2048xf32, #tpu.memory_space<hbm>>) dst(%dma_wait3A_98 : memref<2048xf32, #tpu.memory_space<vmem>>)
      tpu.yield
    }) : () -> ()
    %run_scoped3A_65 = arith.constant 14 : i32
    "tpu.region"() ({
      %run_scoped3A_88 = tpu.sem_alloc : memref<!tpu.dma_semaphore, #tpu.memory_space<semaphore_mem>>
      %dma_start3A = arith.constant 0 : i32
      %dma_start3A_89 = tpu.memref_slice %arg7[%run_scoped3A_65, %dma_start3A] : memref<32x2048xf32, #tpu.memory_space<vmem>> -> memref<1x2048xf32, #tpu.memory_space<vmem>>
      %dma_start3A_90 = tpu.memref_squeeze %dma_start3A_89 : memref<1x2048xf32, #tpu.memory_space<vmem>> -> memref<2048xf32, #tpu.memory_space<vmem>>
      %dma_start3A_91 = arith.constant 0 : i32
      %dma_start3A_92 = tpu.memref_slice %arg7[%run_scoped3A_65, %dma_start3A_91] : memref<32x2048xf32, #tpu.memory_space<vmem>> -> memref<1x2048xf32, #tpu.memory_space<vmem>>
      %dma_start3A_93 = tpu.memref_squeeze %dma_start3A_92 : memref<1x2048xf32, #tpu.memory_space<vmem>> -> memref<2048xf32, #tpu.memory_space<vmem>>
      tpu.enqueue_dma source(%arg4 : memref<2048xf32, #tpu.memory_space<hbm>>) target(%dma_start3A_93 : memref<2048xf32, #tpu.memory_space<vmem>>) target_semaphore(%run_scoped3A_88 : memref<!tpu.dma_semaphore, #tpu.memory_space<semaphore_mem>>)
      %dma_wait3A = arith.constant 0 : i32
      %dma_wait3A_94 = tpu.memref_slice %arg7[%run_scoped3A_65, %dma_wait3A] : memref<32x2048xf32, #tpu.memory_space<vmem>> -> memref<1x2048xf32, #tpu.memory_space<vmem>>
      %dma_wait3A_95 = tpu.memref_squeeze %dma_wait3A_94 : memref<1x2048xf32, #tpu.memory_space<vmem>> -> memref<2048xf32, #tpu.memory_space<vmem>>
      %dma_wait3A_96 = arith.constant 0 : i32
      %dma_wait3A_97 = tpu.memref_slice %arg7[%run_scoped3A_65, %dma_wait3A_96] : memref<32x2048xf32, #tpu.memory_space<vmem>> -> memref<1x2048xf32, #tpu.memory_space<vmem>>
      %dma_wait3A_98 = tpu.memref_squeeze %dma_wait3A_97 : memref<1x2048xf32, #tpu.memory_space<vmem>> -> memref<2048xf32, #tpu.memory_space<vmem>>
      tpu.wait_dma2 semaphore(%run_scoped3A_88 : memref<!tpu.dma_semaphore, #tpu.memory_space<semaphore_mem>>) src(%arg4 : memref<2048xf32, #tpu.memory_space<hbm>>) dst(%dma_wait3A_98 : memref<2048xf32, #tpu.memory_space<vmem>>)
      tpu.yield
    }) : () -> ()
    %run_scoped3A_66 = arith.constant 15 : i32
    "tpu.region"() ({
      %run_scoped3A_88 = tpu.sem_alloc : memref<!tpu.dma_semaphore, #tpu.memory_space<semaphore_mem>>
      %dma_start3A = arith.constant 0 : i32
      %dma_start3A_89 = tpu.memref_slice %arg7[%run_scoped3A_66, %dma_start3A] : memref<32x2048xf32, #tpu.memory_space<vmem>> -> memref<1x2048xf32, #tpu.memory_space<vmem>>
      %dma_start3A_90 = tpu.memref_squeeze %dma_start3A_89 : memref<1x2048xf32, #tpu.memory_space<vmem>> -> memref<2048xf32, #tpu.memory_space<vmem>>
      %dma_start3A_91 = arith.constant 0 : i32
      %dma_start3A_92 = tpu.memref_slice %arg7[%run_scoped3A_66, %dma_start3A_91] : memref<32x2048xf32, #tpu.memory_space<vmem>> -> memref<1x2048xf32, #tpu.memory_space<vmem>>
      %dma_start3A_93 = tpu.memref_squeeze %dma_start3A_92 : memref<1x2048xf32, #tpu.memory_space<vmem>> -> memref<2048xf32, #tpu.memory_space<vmem>>
      tpu.enqueue_dma source(%arg4 : memref<2048xf32, #tpu.memory_space<hbm>>) target(%dma_start3A_93 : memref<2048xf32, #tpu.memory_space<vmem>>) target_semaphore(%run_scoped3A_88 : memref<!tpu.dma_semaphore, #tpu.memory_space<semaphore_mem>>)
      %dma_wait3A = arith.constant 0 : i32
      %dma_wait3A_94 = tpu.memref_slice %arg7[%run_scoped3A_66, %dma_wait3A] : memref<32x2048xf32, #tpu.memory_space<vmem>> -> memref<1x2048xf32, #tpu.memory_space<vmem>>
      %dma_wait3A_95 = tpu.memref_squeeze %dma_wait3A_94 : memref<1x2048xf32, #tpu.memory_space<vmem>> -> memref<2048xf32, #tpu.memory_space<vmem>>
      %dma_wait3A_96 = arith.constant 0 : i32
      %dma_wait3A_97 = tpu.memref_slice %arg7[%run_scoped3A_66, %dma_wait3A_96] : memref<32x2048xf32, #tpu.memory_space<vmem>> -> memref<1x2048xf32, #tpu.memory_space<vmem>>
      %dma_wait3A_98 = tpu.memref_squeeze %dma_wait3A_97 : memref<1x2048xf32, #tpu.memory_space<vmem>> -> memref<2048xf32, #tpu.memory_space<vmem>>
      tpu.wait_dma2 semaphore(%run_scoped3A_88 : memref<!tpu.dma_semaphore, #tpu.memory_space<semaphore_mem>>) src(%arg4 : memref<2048xf32, #tpu.memory_space<hbm>>) dst(%dma_wait3A_98 : memref<2048xf32, #tpu.memory_space<vmem>>)
      tpu.yield
    }) : () -> ()
    %run_scoped3A_67 = arith.constant 16 : i32
    "tpu.region"() ({
      %run_scoped3A_88 = tpu.sem_alloc : memref<!tpu.dma_semaphore, #tpu.memory_space<semaphore_mem>>
      %dma_start3A = arith.constant 0 : i32
      %dma_start3A_89 = tpu.memref_slice %arg7[%run_scoped3A_67, %dma_start3A] : memref<32x2048xf32, #tpu.memory_space<vmem>> -> memref<1x2048xf32, #tpu.memory_space<vmem>>
      %dma_start3A_90 = tpu.memref_squeeze %dma_start3A_89 : memref<1x2048xf32, #tpu.memory_space<vmem>> -> memref<2048xf32, #tpu.memory_space<vmem>>
      %dma_start3A_91 = arith.constant 0 : i32
      %dma_start3A_92 = tpu.memref_slice %arg7[%run_scoped3A_67, %dma_start3A_91] : memref<32x2048xf32, #tpu.memory_space<vmem>> -> memref<1x2048xf32, #tpu.memory_space<vmem>>
      %dma_start3A_93 = tpu.memref_squeeze %dma_start3A_92 : memref<1x2048xf32, #tpu.memory_space<vmem>> -> memref<2048xf32, #tpu.memory_space<vmem>>
      tpu.enqueue_dma source(%arg4 : memref<2048xf32, #tpu.memory_space<hbm>>) target(%dma_start3A_93 : memref<2048xf32, #tpu.memory_space<vmem>>) target_semaphore(%run_scoped3A_88 : memref<!tpu.dma_semaphore, #tpu.memory_space<semaphore_mem>>)
      %dma_wait3A = arith.constant 0 : i32
      %dma_wait3A_94 = tpu.memref_slice %arg7[%run_scoped3A_67, %dma_wait3A] : memref<32x2048xf32, #tpu.memory_space<vmem>> -> memref<1x2048xf32, #tpu.memory_space<vmem>>
      %dma_wait3A_95 = tpu.memref_squeeze %dma_wait3A_94 : memref<1x2048xf32, #tpu.memory_space<vmem>> -> memref<2048xf32, #tpu.memory_space<vmem>>
      %dma_wait3A_96 = arith.constant 0 : i32
      %dma_wait3A_97 = tpu.memref_slice %arg7[%run_scoped3A_67, %dma_wait3A_96] : memref<32x2048xf32, #tpu.memory_space<vmem>> -> memref<1x2048xf32, #tpu.memory_space<vmem>>
      %dma_wait3A_98 = tpu.memref_squeeze %dma_wait3A_97 : memref<1x2048xf32, #tpu.memory_space<vmem>> -> memref<2048xf32, #tpu.memory_space<vmem>>
      tpu.wait_dma2 semaphore(%run_scoped3A_88 : memref<!tpu.dma_semaphore, #tpu.memory_space<semaphore_mem>>) src(%arg4 : memref<2048xf32, #tpu.memory_space<hbm>>) dst(%dma_wait3A_98 : memref<2048xf32, #tpu.memory_space<vmem>>)
      tpu.yield
    }) : () -> ()
    %run_scoped3A_68 = arith.constant 17 : i32
    "tpu.region"() ({
      %run_scoped3A_88 = tpu.sem_alloc : memref<!tpu.dma_semaphore, #tpu.memory_space<semaphore_mem>>
      %dma_start3A = arith.constant 0 : i32
      %dma_start3A_89 = tpu.memref_slice %arg7[%run_scoped3A_68, %dma_start3A] : memref<32x2048xf32, #tpu.memory_space<vmem>> -> memref<1x2048xf32, #tpu.memory_space<vmem>>
      %dma_start3A_90 = tpu.memref_squeeze %dma_start3A_89 : memref<1x2048xf32, #tpu.memory_space<vmem>> -> memref<2048xf32, #tpu.memory_space<vmem>>
      %dma_start3A_91 = arith.constant 0 : i32
      %dma_start3A_92 = tpu.memref_slice %arg7[%run_scoped3A_68, %dma_start3A_91] : memref<32x2048xf32, #tpu.memory_space<vmem>> -> memref<1x2048xf32, #tpu.memory_space<vmem>>
      %dma_start3A_93 = tpu.memref_squeeze %dma_start3A_92 : memref<1x2048xf32, #tpu.memory_space<vmem>> -> memref<2048xf32, #tpu.memory_space<vmem>>
      tpu.enqueue_dma source(%arg4 : memref<2048xf32, #tpu.memory_space<hbm>>) target(%dma_start3A_93 : memref<2048xf32, #tpu.memory_space<vmem>>) target_semaphore(%run_scoped3A_88 : memref<!tpu.dma_semaphore, #tpu.memory_space<semaphore_mem>>)
      %dma_wait3A = arith.constant 0 : i32
      %dma_wait3A_94 = tpu.memref_slice %arg7[%run_scoped3A_68, %dma_wait3A] : memref<32x2048xf32, #tpu.memory_space<vmem>> -> memref<1x2048xf32, #tpu.memory_space<vmem>>
      %dma_wait3A_95 = tpu.memref_squeeze %dma_wait3A_94 : memref<1x2048xf32, #tpu.memory_space<vmem>> -> memref<2048xf32, #tpu.memory_space<vmem>>
      %dma_wait3A_96 = arith.constant 0 : i32
      %dma_wait3A_97 = tpu.memref_slice %arg7[%run_scoped3A_68, %dma_wait3A_96] : memref<32x2048xf32, #tpu.memory_space<vmem>> -> memref<1x2048xf32, #tpu.memory_space<vmem>>
      %dma_wait3A_98 = tpu.memref_squeeze %dma_wait3A_97 : memref<1x2048xf32, #tpu.memory_space<vmem>> -> memref<2048xf32, #tpu.memory_space<vmem>>
      tpu.wait_dma2 semaphore(%run_scoped3A_88 : memref<!tpu.dma_semaphore, #tpu.memory_space<semaphore_mem>>) src(%arg4 : memref<2048xf32, #tpu.memory_space<hbm>>) dst(%dma_wait3A_98 : memref<2048xf32, #tpu.memory_space<vmem>>)
      tpu.yield
    }) : () -> ()
    %run_scoped3A_69 = arith.constant 18 : i32
    "tpu.region"() ({
      %run_scoped3A_88 = tpu.sem_alloc : memref<!tpu.dma_semaphore, #tpu.memory_space<semaphore_mem>>
      %dma_start3A = arith.constant 0 : i32
      %dma_start3A_89 = tpu.memref_slice %arg7[%run_scoped3A_69, %dma_start3A] : memref<32x2048xf32, #tpu.memory_space<vmem>> -> memref<1x2048xf32, #tpu.memory_space<vmem>>
      %dma_start3A_90 = tpu.memref_squeeze %dma_start3A_89 : memref<1x2048xf32, #tpu.memory_space<vmem>> -> memref<2048xf32, #tpu.memory_space<vmem>>
      %dma_start3A_91 = arith.constant 0 : i32
      %dma_start3A_92 = tpu.memref_slice %arg7[%run_scoped3A_69, %dma_start3A_91] : memref<32x2048xf32, #tpu.memory_space<vmem>> -> memref<1x2048xf32, #tpu.memory_space<vmem>>
      %dma_start3A_93 = tpu.memref_squeeze %dma_start3A_92 : memref<1x2048xf32, #tpu.memory_space<vmem>> -> memref<2048xf32, #tpu.memory_space<vmem>>
      tpu.enqueue_dma source(%arg4 : memref<2048xf32, #tpu.memory_space<hbm>>) target(%dma_start3A_93 : memref<2048xf32, #tpu.memory_space<vmem>>) target_semaphore(%run_scoped3A_88 : memref<!tpu.dma_semaphore, #tpu.memory_space<semaphore_mem>>)
      %dma_wait3A = arith.constant 0 : i32
      %dma_wait3A_94 = tpu.memref_slice %arg7[%run_scoped3A_69, %dma_wait3A] : memref<32x2048xf32, #tpu.memory_space<vmem>> -> memref<1x2048xf32, #tpu.memory_space<vmem>>
      %dma_wait3A_95 = tpu.memref_squeeze %dma_wait3A_94 : memref<1x2048xf32, #tpu.memory_space<vmem>> -> memref<2048xf32, #tpu.memory_space<vmem>>
      %dma_wait3A_96 = arith.constant 0 : i32
      %dma_wait3A_97 = tpu.memref_slice %arg7[%run_scoped3A_69, %dma_wait3A_96] : memref<32x2048xf32, #tpu.memory_space<vmem>> -> memref<1x2048xf32, #tpu.memory_space<vmem>>
      %dma_wait3A_98 = tpu.memref_squeeze %dma_wait3A_97 : memref<1x2048xf32, #tpu.memory_space<vmem>> -> memref<2048xf32, #tpu.memory_space<vmem>>
      tpu.wait_dma2 semaphore(%run_scoped3A_88 : memref<!tpu.dma_semaphore, #tpu.memory_space<semaphore_mem>>) src(%arg4 : memref<2048xf32, #tpu.memory_space<hbm>>) dst(%dma_wait3A_98 : memref<2048xf32, #tpu.memory_space<vmem>>)
      tpu.yield
    }) : () -> ()
    %run_scoped3A_70 = arith.constant 19 : i32
    "tpu.region"() ({
      %run_scoped3A_88 = tpu.sem_alloc : memref<!tpu.dma_semaphore, #tpu.memory_space<semaphore_mem>>
      %dma_start3A = arith.constant 0 : i32
      %dma_start3A_89 = tpu.memref_slice %arg7[%run_scoped3A_70, %dma_start3A] : memref<32x2048xf32, #tpu.memory_space<vmem>> -> memref<1x2048xf32, #tpu.memory_space<vmem>>
      %dma_start3A_90 = tpu.memref_squeeze %dma_start3A_89 : memref<1x2048xf32, #tpu.memory_space<vmem>> -> memref<2048xf32, #tpu.memory_space<vmem>>
      %dma_start3A_91 = arith.constant 0 : i32
      %dma_start3A_92 = tpu.memref_slice %arg7[%run_scoped3A_70, %dma_start3A_91] : memref<32x2048xf32, #tpu.memory_space<vmem>> -> memref<1x2048xf32, #tpu.memory_space<vmem>>
      %dma_start3A_93 = tpu.memref_squeeze %dma_start3A_92 : memref<1x2048xf32, #tpu.memory_space<vmem>> -> memref<2048xf32, #tpu.memory_space<vmem>>
      tpu.enqueue_dma source(%arg4 : memref<2048xf32, #tpu.memory_space<hbm>>) target(%dma_start3A_93 : memref<2048xf32, #tpu.memory_space<vmem>>) target_semaphore(%run_scoped3A_88 : memref<!tpu.dma_semaphore, #tpu.memory_space<semaphore_mem>>)
      %dma_wait3A = arith.constant 0 : i32
      %dma_wait3A_94 = tpu.memref_slice %arg7[%run_scoped3A_70, %dma_wait3A] : memref<32x2048xf32, #tpu.memory_space<vmem>> -> memref<1x2048xf32, #tpu.memory_space<vmem>>
      %dma_wait3A_95 = tpu.memref_squeeze %dma_wait3A_94 : memref<1x2048xf32, #tpu.memory_space<vmem>> -> memref<2048xf32, #tpu.memory_space<vmem>>
      %dma_wait3A_96 = arith.constant 0 : i32
      %dma_wait3A_97 = tpu.memref_slice %arg7[%run_scoped3A_70, %dma_wait3A_96] : memref<32x2048xf32, #tpu.memory_space<vmem>> -> memref<1x2048xf32, #tpu.memory_space<vmem>>
      %dma_wait3A_98 = tpu.memref_squeeze %dma_wait3A_97 : memref<1x2048xf32, #tpu.memory_space<vmem>> -> memref<2048xf32, #tpu.memory_space<vmem>>
      tpu.wait_dma2 semaphore(%run_scoped3A_88 : memref<!tpu.dma_semaphore, #tpu.memory_space<semaphore_mem>>) src(%arg4 : memref<2048xf32, #tpu.memory_space<hbm>>) dst(%dma_wait3A_98 : memref<2048xf32, #tpu.memory_space<vmem>>)
      tpu.yield
    }) : () -> ()
    %run_scoped3A_71 = arith.constant 20 : i32
    "tpu.region"() ({
      %run_scoped3A_88 = tpu.sem_alloc : memref<!tpu.dma_semaphore, #tpu.memory_space<semaphore_mem>>
      %dma_start3A = arith.constant 0 : i32
      %dma_start3A_89 = tpu.memref_slice %arg7[%run_scoped3A_71, %dma_start3A] : memref<32x2048xf32, #tpu.memory_space<vmem>> -> memref<1x2048xf32, #tpu.memory_space<vmem>>
      %dma_start3A_90 = tpu.memref_squeeze %dma_start3A_89 : memref<1x2048xf32, #tpu.memory_space<vmem>> -> memref<2048xf32, #tpu.memory_space<vmem>>
      %dma_start3A_91 = arith.constant 0 : i32
      %dma_start3A_92 = tpu.memref_slice %arg7[%run_scoped3A_71, %dma_start3A_91] : memref<32x2048xf32, #tpu.memory_space<vmem>> -> memref<1x2048xf32, #tpu.memory_space<vmem>>
      %dma_start3A_93 = tpu.memref_squeeze %dma_start3A_92 : memref<1x2048xf32, #tpu.memory_space<vmem>> -> memref<2048xf32, #tpu.memory_space<vmem>>
      tpu.enqueue_dma source(%arg4 : memref<2048xf32, #tpu.memory_space<hbm>>) target(%dma_start3A_93 : memref<2048xf32, #tpu.memory_space<vmem>>) target_semaphore(%run_scoped3A_88 : memref<!tpu.dma_semaphore, #tpu.memory_space<semaphore_mem>>)
      %dma_wait3A = arith.constant 0 : i32
      %dma_wait3A_94 = tpu.memref_slice %arg7[%run_scoped3A_71, %dma_wait3A] : memref<32x2048xf32, #tpu.memory_space<vmem>> -> memref<1x2048xf32, #tpu.memory_space<vmem>>
      %dma_wait3A_95 = tpu.memref_squeeze %dma_wait3A_94 : memref<1x2048xf32, #tpu.memory_space<vmem>> -> memref<2048xf32, #tpu.memory_space<vmem>>
      %dma_wait3A_96 = arith.constant 0 : i32
      %dma_wait3A_97 = tpu.memref_slice %arg7[%run_scoped3A_71, %dma_wait3A_96] : memref<32x2048xf32, #tpu.memory_space<vmem>> -> memref<1x2048xf32, #tpu.memory_space<vmem>>
      %dma_wait3A_98 = tpu.memref_squeeze %dma_wait3A_97 : memref<1x2048xf32, #tpu.memory_space<vmem>> -> memref<2048xf32, #tpu.memory_space<vmem>>
      tpu.wait_dma2 semaphore(%run_scoped3A_88 : memref<!tpu.dma_semaphore, #tpu.memory_space<semaphore_mem>>) src(%arg4 : memref<2048xf32, #tpu.memory_space<hbm>>) dst(%dma_wait3A_98 : memref<2048xf32, #tpu.memory_space<vmem>>)
      tpu.yield
    }) : () -> ()
    %run_scoped3A_72 = arith.constant 21 : i32
    "tpu.region"() ({
      %run_scoped3A_88 = tpu.sem_alloc : memref<!tpu.dma_semaphore, #tpu.memory_space<semaphore_mem>>
      %dma_start3A = arith.constant 0 : i32
      %dma_start3A_89 = tpu.memref_slice %arg7[%run_scoped3A_72, %dma_start3A] : memref<32x2048xf32, #tpu.memory_space<vmem>> -> memref<1x2048xf32, #tpu.memory_space<vmem>>
      %dma_start3A_90 = tpu.memref_squeeze %dma_start3A_89 : memref<1x2048xf32, #tpu.memory_space<vmem>> -> memref<2048xf32, #tpu.memory_space<vmem>>
      %dma_start3A_91 = arith.constant 0 : i32
      %dma_start3A_92 = tpu.memref_slice %arg7[%run_scoped3A_72, %dma_start3A_91] : memref<32x2048xf32, #tpu.memory_space<vmem>> -> memref<1x2048xf32, #tpu.memory_space<vmem>>
      %dma_start3A_93 = tpu.memref_squeeze %dma_start3A_92 : memref<1x2048xf32, #tpu.memory_space<vmem>> -> memref<2048xf32, #tpu.memory_space<vmem>>
      tpu.enqueue_dma source(%arg4 : memref<2048xf32, #tpu.memory_space<hbm>>) target(%dma_start3A_93 : memref<2048xf32, #tpu.memory_space<vmem>>) target_semaphore(%run_scoped3A_88 : memref<!tpu.dma_semaphore, #tpu.memory_space<semaphore_mem>>)
      %dma_wait3A = arith.constant 0 : i32
      %dma_wait3A_94 = tpu.memref_slice %arg7[%run_scoped3A_72, %dma_wait3A] : memref<32x2048xf32, #tpu.memory_space<vmem>> -> memref<1x2048xf32, #tpu.memory_space<vmem>>
      %dma_wait3A_95 = tpu.memref_squeeze %dma_wait3A_94 : memref<1x2048xf32, #tpu.memory_space<vmem>> -> memref<2048xf32, #tpu.memory_space<vmem>>
      %dma_wait3A_96 = arith.constant 0 : i32
      %dma_wait3A_97 = tpu.memref_slice %arg7[%run_scoped3A_72, %dma_wait3A_96] : memref<32x2048xf32, #tpu.memory_space<vmem>> -> memref<1x2048xf32, #tpu.memory_space<vmem>>
      %dma_wait3A_98 = tpu.memref_squeeze %dma_wait3A_97 : memref<1x2048xf32, #tpu.memory_space<vmem>> -> memref<2048xf32, #tpu.memory_space<vmem>>
      tpu.wait_dma2 semaphore(%run_scoped3A_88 : memref<!tpu.dma_semaphore, #tpu.memory_space<semaphore_mem>>) src(%arg4 : memref<2048xf32, #tpu.memory_space<hbm>>) dst(%dma_wait3A_98 : memref<2048xf32, #tpu.memory_space<vmem>>)
      tpu.yield
    }) : () -> ()
    %run_scoped3A_73 = arith.constant 22 : i32
    "tpu.region"() ({
      %run_scoped3A_88 = tpu.sem_alloc : memref<!tpu.dma_semaphore, #tpu.memory_space<semaphore_mem>>
      %dma_start3A = arith.constant 0 : i32
      %dma_start3A_89 = tpu.memref_slice %arg7[%run_scoped3A_73, %dma_start3A] : memref<32x2048xf32, #tpu.memory_space<vmem>> -> memref<1x2048xf32, #tpu.memory_space<vmem>>
      %dma_start3A_90 = tpu.memref_squeeze %dma_start3A_89 : memref<1x2048xf32, #tpu.memory_space<vmem>> -> memref<2048xf32, #tpu.memory_space<vmem>>
      %dma_start3A_91 = arith.constant 0 : i32
      %dma_start3A_92 = tpu.memref_slice %arg7[%run_scoped3A_73, %dma_start3A_91] : memref<32x2048xf32, #tpu.memory_space<vmem>> -> memref<1x2048xf32, #tpu.memory_space<vmem>>
      %dma_start3A_93 = tpu.memref_squeeze %dma_start3A_92 : memref<1x2048xf32, #tpu.memory_space<vmem>> -> memref<2048xf32, #tpu.memory_space<vmem>>
      tpu.enqueue_dma source(%arg4 : memref<2048xf32, #tpu.memory_space<hbm>>) target(%dma_start3A_93 : memref<2048xf32, #tpu.memory_space<vmem>>) target_semaphore(%run_scoped3A_88 : memref<!tpu.dma_semaphore, #tpu.memory_space<semaphore_mem>>)
      %dma_wait3A = arith.constant 0 : i32
      %dma_wait3A_94 = tpu.memref_slice %arg7[%run_scoped3A_73, %dma_wait3A] : memref<32x2048xf32, #tpu.memory_space<vmem>> -> memref<1x2048xf32, #tpu.memory_space<vmem>>
      %dma_wait3A_95 = tpu.memref_squeeze %dma_wait3A_94 : memref<1x2048xf32, #tpu.memory_space<vmem>> -> memref<2048xf32, #tpu.memory_space<vmem>>
      %dma_wait3A_96 = arith.constant 0 : i32
      %dma_wait3A_97 = tpu.memref_slice %arg7[%run_scoped3A_73, %dma_wait3A_96] : memref<32x2048xf32, #tpu.memory_space<vmem>> -> memref<1x2048xf32, #tpu.memory_space<vmem>>
      %dma_wait3A_98 = tpu.memref_squeeze %dma_wait3A_97 : memref<1x2048xf32, #tpu.memory_space<vmem>> -> memref<2048xf32, #tpu.memory_space<vmem>>
      tpu.wait_dma2 semaphore(%run_scoped3A_88 : memref<!tpu.dma_semaphore, #tpu.memory_space<semaphore_mem>>) src(%arg4 : memref<2048xf32, #tpu.memory_space<hbm>>) dst(%dma_wait3A_98 : memref<2048xf32, #tpu.memory_space<vmem>>)
      tpu.yield
    }) : () -> ()
    %run_scoped3A_74 = arith.constant 23 : i32
    "tpu.region"() ({
      %run_scoped3A_88 = tpu.sem_alloc : memref<!tpu.dma_semaphore, #tpu.memory_space<semaphore_mem>>
      %dma_start3A = arith.constant 0 : i32
      %dma_start3A_89 = tpu.memref_slice %arg7[%run_scoped3A_74, %dma_start3A] : memref<32x2048xf32, #tpu.memory_space<vmem>> -> memref<1x2048xf32, #tpu.memory_space<vmem>>
      %dma_start3A_90 = tpu.memref_squeeze %dma_start3A_89 : memref<1x2048xf32, #tpu.memory_space<vmem>> -> memref<2048xf32, #tpu.memory_space<vmem>>
      %dma_start3A_91 = arith.constant 0 : i32
      %dma_start3A_92 = tpu.memref_slice %arg7[%run_scoped3A_74, %dma_start3A_91] : memref<32x2048xf32, #tpu.memory_space<vmem>> -> memref<1x2048xf32, #tpu.memory_space<vmem>>
      %dma_start3A_93 = tpu.memref_squeeze %dma_start3A_92 : memref<1x2048xf32, #tpu.memory_space<vmem>> -> memref<2048xf32, #tpu.memory_space<vmem>>
      tpu.enqueue_dma source(%arg4 : memref<2048xf32, #tpu.memory_space<hbm>>) target(%dma_start3A_93 : memref<2048xf32, #tpu.memory_space<vmem>>) target_semaphore(%run_scoped3A_88 : memref<!tpu.dma_semaphore, #tpu.memory_space<semaphore_mem>>)
      %dma_wait3A = arith.constant 0 : i32
      %dma_wait3A_94 = tpu.memref_slice %arg7[%run_scoped3A_74, %dma_wait3A] : memref<32x2048xf32, #tpu.memory_space<vmem>> -> memref<1x2048xf32, #tpu.memory_space<vmem>>
      %dma_wait3A_95 = tpu.memref_squeeze %dma_wait3A_94 : memref<1x2048xf32, #tpu.memory_space<vmem>> -> memref<2048xf32, #tpu.memory_space<vmem>>
      %dma_wait3A_96 = arith.constant 0 : i32
      %dma_wait3A_97 = tpu.memref_slice %arg7[%run_scoped3A_74, %dma_wait3A_96] : memref<32x2048xf32, #tpu.memory_space<vmem>> -> memref<1x2048xf32, #tpu.memory_space<vmem>>
      %dma_wait3A_98 = tpu.memref_squeeze %dma_wait3A_97 : memref<1x2048xf32, #tpu.memory_space<vmem>> -> memref<2048xf32, #tpu.memory_space<vmem>>
      tpu.wait_dma2 semaphore(%run_scoped3A_88 : memref<!tpu.dma_semaphore, #tpu.memory_space<semaphore_mem>>) src(%arg4 : memref<2048xf32, #tpu.memory_space<hbm>>) dst(%dma_wait3A_98 : memref<2048xf32, #tpu.memory_space<vmem>>)
      tpu.yield
    }) : () -> ()
    %run_scoped3A_75 = arith.constant 24 : i32
    "tpu.region"() ({
      %run_scoped3A_88 = tpu.sem_alloc : memref<!tpu.dma_semaphore, #tpu.memory_space<semaphore_mem>>
      %dma_start3A = arith.constant 0 : i32
      %dma_start3A_89 = tpu.memref_slice %arg7[%run_scoped3A_75, %dma_start3A] : memref<32x2048xf32, #tpu.memory_space<vmem>> -> memref<1x2048xf32, #tpu.memory_space<vmem>>
      %dma_start3A_90 = tpu.memref_squeeze %dma_start3A_89 : memref<1x2048xf32, #tpu.memory_space<vmem>> -> memref<2048xf32, #tpu.memory_space<vmem>>
      %dma_start3A_91 = arith.constant 0 : i32
      %dma_start3A_92 = tpu.memref_slice %arg7[%run_scoped3A_75, %dma_start3A_91] : memref<32x2048xf32, #tpu.memory_space<vmem>> -> memref<1x2048xf32, #tpu.memory_space<vmem>>
      %dma_start3A_93 = tpu.memref_squeeze %dma_start3A_92 : memref<1x2048xf32, #tpu.memory_space<vmem>> -> memref<2048xf32, #tpu.memory_space<vmem>>
      tpu.enqueue_dma source(%arg4 : memref<2048xf32, #tpu.memory_space<hbm>>) target(%dma_start3A_93 : memref<2048xf32, #tpu.memory_space<vmem>>) target_semaphore(%run_scoped3A_88 : memref<!tpu.dma_semaphore, #tpu.memory_space<semaphore_mem>>)
      %dma_wait3A = arith.constant 0 : i32
      %dma_wait3A_94 = tpu.memref_slice %arg7[%run_scoped3A_75, %dma_wait3A] : memref<32x2048xf32, #tpu.memory_space<vmem>> -> memref<1x2048xf32, #tpu.memory_space<vmem>>
      %dma_wait3A_95 = tpu.memref_squeeze %dma_wait3A_94 : memref<1x2048xf32, #tpu.memory_space<vmem>> -> memref<2048xf32, #tpu.memory_space<vmem>>
      %dma_wait3A_96 = arith.constant 0 : i32
      %dma_wait3A_97 = tpu.memref_slice %arg7[%run_scoped3A_75, %dma_wait3A_96] : memref<32x2048xf32, #tpu.memory_space<vmem>> -> memref<1x2048xf32, #tpu.memory_space<vmem>>
      %dma_wait3A_98 = tpu.memref_squeeze %dma_wait3A_97 : memref<1x2048xf32, #tpu.memory_space<vmem>> -> memref<2048xf32, #tpu.memory_space<vmem>>
      tpu.wait_dma2 semaphore(%run_scoped3A_88 : memref<!tpu.dma_semaphore, #tpu.memory_space<semaphore_mem>>) src(%arg4 : memref<2048xf32, #tpu.memory_space<hbm>>) dst(%dma_wait3A_98 : memref<2048xf32, #tpu.memory_space<vmem>>)
      tpu.yield
    }) : () -> ()
    %run_scoped3A_76 = arith.constant 25 : i32
    "tpu.region"() ({
      %run_scoped3A_88 = tpu.sem_alloc : memref<!tpu.dma_semaphore, #tpu.memory_space<semaphore_mem>>
      %dma_start3A = arith.constant 0 : i32
      %dma_start3A_89 = tpu.memref_slice %arg7[%run_scoped3A_76, %dma_start3A] : memref<32x2048xf32, #tpu.memory_space<vmem>> -> memref<1x2048xf32, #tpu.memory_space<vmem>>
      %dma_start3A_90 = tpu.memref_squeeze %dma_start3A_89 : memref<1x2048xf32, #tpu.memory_space<vmem>> -> memref<2048xf32, #tpu.memory_space<vmem>>
      %dma_start3A_91 = arith.constant 0 : i32
      %dma_start3A_92 = tpu.memref_slice %arg7[%run_scoped3A_76, %dma_start3A_91] : memref<32x2048xf32, #tpu.memory_space<vmem>> -> memref<1x2048xf32, #tpu.memory_space<vmem>>
      %dma_start3A_93 = tpu.memref_squeeze %dma_start3A_92 : memref<1x2048xf32, #tpu.memory_space<vmem>> -> memref<2048xf32, #tpu.memory_space<vmem>>
      tpu.enqueue_dma source(%arg4 : memref<2048xf32, #tpu.memory_space<hbm>>) target(%dma_start3A_93 : memref<2048xf32, #tpu.memory_space<vmem>>) target_semaphore(%run_scoped3A_88 : memref<!tpu.dma_semaphore, #tpu.memory_space<semaphore_mem>>)
      %dma_wait3A = arith.constant 0 : i32
      %dma_wait3A_94 = tpu.memref_slice %arg7[%run_scoped3A_76, %dma_wait3A] : memref<32x2048xf32, #tpu.memory_space<vmem>> -> memref<1x2048xf32, #tpu.memory_space<vmem>>
      %dma_wait3A_95 = tpu.memref_squeeze %dma_wait3A_94 : memref<1x2048xf32, #tpu.memory_space<vmem>> -> memref<2048xf32, #tpu.memory_space<vmem>>
      %dma_wait3A_96 = arith.constant 0 : i32
      %dma_wait3A_97 = tpu.memref_slice %arg7[%run_scoped3A_76, %dma_wait3A_96] : memref<32x2048xf32, #tpu.memory_space<vmem>> -> memref<1x2048xf32, #tpu.memory_space<vmem>>
      %dma_wait3A_98 = tpu.memref_squeeze %dma_wait3A_97 : memref<1x2048xf32, #tpu.memory_space<vmem>> -> memref<2048xf32, #tpu.memory_space<vmem>>
      tpu.wait_dma2 semaphore(%run_scoped3A_88 : memref<!tpu.dma_semaphore, #tpu.memory_space<semaphore_mem>>) src(%arg4 : memref<2048xf32, #tpu.memory_space<hbm>>) dst(%dma_wait3A_98 : memref<2048xf32, #tpu.memory_space<vmem>>)
      tpu.yield
    }) : () -> ()
    %run_scoped3A_77 = arith.constant 26 : i32
    "tpu.region"() ({
      %run_scoped3A_88 = tpu.sem_alloc : memref<!tpu.dma_semaphore, #tpu.memory_space<semaphore_mem>>
      %dma_start3A = arith.constant 0 : i32
      %dma_start3A_89 = tpu.memref_slice %arg7[%run_scoped3A_77, %dma_start3A] : memref<32x2048xf32, #tpu.memory_space<vmem>> -> memref<1x2048xf32, #tpu.memory_space<vmem>>
      %dma_start3A_90 = tpu.memref_squeeze %dma_start3A_89 : memref<1x2048xf32, #tpu.memory_space<vmem>> -> memref<2048xf32, #tpu.memory_space<vmem>>
      %dma_start3A_91 = arith.constant 0 : i32
      %dma_start3A_92 = tpu.memref_slice %arg7[%run_scoped3A_77, %dma_start3A_91] : memref<32x2048xf32, #tpu.memory_space<vmem>> -> memref<1x2048xf32, #tpu.memory_space<vmem>>
      %dma_start3A_93 = tpu.memref_squeeze %dma_start3A_92 : memref<1x2048xf32, #tpu.memory_space<vmem>> -> memref<2048xf32, #tpu.memory_space<vmem>>
      tpu.enqueue_dma source(%arg4 : memref<2048xf32, #tpu.memory_space<hbm>>) target(%dma_start3A_93 : memref<2048xf32, #tpu.memory_space<vmem>>) target_semaphore(%run_scoped3A_88 : memref<!tpu.dma_semaphore, #tpu.memory_space<semaphore_mem>>)
      %dma_wait3A = arith.constant 0 : i32
      %dma_wait3A_94 = tpu.memref_slice %arg7[%run_scoped3A_77, %dma_wait3A] : memref<32x2048xf32, #tpu.memory_space<vmem>> -> memref<1x2048xf32, #tpu.memory_space<vmem>>
      %dma_wait3A_95 = tpu.memref_squeeze %dma_wait3A_94 : memref<1x2048xf32, #tpu.memory_space<vmem>> -> memref<2048xf32, #tpu.memory_space<vmem>>
      %dma_wait3A_96 = arith.constant 0 : i32
      %dma_wait3A_97 = tpu.memref_slice %arg7[%run_scoped3A_77, %dma_wait3A_96] : memref<32x2048xf32, #tpu.memory_space<vmem>> -> memref<1x2048xf32, #tpu.memory_space<vmem>>
      %dma_wait3A_98 = tpu.memref_squeeze %dma_wait3A_97 : memref<1x2048xf32, #tpu.memory_space<vmem>> -> memref<2048xf32, #tpu.memory_space<vmem>>
      tpu.wait_dma2 semaphore(%run_scoped3A_88 : memref<!tpu.dma_semaphore, #tpu.memory_space<semaphore_mem>>) src(%arg4 : memref<2048xf32, #tpu.memory_space<hbm>>) dst(%dma_wait3A_98 : memref<2048xf32, #tpu.memory_space<vmem>>)
      tpu.yield
    }) : () -> ()
    %run_scoped3A_78 = arith.constant 27 : i32
    "tpu.region"() ({
      %run_scoped3A_88 = tpu.sem_alloc : memref<!tpu.dma_semaphore, #tpu.memory_space<semaphore_mem>>
      %dma_start3A = arith.constant 0 : i32
      %dma_start3A_89 = tpu.memref_slice %arg7[%run_scoped3A_78, %dma_start3A] : memref<32x2048xf32, #tpu.memory_space<vmem>> -> memref<1x2048xf32, #tpu.memory_space<vmem>>
      %dma_start3A_90 = tpu.memref_squeeze %dma_start3A_89 : memref<1x2048xf32, #tpu.memory_space<vmem>> -> memref<2048xf32, #tpu.memory_space<vmem>>
      %dma_start3A_91 = arith.constant 0 : i32
      %dma_start3A_92 = tpu.memref_slice %arg7[%run_scoped3A_78, %dma_start3A_91] : memref<32x2048xf32, #tpu.memory_space<vmem>> -> memref<1x2048xf32, #tpu.memory_space<vmem>>
      %dma_start3A_93 = tpu.memref_squeeze %dma_start3A_92 : memref<1x2048xf32, #tpu.memory_space<vmem>> -> memref<2048xf32, #tpu.memory_space<vmem>>
      tpu.enqueue_dma source(%arg4 : memref<2048xf32, #tpu.memory_space<hbm>>) target(%dma_start3A_93 : memref<2048xf32, #tpu.memory_space<vmem>>) target_semaphore(%run_scoped3A_88 : memref<!tpu.dma_semaphore, #tpu.memory_space<semaphore_mem>>)
      %dma_wait3A = arith.constant 0 : i32
      %dma_wait3A_94 = tpu.memref_slice %arg7[%run_scoped3A_78, %dma_wait3A] : memref<32x2048xf32, #tpu.memory_space<vmem>> -> memref<1x2048xf32, #tpu.memory_space<vmem>>
      %dma_wait3A_95 = tpu.memref_squeeze %dma_wait3A_94 : memref<1x2048xf32, #tpu.memory_space<vmem>> -> memref<2048xf32, #tpu.memory_space<vmem>>
      %dma_wait3A_96 = arith.constant 0 : i32
      %dma_wait3A_97 = tpu.memref_slice %arg7[%run_scoped3A_78, %dma_wait3A_96] : memref<32x2048xf32, #tpu.memory_space<vmem>> -> memref<1x2048xf32, #tpu.memory_space<vmem>>
      %dma_wait3A_98 = tpu.memref_squeeze %dma_wait3A_97 : memref<1x2048xf32, #tpu.memory_space<vmem>> -> memref<2048xf32, #tpu.memory_space<vmem>>
      tpu.wait_dma2 semaphore(%run_scoped3A_88 : memref<!tpu.dma_semaphore, #tpu.memory_space<semaphore_mem>>) src(%arg4 : memref<2048xf32, #tpu.memory_space<hbm>>) dst(%dma_wait3A_98 : memref<2048xf32, #tpu.memory_space<vmem>>)
      tpu.yield
    }) : () -> ()
    %run_scoped3A_79 = arith.constant 28 : i32
    "tpu.region"() ({
      %run_scoped3A_88 = tpu.sem_alloc : memref<!tpu.dma_semaphore, #tpu.memory_space<semaphore_mem>>
      %dma_start3A = arith.constant 0 : i32
      %dma_start3A_89 = tpu.memref_slice %arg7[%run_scoped3A_79, %dma_start3A] : memref<32x2048xf32, #tpu.memory_space<vmem>> -> memref<1x2048xf32, #tpu.memory_space<vmem>>
      %dma_start3A_90 = tpu.memref_squeeze %dma_start3A_89 : memref<1x2048xf32, #tpu.memory_space<vmem>> -> memref<2048xf32, #tpu.memory_space<vmem>>
      %dma_start3A_91 = arith.constant 0 : i32
      %dma_start3A_92 = tpu.memref_slice %arg7[%run_scoped3A_79, %dma_start3A_91] : memref<32x2048xf32, #tpu.memory_space<vmem>> -> memref<1x2048xf32, #tpu.memory_space<vmem>>
      %dma_start3A_93 = tpu.memref_squeeze %dma_start3A_92 : memref<1x2048xf32, #tpu.memory_space<vmem>> -> memref<2048xf32, #tpu.memory_space<vmem>>
      tpu.enqueue_dma source(%arg4 : memref<2048xf32, #tpu.memory_space<hbm>>) target(%dma_start3A_93 : memref<2048xf32, #tpu.memory_space<vmem>>) target_semaphore(%run_scoped3A_88 : memref<!tpu.dma_semaphore, #tpu.memory_space<semaphore_mem>>)
      %dma_wait3A = arith.constant 0 : i32
      %dma_wait3A_94 = tpu.memref_slice %arg7[%run_scoped3A_79, %dma_wait3A] : memref<32x2048xf32, #tpu.memory_space<vmem>> -> memref<1x2048xf32, #tpu.memory_space<vmem>>
      %dma_wait3A_95 = tpu.memref_squeeze %dma_wait3A_94 : memref<1x2048xf32, #tpu.memory_space<vmem>> -> memref<2048xf32, #tpu.memory_space<vmem>>
      %dma_wait3A_96 = arith.constant 0 : i32
      %dma_wait3A_97 = tpu.memref_slice %arg7[%run_scoped3A_79, %dma_wait3A_96] : memref<32x2048xf32, #tpu.memory_space<vmem>> -> memref<1x2048xf32, #tpu.memory_space<vmem>>
      %dma_wait3A_98 = tpu.memref_squeeze %dma_wait3A_97 : memref<1x2048xf32, #tpu.memory_space<vmem>> -> memref<2048xf32, #tpu.memory_space<vmem>>
      tpu.wait_dma2 semaphore(%run_scoped3A_88 : memref<!tpu.dma_semaphore, #tpu.memory_space<semaphore_mem>>) src(%arg4 : memref<2048xf32, #tpu.memory_space<hbm>>) dst(%dma_wait3A_98 : memref<2048xf32, #tpu.memory_space<vmem>>)
      tpu.yield
    }) : () -> ()
    %run_scoped3A_80 = arith.constant 29 : i32
    "tpu.region"() ({
      %run_scoped3A_88 = tpu.sem_alloc : memref<!tpu.dma_semaphore, #tpu.memory_space<semaphore_mem>>
      %dma_start3A = arith.constant 0 : i32
      %dma_start3A_89 = tpu.memref_slice %arg7[%run_scoped3A_80, %dma_start3A] : memref<32x2048xf32, #tpu.memory_space<vmem>> -> memref<1x2048xf32, #tpu.memory_space<vmem>>
      %dma_start3A_90 = tpu.memref_squeeze %dma_start3A_89 : memref<1x2048xf32, #tpu.memory_space<vmem>> -> memref<2048xf32, #tpu.memory_space<vmem>>
      %dma_start3A_91 = arith.constant 0 : i32
      %dma_start3A_92 = tpu.memref_slice %arg7[%run_scoped3A_80, %dma_start3A_91] : memref<32x2048xf32, #tpu.memory_space<vmem>> -> memref<1x2048xf32, #tpu.memory_space<vmem>>
      %dma_start3A_93 = tpu.memref_squeeze %dma_start3A_92 : memref<1x2048xf32, #tpu.memory_space<vmem>> -> memref<2048xf32, #tpu.memory_space<vmem>>
      tpu.enqueue_dma source(%arg4 : memref<2048xf32, #tpu.memory_space<hbm>>) target(%dma_start3A_93 : memref<2048xf32, #tpu.memory_space<vmem>>) target_semaphore(%run_scoped3A_88 : memref<!tpu.dma_semaphore, #tpu.memory_space<semaphore_mem>>)
      %dma_wait3A = arith.constant 0 : i32
      %dma_wait3A_94 = tpu.memref_slice %arg7[%run_scoped3A_80, %dma_wait3A] : memref<32x2048xf32, #tpu.memory_space<vmem>> -> memref<1x2048xf32, #tpu.memory_space<vmem>>
      %dma_wait3A_95 = tpu.memref_squeeze %dma_wait3A_94 : memref<1x2048xf32, #tpu.memory_space<vmem>> -> memref<2048xf32, #tpu.memory_space<vmem>>
      %dma_wait3A_96 = arith.constant 0 : i32
      %dma_wait3A_97 = tpu.memref_slice %arg7[%run_scoped3A_80, %dma_wait3A_96] : memref<32x2048xf32, #tpu.memory_space<vmem>> -> memref<1x2048xf32, #tpu.memory_space<vmem>>
      %dma_wait3A_98 = tpu.memref_squeeze %dma_wait3A_97 : memref<1x2048xf32, #tpu.memory_space<vmem>> -> memref<2048xf32, #tpu.memory_space<vmem>>
      tpu.wait_dma2 semaphore(%run_scoped3A_88 : memref<!tpu.dma_semaphore, #tpu.memory_space<semaphore_mem>>) src(%arg4 : memref<2048xf32, #tpu.memory_space<hbm>>) dst(%dma_wait3A_98 : memref<2048xf32, #tpu.memory_space<vmem>>)
      tpu.yield
    }) : () -> ()
    %run_scoped3A_81 = arith.constant 30 : i32
    "tpu.region"() ({
      %run_scoped3A_88 = tpu.sem_alloc : memref<!tpu.dma_semaphore, #tpu.memory_space<semaphore_mem>>
      %dma_start3A = arith.constant 0 : i32
      %dma_start3A_89 = tpu.memref_slice %arg7[%run_scoped3A_81, %dma_start3A] : memref<32x2048xf32, #tpu.memory_space<vmem>> -> memref<1x2048xf32, #tpu.memory_space<vmem>>
      %dma_start3A_90 = tpu.memref_squeeze %dma_start3A_89 : memref<1x2048xf32, #tpu.memory_space<vmem>> -> memref<2048xf32, #tpu.memory_space<vmem>>
      %dma_start3A_91 = arith.constant 0 : i32
      %dma_start3A_92 = tpu.memref_slice %arg7[%run_scoped3A_81, %dma_start3A_91] : memref<32x2048xf32, #tpu.memory_space<vmem>> -> memref<1x2048xf32, #tpu.memory_space<vmem>>
      %dma_start3A_93 = tpu.memref_squeeze %dma_start3A_92 : memref<1x2048xf32, #tpu.memory_space<vmem>> -> memref<2048xf32, #tpu.memory_space<vmem>>
      tpu.enqueue_dma source(%arg4 : memref<2048xf32, #tpu.memory_space<hbm>>) target(%dma_start3A_93 : memref<2048xf32, #tpu.memory_space<vmem>>) target_semaphore(%run_scoped3A_88 : memref<!tpu.dma_semaphore, #tpu.memory_space<semaphore_mem>>)
      %dma_wait3A = arith.constant 0 : i32
      %dma_wait3A_94 = tpu.memref_slice %arg7[%run_scoped3A_81, %dma_wait3A] : memref<32x2048xf32, #tpu.memory_space<vmem>> -> memref<1x2048xf32, #tpu.memory_space<vmem>>
      %dma_wait3A_95 = tpu.memref_squeeze %dma_wait3A_94 : memref<1x2048xf32, #tpu.memory_space<vmem>> -> memref<2048xf32, #tpu.memory_space<vmem>>
      %dma_wait3A_96 = arith.constant 0 : i32
      %dma_wait3A_97 = tpu.memref_slice %arg7[%run_scoped3A_81, %dma_wait3A_96] : memref<32x2048xf32, #tpu.memory_space<vmem>> -> memref<1x2048xf32, #tpu.memory_space<vmem>>
      %dma_wait3A_98 = tpu.memref_squeeze %dma_wait3A_97 : memref<1x2048xf32, #tpu.memory_space<vmem>> -> memref<2048xf32, #tpu.memory_space<vmem>>
      tpu.wait_dma2 semaphore(%run_scoped3A_88 : memref<!tpu.dma_semaphore, #tpu.memory_space<semaphore_mem>>) src(%arg4 : memref<2048xf32, #tpu.memory_space<hbm>>) dst(%dma_wait3A_98 : memref<2048xf32, #tpu.memory_space<vmem>>)
      tpu.yield
    }) : () -> ()
    %run_scoped3A_82 = arith.constant 31 : i32
    "tpu.region"() ({
      %run_scoped3A_88 = tpu.sem_alloc : memref<!tpu.dma_semaphore, #tpu.memory_space<semaphore_mem>>
      %dma_start3A = arith.constant 0 : i32
      %dma_start3A_89 = tpu.memref_slice %arg7[%run_scoped3A_82, %dma_start3A] : memref<32x2048xf32, #tpu.memory_space<vmem>> -> memref<1x2048xf32, #tpu.memory_space<vmem>>
      %dma_start3A_90 = tpu.memref_squeeze %dma_start3A_89 : memref<1x2048xf32, #tpu.memory_space<vmem>> -> memref<2048xf32, #tpu.memory_space<vmem>>
      %dma_start3A_91 = arith.constant 0 : i32
      %dma_start3A_92 = tpu.memref_slice %arg7[%run_scoped3A_82, %dma_start3A_91] : memref<32x2048xf32, #tpu.memory_space<vmem>> -> memref<1x2048xf32, #tpu.memory_space<vmem>>
      %dma_start3A_93 = tpu.memref_squeeze %dma_start3A_92 : memref<1x2048xf32, #tpu.memory_space<vmem>> -> memref<2048xf32, #tpu.memory_space<vmem>>
      tpu.enqueue_dma source(%arg4 : memref<2048xf32, #tpu.memory_space<hbm>>) target(%dma_start3A_93 : memref<2048xf32, #tpu.memory_space<vmem>>) target_semaphore(%run_scoped3A_88 : memref<!tpu.dma_semaphore, #tpu.memory_space<semaphore_mem>>)
      %dma_wait3A = arith.constant 0 : i32
      %dma_wait3A_94 = tpu.memref_slice %arg7[%run_scoped3A_82, %dma_wait3A] : memref<32x2048xf32, #tpu.memory_space<vmem>> -> memref<1x2048xf32, #tpu.memory_space<vmem>>
      %dma_wait3A_95 = tpu.memref_squeeze %dma_wait3A_94 : memref<1x2048xf32, #tpu.memory_space<vmem>> -> memref<2048xf32, #tpu.memory_space<vmem>>
      %dma_wait3A_96 = arith.constant 0 : i32
      %dma_wait3A_97 = tpu.memref_slice %arg7[%run_scoped3A_82, %dma_wait3A_96] : memref<32x2048xf32, #tpu.memory_space<vmem>> -> memref<1x2048xf32, #tpu.memory_space<vmem>>
      %dma_wait3A_98 = tpu.memref_squeeze %dma_wait3A_97 : memref<1x2048xf32, #tpu.memory_space<vmem>> -> memref<2048xf32, #tpu.memory_space<vmem>>
      tpu.wait_dma2 semaphore(%run_scoped3A_88 : memref<!tpu.dma_semaphore, #tpu.memory_space<semaphore_mem>>) src(%arg4 : memref<2048xf32, #tpu.memory_space<hbm>>) dst(%dma_wait3A_98 : memref<2048xf32, #tpu.memory_space<vmem>>)
      tpu.yield
    }) : () -> ()
    %scan3A = arith.constant 0 : i32
    %scan3A_83 = arith.constant 0 : i32
    %scan3A_84 = arith.constant 16 : i32
    %scan3A_85 = arith.addi %scan3A_83, %scan3A_84 : i32
    %scan3A_86 = arith.constant 1 : i32
    scf.for %scan3A_88 = %scan3A_83 to %scan3A_85 step %scan3A_86  : i32 {
      %mul3A_89 = arith.constant 32 : i32
      %mul3A_90 = arith.muli %scan3A_88, %mul3A_89 : i32
      %add3A_91 = arith.addi %mul3A_32, %mul3A_90 : i32
      %mul3A_92 = arith.constant 32 : i32
      %mul3A_93 = arith.muli %scan3A_88, %mul3A_92 : i32
      %add3A_94 = arith.addi %mul3A_34, %mul3A_93 : i32
      %add3A_95 = arith.constant 32 : i32
      %add3A_96 = arith.addi %add3A_91, %add3A_95 : i32
      %le3A = arith.cmpi sle, %add3A_96, %select_n3A_51 : i32
      %convert_element_type3A = arith.extui %le3A : i1 to i32
      %cond3A = arith.constant 0 : i32
      %cond3A_97 = arith.cmpi ne, %convert_element_type3A, %cond3A : i32
      scf.if %cond3A_97 {
        "tpu.region"() ({
          %run_scoped3A_108 = tpu.sem_alloc : memref<!tpu.dma_semaphore, #tpu.memory_space<semaphore_mem>>
          %dma_start3A = arith.constant 0 : i32
          %dma_start3A_109 = tpu.memref_slice %arg5[%add3A_94, %dma_start3A] : memref<16384x2048xf32, #tpu.memory_space<hbm>> -> memref<32x2048xf32, #tpu.memory_space<hbm>>
          %dma_start3A_110 = arith.constant 0 : i32
          %dma_start3A_111 = tpu.memref_slice %arg2[%add3A_94, %dma_start3A_110] : memref<16384x2048xf32, #tpu.memory_space<hbm>> -> memref<32x2048xf32, #tpu.memory_space<hbm>>
          tpu.enqueue_dma source(%dma_start3A_111 : memref<32x2048xf32, #tpu.memory_space<hbm>>) target(%dma_start3A_109 : memref<32x2048xf32, #tpu.memory_space<hbm>>) target_semaphore(%run_scoped3A_108 : memref<!tpu.dma_semaphore, #tpu.memory_space<semaphore_mem>>)
          %dma_wait3A = arith.constant 0 : i32
          %dma_wait3A_112 = tpu.memref_slice %arg5[%add3A_94, %dma_wait3A] : memref<16384x2048xf32, #tpu.memory_space<hbm>> -> memref<32x2048xf32, #tpu.memory_space<hbm>>
          %dma_wait3A_113 = arith.constant 0 : i32
          %dma_wait3A_114 = tpu.memref_slice %arg2[%add3A_94, %dma_wait3A_113] : memref<16384x2048xf32, #tpu.memory_space<hbm>> -> memref<32x2048xf32, #tpu.memory_space<hbm>>
          tpu.wait_dma2 semaphore(%run_scoped3A_108 : memref<!tpu.dma_semaphore, #tpu.memory_space<semaphore_mem>>) src(%dma_wait3A_114 : memref<32x2048xf32, #tpu.memory_space<hbm>>) dst(%dma_wait3A_112 : memref<32x2048xf32, #tpu.memory_space<hbm>>)
          tpu.yield
        }) : () -> ()
      } else {
      }
      %ge3A = arith.cmpi sge, %add3A_91, %select_n3A_51 : i32
      %convert_element_type3A_98 = arith.extui %ge3A : i1 to i32
      %cond3A_99 = arith.constant 0 : i32
      %cond3A_100 = arith.cmpi ne, %convert_element_type3A_98, %cond3A_99 : i32
      scf.if %cond3A_100 {
        "tpu.region"() ({
          %run_scoped3A_108 = tpu.sem_alloc : memref<!tpu.dma_semaphore, #tpu.memory_space<semaphore_mem>>
          %dma_start3A = arith.constant 0 : i32
          %dma_start3A_109 = tpu.memref_slice %arg5[%add3A_94, %dma_start3A] : memref<16384x2048xf32, #tpu.memory_space<hbm>> -> memref<32x2048xf32, #tpu.memory_space<hbm>>
          %dma_start3A_110 = arith.constant 0 : i32
          %dma_start3A_111 = tpu.memref_slice %arg5[%add3A_94, %dma_start3A_110] : memref<16384x2048xf32, #tpu.memory_space<hbm>> -> memref<32x2048xf32, #tpu.memory_space<hbm>>
          tpu.enqueue_dma source(%arg7 : memref<32x2048xf32, #tpu.memory_space<vmem>>) target(%dma_start3A_111 : memref<32x2048xf32, #tpu.memory_space<hbm>>) target_semaphore(%run_scoped3A_108 : memref<!tpu.dma_semaphore, #tpu.memory_space<semaphore_mem>>)
          %dma_wait3A = arith.constant 0 : i32
          %dma_wait3A_112 = tpu.memref_slice %arg5[%add3A_94, %dma_wait3A] : memref<16384x2048xf32, #tpu.memory_space<hbm>> -> memref<32x2048xf32, #tpu.memory_space<hbm>>
          %dma_wait3A_113 = arith.constant 0 : i32
          %dma_wait3A_114 = tpu.memref_slice %arg5[%add3A_94, %dma_wait3A_113] : memref<16384x2048xf32, #tpu.memory_space<hbm>> -> memref<32x2048xf32, #tpu.memory_space<hbm>>
          tpu.wait_dma2 semaphore(%run_scoped3A_108 : memref<!tpu.dma_semaphore, #tpu.memory_space<semaphore_mem>>) src(%arg7 : memref<32x2048xf32, #tpu.memory_space<vmem>>) dst(%dma_wait3A_114 : memref<32x2048xf32, #tpu.memory_space<hbm>>)
          tpu.yield
        }) : () -> ()
      } else {
      }
      %lt3A_101 = arith.cmpi slt, %add3A_91, %select_n3A_51 : i32
      %add3A_102 = arith.constant 32 : i32
      %add3A_103 = arith.addi %add3A_91, %add3A_102 : i32
      %gt3A = arith.cmpi sgt, %add3A_103, %select_n3A_51 : i32
      %and3A_104 = arith.andi %lt3A_101, %gt3A : i1
      %convert_element_type3A_105 = arith.extui %and3A_104 : i1 to i32
      %cond3A_106 = arith.constant 0 : i32
      %cond3A_107 = arith.cmpi ne, %convert_element_type3A_105, %cond3A_106 : i32
      scf.if %cond3A_107 {
        %scan3A_108 = arith.constant 0 : i32
        %scan3A_109 = arith.constant 0 : i32
        %scan3A_110 = arith.constant 32 : i32
        %scan3A_111 = arith.addi %scan3A_109, %scan3A_110 : i32
        %scan3A_112 = arith.constant 1 : i32
        scf.for %scan3A_114 = %scan3A_109 to %scan3A_111 step %scan3A_112  : i32 {
          %add3A_115 = arith.addi %add3A_91, %scan3A_114 : i32
          %lt3A_116 = arith.cmpi slt, %add3A_115, %select_n3A_51 : i32
          %convert_element_type3A_117 = arith.extui %lt3A_116 : i1 to i32
          %cond3A_118 = arith.constant 0 : i32
          %cond3A_119 = arith.cmpi ne, %convert_element_type3A_117, %cond3A_118 : i32
          scf.if %cond3A_119 {
            %add3A_125 = arith.addi %add3A_94, %scan3A_114 : i32
            %add3A_126 = arith.addi %add3A_94, %scan3A_114 : i32
            "tpu.region"() ({
              %run_scoped3A_127 = tpu.sem_alloc : memref<!tpu.dma_semaphore, #tpu.memory_space<semaphore_mem>>
              %dma_start3A = arith.constant 0 : i32
              %dma_start3A_128 = tpu.memref_slice %arg5[%add3A_126, %dma_start3A] : memref<16384x2048xf32, #tpu.memory_space<hbm>> -> memref<1x2048xf32, #tpu.memory_space<hbm>>
              %dma_start3A_129 = arith.constant 0 : i32
              %dma_start3A_130 = tpu.memref_slice %arg2[%add3A_125, %dma_start3A_129] : memref<16384x2048xf32, #tpu.memory_space<hbm>> -> memref<1x2048xf32, #tpu.memory_space<hbm>>
              tpu.enqueue_dma source(%dma_start3A_130 : memref<1x2048xf32, #tpu.memory_space<hbm>>) target(%dma_start3A_128 : memref<1x2048xf32, #tpu.memory_space<hbm>>) target_semaphore(%run_scoped3A_127 : memref<!tpu.dma_semaphore, #tpu.memory_space<semaphore_mem>>)
              %dma_wait3A = arith.constant 0 : i32
              %dma_wait3A_131 = tpu.memref_slice %arg5[%add3A_126, %dma_wait3A] : memref<16384x2048xf32, #tpu.memory_space<hbm>> -> memref<1x2048xf32, #tpu.memory_space<hbm>>
              %dma_wait3A_132 = arith.constant 0 : i32
              %dma_wait3A_133 = tpu.memref_slice %arg2[%add3A_125, %dma_wait3A_132] : memref<16384x2048xf32, #tpu.memory_space<hbm>> -> memref<1x2048xf32, #tpu.memory_space<hbm>>
              tpu.wait_dma2 semaphore(%run_scoped3A_127 : memref<!tpu.dma_semaphore, #tpu.memory_space<semaphore_mem>>) src(%dma_wait3A_133 : memref<1x2048xf32, #tpu.memory_space<hbm>>) dst(%dma_wait3A_131 : memref<1x2048xf32, #tpu.memory_space<hbm>>)
              tpu.yield
            }) : () -> ()
          } else {
          }
          %add3A_120 = arith.addi %add3A_91, %scan3A_114 : i32
          %ge3A_121 = arith.cmpi sge, %add3A_120, %select_n3A_51 : i32
          %convert_element_type3A_122 = arith.extui %ge3A_121 : i1 to i32
          %cond3A_123 = arith.constant 0 : i32
          %cond3A_124 = arith.cmpi ne, %convert_element_type3A_122, %cond3A_123 : i32
          scf.if %cond3A_124 {
            %add3A_125 = arith.addi %add3A_94, %scan3A_114 : i32
            "tpu.region"() ({
              %run_scoped3A_126 = tpu.sem_alloc : memref<!tpu.dma_semaphore, #tpu.memory_space<semaphore_mem>>
              %dma_start3A = arith.constant 0 : i32
              %dma_start3A_127 = arith.constant 0 : i32
              %dma_start3A_128 = tpu.memref_slice %arg7[%dma_start3A, %dma_start3A_127] : memref<32x2048xf32, #tpu.memory_space<vmem>> -> memref<1x2048xf32, #tpu.memory_space<vmem>>
              %dma_start3A_129 = arith.constant 0 : i32
              %dma_start3A_130 = tpu.memref_slice %arg5[%add3A_125, %dma_start3A_129] : memref<16384x2048xf32, #tpu.memory_space<hbm>> -> memref<1x2048xf32, #tpu.memory_space<hbm>>
              %dma_start3A_131 = arith.constant 0 : i32
              %dma_start3A_132 = tpu.memref_slice %arg5[%add3A_125, %dma_start3A_131] : memref<16384x2048xf32, #tpu.memory_space<hbm>> -> memref<1x2048xf32, #tpu.memory_space<hbm>>
              %dma_start3A_133 = arith.constant 0 : i32
              %dma_start3A_134 = arith.constant 0 : i32
              %dma_start3A_135 = tpu.memref_slice %arg7[%dma_start3A_133, %dma_start3A_134] : memref<32x2048xf32, #tpu.memory_space<vmem>> -> memref<1x2048xf32, #tpu.memory_space<vmem>>
              tpu.enqueue_dma source(%dma_start3A_135 : memref<1x2048xf32, #tpu.memory_space<vmem>>) target(%dma_start3A_132 : memref<1x2048xf32, #tpu.memory_space<hbm>>) target_semaphore(%run_scoped3A_126 : memref<!tpu.dma_semaphore, #tpu.memory_space<semaphore_mem>>)
              %dma_wait3A = arith.constant 0 : i32
              %dma_wait3A_136 = arith.constant 0 : i32
              %dma_wait3A_137 = tpu.memref_slice %arg7[%dma_wait3A, %dma_wait3A_136] : memref<32x2048xf32, #tpu.memory_space<vmem>> -> memref<1x2048xf32, #tpu.memory_space<vmem>>
              %dma_wait3A_138 = arith.constant 0 : i32
              %dma_wait3A_139 = tpu.memref_slice %arg5[%add3A_125, %dma_wait3A_138] : memref<16384x2048xf32, #tpu.memory_space<hbm>> -> memref<1x2048xf32, #tpu.memory_space<hbm>>
              %dma_wait3A_140 = arith.constant 0 : i32
              %dma_wait3A_141 = tpu.memref_slice %arg5[%add3A_125, %dma_wait3A_140] : memref<16384x2048xf32, #tpu.memory_space<hbm>> -> memref<1x2048xf32, #tpu.memory_space<hbm>>
              %dma_wait3A_142 = arith.constant 0 : i32
              %dma_wait3A_143 = arith.constant 0 : i32
              %dma_wait3A_144 = tpu.memref_slice %arg7[%dma_wait3A_142, %dma_wait3A_143] : memref<32x2048xf32, #tpu.memory_space<vmem>> -> memref<1x2048xf32, #tpu.memory_space<vmem>>
              tpu.wait_dma2 semaphore(%run_scoped3A_126 : memref<!tpu.dma_semaphore, #tpu.memory_space<semaphore_mem>>) src(%dma_wait3A_144 : memref<1x2048xf32, #tpu.memory_space<vmem>>) dst(%dma_wait3A_141 : memref<1x2048xf32, #tpu.memory_space<hbm>>)
              tpu.yield
            }) : () -> ()
          } else {
          }
        }
        %scan3A_113 = arith.constant 32 : i32
      } else {
      }
    }
    %scan3A_87 = arith.constant 16 : i32
    return
  }
}

</mosaic_0001>

<sc_bundles>
// kernel: kernel.3.cloned.1.call-start
scs
__scs_entry_jumppad:
0x0: {  	(pc) =	sbr.rel $0x88, $3  }
0x1: {  	(tag) =	ssettag $0x0;
	lr =	simm.s32 $0x1  }
0x2: {  	[smem:$0x3F9E] =	sst lr;
	_ =	strace $0xD0000000  }
0x3: {  	_ = 	snop  }
0x4: {  	_ = 	snop  }
0x5: {  	_ = 	snop  }
0x6: {  	_ = 	snop  }
0x7: {  	_ = 	snop  }
__scs_overlays_trampoline_lowered:
0x8: {  	[smem:$0x3FAD] =	sst s0  }
0x9: {  	[smem:$0x3FAE] =	sst s1  }
0xa: {  	[smem:$0x3FAF] =	sst s2  }
0xb: {  	[smem:$0x3FB0] =	sst s3  }
0xc: {  	[smem:$0x3FB1] =	sst s4  }
0xd: {  	[smem:$0x3FB2] =	sst s5  }
0xe: {  	[smem:$0x3FB3] =	sst s6  }
0xf: {  	[smem:$0x3FB4] =	sst s7  }
0x10: {  	[smem:$0x3FB5] =	sst s8  }
0x11: {  	[smem:$0x3FB6] =	sst s9;
	s0 =	simm.s32 @!p0 $0x0  }
0x12: {  	s1 =	sld [smem:$0x3F9C];
	s0 =	simm.s32 @p0 $0x1  }
0x13: {  	[smem:$0x3FB7] =	sst s0;
	s0 =	simm.s32 @!p1 $0x0  }
0x14: {  	s2 =	sld [smem:$0x3F9B];
	s0 =	simm.s32 @p1 $0x1  }
0x15: {  	[smem:$0x3FB8] =	sst s0;
	s0 =	simm.s32 @!p2 $0x0  }
0x16: {  	s3 =	sld [smem:$0x3FDB];
	s0 =	simm.s32 @p2 $0x1  }
0x17: {  	s4 =	simm.s32 $0x1BF5;
	[smem:$0x3FBA] =	sst s0  }
0x18: {  	s0 =	sld [smem:$0x3F9D];
	_ =	swait.ge [sflag:s4], $0x0  }
0x19: {  	s7 =	sld [smem:$0x3F9E]  }
0x1a: {  	s8 =	sadd.s32 $0xFFFFE003, lr  }
0x1b: {  	s9 =	sadd.s32 $0xFFFFFEF7, lr;
	s5 =	simm.s32 $0xFFFFFFFF;
	p2 =	slt.u32 s8, $0xFFFFF086  }
0x1c: {  	p1 =	slt.u32 s9, $0xF7A;
	s5 =	simm.s32 @!p2 $0x0  }
0x1d: {  	s5 =	simm.s32 @p1 $0x1;
	p0 =	seq.s32 s7, s2  }
0x1e: {  	s7 =	smul.u32 @!p0 $0xF7A, s2;
	p2 =	seq.s32 @!p0 s5, $0x0  }
0x1f: {  	s9 =	smul.u32 $0xF7A, s1;
	s8 =	simm.s32 @!p0 $0x1BF5;
	p2 =	por !p2, p0  }
0x20: {  	[sflag:s8] =	ssyncset.s32 @!p0 $0xFFFFF086;
	s6 =	sadd.s32 @!p0 s3, s7;
	s7 =	simm.s32 @!p0 $0x108  }
0x21: {  	s3 =	sadd.s32 s3, s9;
	s6 =	sadd.s32 @!p0 $0x88, s6;
	s7 =	simm.s32 @p2 $0x1082  }
0x22: {  	[simem:s7], [sflag:s8] =	dma.local @!p0 [hbm:s6], $0xF7A  }
0x23: {  	s9 =	sor.u32 $0xD0000000, s2;
	s6 =	simm.s32 $0x108;
	_ =	swait.ge @!p0 [sflag:s8], $0x0  }
0x24: {  	s3 =	sadd.s32 $0x88, s3;
	s6 =	simm.s32 @!p1 $0x1082;
	[sflag:s4] =	ssyncset.s32 $0xFFFFF086  }
0x25: {  	[simem:s6], [sflag:s4] =	dma.local [hbm:s3], $0xF7A  }
0x26: {  	[smem:$0x3F9E] =	sst s1;
	(tag) =	ssettag s2;
	_ =	strace s9  }
0x27: {  	s1 =	sld [smem:$0x3FAE]  }
0x28: {  	s2 =	sld [smem:$0x3FAF]  }
0x29: {  	s4 =	sld [smem:$0x3FB1]  }
0x2a: {  	p0 =	seq.s32 s5, $0x0;
	s5 =	sld [smem:$0x3FB2]  }
0x2b: {  	s6 =	sld [smem:$0x3FB3]  }
0x2c: {  	s7 =	sld [smem:$0x3FB4]  }
0x2d: {  	s3 =	simm.s32 $0x108;
	s8 =	sld [smem:$0x3FB5]  }
0x2e: {  	s3 =	simm.s32 @!p0 $0x1082;
	s9 =	sld [smem:$0x3FB6]  }
0x2f: {  	lr =	sadd.s32 s0, s3;
	s0 =	sld [smem:$0x3FAD]  }
0x30: {  	s3 =	sld [smem:$0x3FB0]  }
0x31: {  	[smem:$0x3FB9] =	sst s10  }
0x32: {  	s10 =	sld [smem:$0x3FB7];
	_ =	sdelay $0x3  }
0x33: {  	p0 =	seq.s32 s10, $0x1;
	s10 =	sld [smem:$0x3FB9];
	_ =	sdelay $0x3  }
0x34: {  	[smem:$0x3FB9] =	sst s10  }
0x35: {  	s10 =	sld [smem:$0x3FB8];
	_ =	sdelay $0x3  }
0x36: {  	p1 =	seq.s32 s10, $0x1;
	s10 =	sld [smem:$0x3FB9];
	_ =	sdelay $0x3  }
0x37: {  	[smem:$0x3FB9] =	sst s10  }
0x38: {  	s10 =	sld [smem:$0x3FBA]  }
0x39: {  	_ = 	snop;
	(pc) =	sbr.ind lr, $3  }
0x3a: {  	_ = 	snop  }
0x3b: {  	_ = 	snop  }
0x3c: {  	p2 =	seq.s32 s10, $0x1;
	s10 =	sld [smem:$0x3FB9]  }
0x3d: {  	_ =	shalt  }
0x3e: {  	_ =	shalt  }
0x3f: {  	_ =	shalt  }
0x40: {  	_ =	shalt  }
0x41: {  	_ =	shalt  }
0x42: {  	_ =	shalt  }
0x43: {  	_ =	shalt  }
0x44: {  	_ =	shalt  }
0x45: {  	_ =	shalt  }
0x46: {  	_ =	shalt  }
0x47: {  	_ =	shalt  }
0x48: {  	_ =	shalt  }
0x49: {  	_ =	shalt  }
0x4a: {  	_ =	shalt  }
0x4b: {  	_ =	shalt  }
0x4c: {  	_ =	shalt  }
0x4d: {  	_ =	shalt  }
0x4e: {  	_ =	shalt  }
0x4f: {  	_ =	shalt  }
0x50: {  	_ =	shalt  }
0x51: {  	_ =	shalt  }
0x52: {  	_ =	shalt  }
0x53: {  	_ =	shalt  }
0x54: {  	_ =	shalt  }
0x55: {  	_ =	shalt  }
0x56: {  	_ =	shalt  }
0x57: {  	_ =	shalt  }
0x58: {  	_ =	shalt  }
0x59: {  	_ =	shalt  }
0x5a: {  	_ =	shalt  }
0x5b: {  	_ =	shalt  }
0x5c: {  	_ =	shalt  }
0x5d: {  	_ =	shalt  }
0x5e: {  	_ =	shalt  }
0x5f: {  	_ =	shalt  }
0x60: {  	_ =	shalt  }
0x61: {  	_ =	shalt  }
0x62: {  	_ =	shalt  }
0x63: {  	_ =	shalt  }
0x64: {  	_ =	shalt  }
0x65: {  	_ =	shalt  }
0x66: {  	_ =	shalt  }
0x67: {  	_ =	shalt  }
0x68: {  	_ =	shalt  }
0x69: {  	_ =	shalt  }
0x6a: {  	_ =	shalt  }
0x6b: {  	_ =	shalt  }
0x6c: {  	_ =	shalt  }
0x6d: {  	_ =	shalt  }
0x6e: {  	_ =	shalt  }
0x6f: {  	_ =	shalt  }
0x70: {  	_ =	shalt  }
0x71: {  	_ =	shalt  }
0x72: {  	_ =	shalt  }
0x73: {  	_ =	shalt  }
0x74: {  	_ =	shalt  }
0x75: {  	_ =	shalt  }
0x76: {  	_ =	shalt  }
0x77: {  	_ =	shalt  }
0x78: {  	_ =	shalt  }
0x79: {  	_ =	shalt  }
0x7a: {  	_ =	shalt  }
0x7b: {  	_ =	shalt  }
0x7c: {  	_ =	shalt  }
0x7d: {  	_ =	shalt  }
0x7e: {  	_ =	shalt  }
0x7f: {  	_ =	shalt  }
0x80: {  	_ =	shalt  }
0x81: {  	_ =	shalt  }
0x82: {  	_ =	shalt  }
0x83: {  	_ =	shalt  }
0x84: {  	_ =	shalt  }
0x85: {  	_ =	shalt  }
0x86: {  	_ =	shalt  }
0x87: {  	_ =	shalt  }
.Lfunc_end0:
.L_simem_size_0:
called_computation_lowered:
.L_overlay_start_0:
0x88: {  	s2 =	sld [smem:$0x3FD9]  }
0x89: {  	s3 =	sld [smem:$0x3FFE];
	_ =	sdelay $0x1  }
0x8a: {  	s1 =	srdreg.scid  }
0x8b: {  	s0 =	sand.u32 $0x1, s1  }
0x8c: {  	s18 =	sshll.u32 s0, $0xA;
	s2 =	sadd.s32 s3, s2  }
0x8d: {  	s2 =	sadd.s32 s2, s18  }
0x8e: {  	[smem:$0x3FC5] =	sst s2  }
0x8f: {  	_ = 	snop  }
0x90: {  	s2 =	sld [smem:$0x3FC9]  }
0x91: {  	s19 =	sld [smem:$0x3FC8]  }
0x92: {  	s4 =	sld [smem:$0x3FC7]  }
0x93: {  	s5 =	sld [smem:$0x3FD0];
	(tm) =	ssettm $0x1  }
0x94: {  	s6 =	sld [smem:$0x3FFB];
	_ =	sdelay $0x3  }
0x95: {  	_ =	strace s6  }
0x96: {  	s6 =	sld [smem:$0x3FFC];
	_ =	sdelay $0x3  }
0x97: {  	_ =	strace s6  }
0x98: {  	s6 =	sld [smem:$0x3FFD];
	_ =	sdelay $0x3  }
0x99: {  	_ =	strace s6  }
0x9a: {  	_ =	strace $0x8FFFFFFF  }
0x9b: {  	s20 =	sld [smem:$0x3FDB];
	_ =	sdelay $0x1  }
0x9c: {  	s7 =	simm.s32 $_scs_section_size  }
0x9d: {  	s8 =	simm.s32 $_size__tile_overlayer_lowered;
	s9 =	simm.s32 $_tile_overlayer_lowered  }
0x9e: {  	s23 =	simm.s32 $0x1BFF;
	s22 =	sshll.u32 s9, $0x1;
	s6 =	sadd.s32 s7, s20  }
0x9f: {  	s10 =	simm.s32 $0x0;
	s21 =	sshll.u32 s8, $0x1;
	s8 =	sadd.s32 s22, s6  }
0xa0: {  	[timem:s10], [sflag:s23] =	dma.local [hbm:s8], s21  }
0xa1: {  	_ =	swait.ge [sflag:s23], s21  }
0xa2: {  	s7 =	ssub.s32 $0x0, s21;
	[sflag:s23] =	ssyncset.done $0x0  }
0xa3: {  	[sflag:s23] =	ssyncadd.s32 s7;
	_ =	sdelay $0x1  }
0xa4: {  	s24 =	simm.s32 $0x1B8B  }
0xa5: {  	_ =	swait.ge [sflag:s24], $0x1  }
0xa6: {  	[sflag:s24] =	ssyncset.done $0x0  }
0xa7: {  	s25 =	simm.s32 $0x1B8E;
	[sflag:s24] =	ssyncadd.s32 $0xFFFFFFFF  }
0xa8: {  	s26 =	simm.s32 $execute0_lowered;
	[smem:$0x3FD2] =	sst s25  }
0xa9: {  	s7 =	sshll.u32 s26, $0x1;
	_ =	strace $0x80000046;
	[dreg:$0x1] =	wrdreg $0xFFFFFFFF  }
0xaa: {  	s28 =	simm.s32 $_size_execute0_lowered;
	s6 =	sadd.s32 s6, s7;
	[dreg:$0x0] =	wrdreg $0x0  }
0xab: {  	s7 =	sshll.u32 s28, $0x1;
	[dreg:$0x2] =	wrdreg s6  }
0xac: {  	[dreg:$0x3] =	wrdreg s7  }
0xad: {  	[dreg:$0x4] =	wrdreg $0xC0  }
0xae: {  	_ =	task [dreg:s10], $0x5FFFF  }
0xaf: {  	[dreg:$0x1] =	wrdreg $0xFFFFFFFF  }
0xb0: {  	[dreg:$0x0] =	wrdreg $0x60  }
0xb1: {  	[dreg:$0x2] =	wrdreg s2  }
0xb2: {  	[dreg:$0x3] =	wrdreg s19  }
0xb3: {  	[dreg:$0x4] =	wrdreg s4  }
0xb4: {  	[dreg:$0x5] =	wrdreg s5  }
0xb5: {  	[dreg:$0x6] =	wrdreg $0x9  }
0xb6: {  	_ =	task.clear_ibuf [dreg:s10], $0x7FFFF;
	_ =	strace $0x90000046  }
0xb7: {  	s29 =	simm.s32 $0x9;
	_ =	strace $0x80000048  }
0xb8: {  	_ =	swait.ge [sflag:s29], $0x1  }
0xb9: {  	[sflag:s29] =	ssyncadd.s32 $0xFFFFFFFF  }
0xba: {  	_ =	strace $0x90000048  }
0xbb: {  	_ =	sfence  }
0xbc: {  	s30 =	sld [smem:$0x0];
	_ =	sdelay $0x2  }
0xbd: {  	s31 =	sshll.u32 s1, $0xD;
	s1 =	sshrl.u32 s1, $0x2  }
0xbe: {  	s3 =	sand.u32 $0x4000, s31;
	s1 =	sadd.s32 s1, s30  }
0xbf: {  	s0 =	sor.u32 s3, s0;
	s1 =	sshll.u32 s1, $0x11  }
0xc0: {  	s0 =	sor.u32 s1, s0  }
0xc1: {  	s0 =	sadd.s32 $0x8F2B, s0  }
0xc2: {  	[sflag:s0] =	ssyncadd.remote.s32 $0x1  }
0xc3: {  	_ =	sfence.sel $0xFFFF  }
0xc4: {  	[dreg:$0x0] =	wrdreg $0xFFFFFFFF;
	(pc) =	sbr.abs _section_cstart, $3  }
0xc5: {  	[dreg:$0x1] =	wrdreg $0xFFFFFFFF  }
0xc6: {  	_ =	task.clear_ibuf [dreg:s10], $0x2FFFF;
	_ =	strace $0x9FFFFFFF  }
0xc7: {  	(tm) =	ssettm $0x7FFFFFFF  }
tec
execute0_lowered:
.L_overlay_start_1:
0x0: {  	(tag) =	ssettag $0x1  }
0x1: {  	s1 =	rddreg [dreg:$0x0]  }
0x2: {  	s10 =	rddreg [dreg:$0x2]  }
0x3: {  	s4 =	rddreg [dreg:$0x3];
	s5 =	simm.s32 $0x0  }
0x4: {  	[smem:$0x7FF] =	sst s5;
	s18 =	sadd.s32 $0x10, s10  }
0x5: {  	s19 =	sadd.s32 $0x20, s10;
	_ =	strace $0x80000047;
	[dreg:$0x6] =	wrdreg s18  }
0x6: {  	s21 =	sadd.s32 $0x30, s10;
	[dreg:$0x7] =	wrdreg s19  }
0x7: {  	s0 =	srdreg.scid;
	s22 =	sadd.s32 $0x40, s10;
	[dreg:$0x8] =	wrdreg s21  }
0x8: {  	s6 =	stileid.u32;
	s23 =	sadd.s32 $0x50, s10;
	[dreg:$0x9] =	wrdreg s22  }
0x9: {  	s0 =	sand.u32 $0x1, s0;
	s24 =	sadd.s32 $0x60, s10;
	[dreg:$0xa] =	wrdreg s23  }
0xa: {  	s7 =	sshll.u32 s6, $0xA;
	s25 =	sadd.s32 $0x70, s10;
	[dreg:$0xb] =	wrdreg s24  }
0xb: {  	s9 =	sshrl.u32 s6, $0x2;
	s26 =	sadd.s32 $0x80, s10;
	[dreg:$0xc] =	wrdreg s25  }
0xc: {  	s28 =	sadd.s32 $0x90, s10;
	s29 =	sadd.s32 $0xA0, s10;
	[dreg:$0xd] =	wrdreg s26  }
0xd: {  	s30 =	sadd.s32 $0xB0, s10;
	s31 =	sshll.u32 s6, $0x12;
	[dreg:$0xe] =	wrdreg s28  }
0xe: {  	s2 =	ssub.s32 $0x2, s0;
	s8 =	sshll.u32 s0, $0x9;
	[dreg:$0xf] =	wrdreg s29  }
0xf: {  	[dreg:$0x10] =	wrdreg s30;
	s0 =	sshll.u32 s0, $0x11;
	s21 =	sadd.s32 $0xC0, s10  }
0x10: {  	s22 =	sadd.s32 $0xD0, s10;
	s24 =	sadd.s32 $0xE0, s10;
	p0 =	seq.s32 s9, $0x3  }
.Ltmp0:
0x11: {  	p1 =	seq.s32 s9, $0x2;
	p2 =	seq.s32 s9, $0x1;
	(pc) =	sbr.rel .LBB2_1-.Ltmp0, $4  }
0x12: {  	s25 =	sadd.s32 $0xF0, s10;
	s26 =	simm.s32 $0x1;
	s3 =	sshrl.u32 s2, $0x1  }
0x13: {  	s18 =	simm.s32 $0x80;
	s0 =	sor.u32 s0, s31;
	s3 =	ssub.s32 s2, s3  }
0x14: {  	s20 =	sor.u32 s8, s7;
	[dreg:$0x11] =	wrdreg s0;
	s3 =	smax.u32 s3, $0x1  }
0x15: {  	s2 =	sand.u32 $0xE00, s20;
	[dreg:$0x5] =	wrdreg s3;
	s3 =	simm.s32 $0x0  }
.LBB2_10:
0x16: {  	s3 =	rddreg [dreg:$0x12]  }
0x17: {  	s0 =	rddreg [dreg:$0x5];
	s3 =	sadd.s32 $0x1, s3  }
0x18: {  	p3 =	sne.s32 s3, s0  }
.Ltmp1:
0x19: {  	_ = 	snop;
	(pc) =	sbr.rel @!p3 .LBB2_11-.Ltmp1, $1  }
0x1a: {  	_ =	sdelay $0x3  }
.LBB2_1:
0x1b: {  	[dreg:$0x12] =	wrdreg s3  }
0x1c: {  	s0 =	rddreg [dreg:$0x1]  }
0x1d: {  	[tilespmem:s5], [sflag:$0x1] =	stream.linear.gather [hbm4b:s0+s5], $0x4, $0x38;
	[tilespmem:$0x10080] =	vst v63  }
0x1e: {  	_ =	swait.ge [sflag:s26], $0x4  }
0x1f: {  	[sflag:s26] =	ssyncset.done $0x0  }
0x20: {  	[sflag:s26] =	ssyncadd.s32 $0xFFFFFFFC  }
0x21: {  	s0 =	rddreg [dreg:$0x2]  }
0x22: {  	v0 =	vld [tilespmem:$0x0];
	[tilespmem:s18], [sflag:$0x1] =	stream.linear.gather [hbm4b:s0+s5], $0x80, $0x38  }
0x23: {  	s7 =	simm.s32 $0x480;
	s3 =	rddreg [dreg:$0x6]  }
0x24: {  	[tilespmem:s7], [sflag:$0x1] =	stream.linear.gather [hbm4b:s3+s5], $0x80, $0x38;
	[tilespmem:$0x10080] =	vst v63  }
0x25: {  	s8 =	simm.s32 $0x880;
	s7 =	rddreg [dreg:$0x7]  }
0x26: {  	[tilespmem:s8], [sflag:$0x1] =	stream.linear.gather [hbm4b:s7+s5], $0x80, $0x38;
	[tilespmem:$0x10080] =	vst v63  }
0x27: {  	s9 =	simm.s32 $0xC80;
	s8 =	rddreg [dreg:$0x8]  }
0x28: {  	[tilespmem:s9], [sflag:$0x1] =	stream.linear.gather [hbm4b:s8+s5], $0x80, $0x38;
	[tilespmem:$0x10080] =	vst v63  }
0x29: {  	s10 =	simm.s32 $0x1080;
	s9 =	rddreg [dreg:$0x9]  }
0x2a: {  	[tilespmem:s10], [sflag:$0x1] =	stream.linear.gather [hbm4b:s9+s5], $0x80, $0x38;
	[tilespmem:$0x10080] =	vst v63  }
0x2b: {  	s12 =	simm.s32 $0x1480;
	s10 =	rddreg [dreg:$0xa]  }
0x2c: {  	[tilespmem:s12], [sflag:$0x1] =	stream.linear.gather [hbm4b:s10+s5], $0x80, $0x38;
	[tilespmem:$0x10080] =	vst v63  }
0x2d: {  	s13 =	simm.s32 $0x1880;
	s12 =	rddreg [dreg:$0xb]  }
0x2e: {  	[tilespmem:s13], [sflag:$0x1] =	stream.linear.gather [hbm4b:s12+s5], $0x80, $0x38;
	[tilespmem:$0x10080] =	vst v63  }
0x2f: {  	s14 =	simm.s32 $0x1C80;
	s13 =	rddreg [dreg:$0xc]  }
0x30: {  	[tilespmem:s14], [sflag:$0x1] =	stream.linear.gather [hbm4b:s13+s5], $0x80, $0x38;
	[tilespmem:$0x10080] =	vst v63  }
0x31: {  	s15 =	simm.s32 $0x2080;
	s14 =	rddreg [dreg:$0xd]  }
0x32: {  	[tilespmem:s15], [sflag:$0x1] =	stream.linear.gather [hbm4b:s14+s5], $0x80, $0x38;
	[tilespmem:$0x10080] =	vst v63  }
0x33: {  	s16 =	simm.s32 $0x2480;
	s15 =	rddreg [dreg:$0xe]  }
0x34: {  	[tilespmem:s16], [sflag:$0x1] =	stream.linear.gather [hbm4b:s15+s5], $0x80, $0x38;
	[tilespmem:$0x10080] =	vst v63  }
0x35: {  	s17 =	simm.s32 $0x2880;
	s16 =	rddreg [dreg:$0xf]  }
0x36: {  	[tilespmem:s17], [sflag:$0x1] =	stream.linear.gather [hbm4b:s16+s5], $0x80, $0x38;
	[tilespmem:$0x10080] =	vst v63  }
0x37: {  	s19 =	simm.s32 $0x2C80;
	s17 =	rddreg [dreg:$0x10]  }
0x38: {  	[tilespmem:s19], [sflag:$0x1] =	stream.linear.gather [hbm4b:s17+s5], $0x80, $0x38;
	[tilespmem:$0x10080] =	vst v63  }
0x39: {  	s28 =	simm.s32 $0x3080  }
0x3a: {  	[tilespmem:s28], [sflag:$0x1] =	stream.linear.gather [hbm4b:s21+s5], $0x80, $0x38;
	[tilespmem:$0x10080] =	vst v63  }
0x3b: {  	s30 =	simm.s32 $0x3480  }
0x3c: {  	[tilespmem:s30], [sflag:$0x1] =	stream.linear.gather [hbm4b:s22+s5], $0x80, $0x38;
	[tilespmem:$0x10080] =	vst v63  }
0x3d: {  	s11 =	simm.s32 $0x3880  }
0x3e: {  	[tilespmem:s11], [sflag:$0x1] =	stream.linear.gather [hbm4b:s24+s5], $0x80, $0x38;
	[tilespmem:$0x10080] =	vst v63  }
0x3f: {  	s23 =	simm.s32 $0x3C80  }
0x40: {  	[tilespmem:s23], [sflag:$0x1] =	stream.linear.gather [hbm4b:s25+s5], $0x80, $0x38;
	[tilespmem:$0x10080] =	vst v63  }
0x41: {  	_ =	swait.ge [sflag:s26], $0x800  }
0x42: {  	[sflag:s26] =	ssyncset.done $0x0  }
0x43: {  	s28 =	simm.s32 $0x100;
	[sflag:s26] =	ssyncadd.s32 $0xFFFFF800  }
0x44: {  	[tilespmem:s28], [sflag:$0x1] =	stream.linear.gather [hbm4b:s0+s5], $0x80, $0x38;
	[tilespmem:$0x10080] =	vst v63  }
0x45: {  	s30 =	simm.s32 $0x500  }
0x46: {  	[tilespmem:s30], [sflag:$0x1] =	stream.linear.gather [hbm4b:s3+s5], $0x80, $0x38;
	[tilespmem:$0x10080] =	vst v63  }
0x47: {  	s11 =	simm.s32 $0x900  }
0x48: {  	[tilespmem:s11], [sflag:$0x1] =	stream.linear.gather [hbm4b:s7+s5], $0x80, $0x38;
	[tilespmem:$0x10080] =	vst v63  }
0x49: {  	s23 =	simm.s32 $0xD00  }
0x4a: {  	[tilespmem:s23], [sflag:$0x1] =	stream.linear.gather [hbm4b:s8+s5], $0x80, $0x38;
	[tilespmem:$0x10080] =	vst v63  }
0x4b: {  	s28 =	simm.s32 $0x1100  }
0x4c: {  	[tilespmem:s28], [sflag:$0x1] =	stream.linear.gather [hbm4b:s9+s5], $0x80, $0x38;
	[tilespmem:$0x10080] =	vst v63  }
0x4d: {  	s30 =	simm.s32 $0x1500  }
0x4e: {  	[tilespmem:s30], [sflag:$0x1] =	stream.linear.gather [hbm4b:s10+s5], $0x80, $0x38;
	[tilespmem:$0x10080] =	vst v63  }
0x4f: {  	s11 =	simm.s32 $0x1900  }
0x50: {  	[tilespmem:s11], [sflag:$0x1] =	stream.linear.gather [hbm4b:s12+s5], $0x80, $0x38;
	[tilespmem:$0x10080] =	vst v63  }
0x51: {  	s23 =	simm.s32 $0x1D00  }
0x52: {  	[tilespmem:s23], [sflag:$0x1] =	stream.linear.gather [hbm4b:s13+s5], $0x80, $0x38;
	[tilespmem:$0x10080] =	vst v63  }
0x53: {  	s28 =	simm.s32 $0x2100  }
0x54: {  	[tilespmem:s28], [sflag:$0x1] =	stream.linear.gather [hbm4b:s14+s5], $0x80, $0x38;
	[tilespmem:$0x10080] =	vst v63  }
0x55: {  	s30 =	simm.s32 $0x2500  }
0x56: {  	[tilespmem:s30], [sflag:$0x1] =	stream.linear.gather [hbm4b:s15+s5], $0x80, $0x38;
	[tilespmem:$0x10080] =	vst v63  }
0x57: {  	s11 =	simm.s32 $0x2900  }
0x58: {  	[tilespmem:s11], [sflag:$0x1] =	stream.linear.gather [hbm4b:s16+s5], $0x80, $0x38;
	[tilespmem:$0x10080] =	vst v63  }
0x59: {  	s23 =	simm.s32 $0x2D00  }
0x5a: {  	[tilespmem:s23], [sflag:$0x1] =	stream.linear.gather [hbm4b:s17+s5], $0x80, $0x38;
	[tilespmem:$0x10080] =	vst v63  }
0x5b: {  	s28 =	simm.s32 $0x3100  }
0x5c: {  	[tilespmem:s28], [sflag:$0x1] =	stream.linear.gather [hbm4b:s21+s5], $0x80, $0x38;
	[tilespmem:$0x10080] =	vst v63  }
0x5d: {  	s30 =	simm.s32 $0x3500  }
0x5e: {  	[tilespmem:s30], [sflag:$0x1] =	stream.linear.gather [hbm4b:s22+s5], $0x80, $0x38;
	[tilespmem:$0x10080] =	vst v63  }
0x5f: {  	s11 =	simm.s32 $0x3900  }
0x60: {  	[tilespmem:s11], [sflag:$0x1] =	stream.linear.gather [hbm4b:s24+s5], $0x80, $0x38;
	[tilespmem:$0x10080] =	vst v63  }
0x61: {  	s23 =	simm.s32 $0x3D00  }
0x62: {  	[tilespmem:s23], [sflag:$0x1] =	stream.linear.gather [hbm4b:s25+s5], $0x80, $0x38;
	[tilespmem:$0x10080] =	vst v63  }
0x63: {  	_ =	swait.ge [sflag:s26], $0x800  }
0x64: {  	[sflag:s26] =	ssyncset.done $0x0  }
0x65: {  	s28 =	simm.s32 $0x180;
	[sflag:s26] =	ssyncadd.s32 $0xFFFFF800  }
0x66: {  	[tilespmem:s28], [sflag:$0x1] =	stream.linear.gather [hbm4b:s0+s5], $0x80, $0x38;
	[tilespmem:$0x10080] =	vst v63  }
0x67: {  	s30 =	simm.s32 $0x580  }
0x68: {  	[tilespmem:s30], [sflag:$0x1] =	stream.linear.gather [hbm4b:s3+s5], $0x80, $0x38;
	[tilespmem:$0x10080] =	vst v63  }
0x69: {  	s11 =	simm.s32 $0x980  }
0x6a: {  	[tilespmem:s11], [sflag:$0x1] =	stream.linear.gather [hbm4b:s7+s5], $0x80, $0x38;
	[tilespmem:$0x10080] =	vst v63  }
0x6b: {  	s23 =	simm.s32 $0xD80  }
0x6c: {  	[tilespmem:s23], [sflag:$0x1] =	stream.linear.gather [hbm4b:s8+s5], $0x80, $0x38;
	[tilespmem:$0x10080] =	vst v63  }
0x6d: {  	s28 =	simm.s32 $0x1180  }
0x6e: {  	[tilespmem:s28], [sflag:$0x1] =	stream.linear.gather [hbm4b:s9+s5], $0x80, $0x38;
	[tilespmem:$0x10080] =	vst v63  }
0x6f: {  	s30 =	simm.s32 $0x1580  }
0x70: {  	[tilespmem:s30], [sflag:$0x1] =	stream.linear.gather [hbm4b:s10+s5], $0x80, $0x38;
	[tilespmem:$0x10080] =	vst v63  }
0x71: {  	s11 =	simm.s32 $0x1980  }
0x72: {  	[tilespmem:s11], [sflag:$0x1] =	stream.linear.gather [hbm4b:s12+s5], $0x80, $0x38;
	[tilespmem:$0x10080] =	vst v63  }
0x73: {  	s23 =	simm.s32 $0x1D80  }
0x74: {  	[tilespmem:s23], [sflag:$0x1] =	stream.linear.gather [hbm4b:s13+s5], $0x80, $0x38;
	[tilespmem:$0x10080] =	vst v63  }
0x75: {  	s28 =	simm.s32 $0x2180  }
0x76: {  	[tilespmem:s28], [sflag:$0x1] =	stream.linear.gather [hbm4b:s14+s5], $0x80, $0x38;
	[tilespmem:$0x10080] =	vst v63  }
0x77: {  	s30 =	simm.s32 $0x2580  }
0x78: {  	[tilespmem:s30], [sflag:$0x1] =	stream.linear.gather [hbm4b:s15+s5], $0x80, $0x38;
	[tilespmem:$0x10080] =	vst v63  }
0x79: {  	s11 =	simm.s32 $0x2980  }
0x7a: {  	[tilespmem:s11], [sflag:$0x1] =	stream.linear.gather [hbm4b:s16+s5], $0x80, $0x38;
	[tilespmem:$0x10080] =	vst v63  }
0x7b: {  	s23 =	simm.s32 $0x2D80  }
0x7c: {  	[tilespmem:s23], [sflag:$0x1] =	stream.linear.gather [hbm4b:s17+s5], $0x80, $0x38;
	[tilespmem:$0x10080] =	vst v63  }
0x7d: {  	s28 =	simm.s32 $0x3180  }
0x7e: {  	[tilespmem:s28], [sflag:$0x1] =	stream.linear.gather [hbm4b:s21+s5], $0x80, $0x38;
	[tilespmem:$0x10080] =	vst v63  }
0x7f: {  	s30 =	simm.s32 $0x3580  }
0x80: {  	[tilespmem:s30], [sflag:$0x1] =	stream.linear.gather [hbm4b:s22+s5], $0x80, $0x38;
	[tilespmem:$0x10080] =	vst v63  }
0x81: {  	s11 =	simm.s32 $0x3980  }
0x82: {  	[tilespmem:s11], [sflag:$0x1] =	stream.linear.gather [hbm4b:s24+s5], $0x80, $0x38;
	[tilespmem:$0x10080] =	vst v63  }
0x83: {  	s23 =	simm.s32 $0x3D80  }
0x84: {  	[tilespmem:s23], [sflag:$0x1] =	stream.linear.gather [hbm4b:s25+s5], $0x80, $0x38;
	[tilespmem:$0x10080] =	vst v63  }
0x85: {  	_ =	swait.ge [sflag:s26], $0x800  }
0x86: {  	[sflag:s26] =	ssyncset.done $0x0  }
0x87: {  	s28 =	simm.s32 $0x200;
	[sflag:s26] =	ssyncadd.s32 $0xFFFFF800  }
0x88: {  	[tilespmem:s28], [sflag:$0x1] =	stream.linear.gather [hbm4b:s0+s5], $0x80, $0x38;
	[tilespmem:$0x10080] =	vst v63  }
0x89: {  	s30 =	simm.s32 $0x600  }
0x8a: {  	[tilespmem:s30], [sflag:$0x1] =	stream.linear.gather [hbm4b:s3+s5], $0x80, $0x38;
	[tilespmem:$0x10080] =	vst v63  }
0x8b: {  	s11 =	simm.s32 $0xA00  }
0x8c: {  	[tilespmem:s11], [sflag:$0x1] =	stream.linear.gather [hbm4b:s7+s5], $0x80, $0x38;
	[tilespmem:$0x10080] =	vst v63  }
0x8d: {  	s23 =	simm.s32 $0xE00  }
0x8e: {  	[tilespmem:s23], [sflag:$0x1] =	stream.linear.gather [hbm4b:s8+s5], $0x80, $0x38;
	[tilespmem:$0x10080] =	vst v63  }
0x8f: {  	s28 =	simm.s32 $0x1200  }
0x90: {  	[tilespmem:s28], [sflag:$0x1] =	stream.linear.gather [hbm4b:s9+s5], $0x80, $0x38;
	[tilespmem:$0x10080] =	vst v63  }
0x91: {  	s30 =	simm.s32 $0x1600  }
0x92: {  	[tilespmem:s30], [sflag:$0x1] =	stream.linear.gather [hbm4b:s10+s5], $0x80, $0x38;
	[tilespmem:$0x10080] =	vst v63  }
0x93: {  	s11 =	simm.s32 $0x1A00  }
0x94: {  	[tilespmem:s11], [sflag:$0x1] =	stream.linear.gather [hbm4b:s12+s5], $0x80, $0x38;
	[tilespmem:$0x10080] =	vst v63  }
0x95: {  	s23 =	simm.s32 $0x1E00  }
0x96: {  	[tilespmem:s23], [sflag:$0x1] =	stream.linear.gather [hbm4b:s13+s5], $0x80, $0x38;
	[tilespmem:$0x10080] =	vst v63  }
0x97: {  	s28 =	simm.s32 $0x2200  }
0x98: {  	[tilespmem:s28], [sflag:$0x1] =	stream.linear.gather [hbm4b:s14+s5], $0x80, $0x38;
	[tilespmem:$0x10080] =	vst v63  }
0x99: {  	s30 =	simm.s32 $0x2600  }
0x9a: {  	[tilespmem:s30], [sflag:$0x1] =	stream.linear.gather [hbm4b:s15+s5], $0x80, $0x38;
	[tilespmem:$0x10080] =	vst v63  }
0x9b: {  	s11 =	simm.s32 $0x2A00  }
0x9c: {  	[tilespmem:s11], [sflag:$0x1] =	stream.linear.gather [hbm4b:s16+s5], $0x80, $0x38;
	[tilespmem:$0x10080] =	vst v63  }
0x9d: {  	s23 =	simm.s32 $0x2E00  }
0x9e: {  	[tilespmem:s23], [sflag:$0x1] =	stream.linear.gather [hbm4b:s17+s5], $0x80, $0x38;
	[tilespmem:$0x10080] =	vst v63  }
0x9f: {  	s28 =	simm.s32 $0x3200  }
0xa0: {  	[tilespmem:s28], [sflag:$0x1] =	stream.linear.gather [hbm4b:s21+s5], $0x80, $0x38;
	[tilespmem:$0x10080] =	vst v63  }
0xa1: {  	s30 =	simm.s32 $0x3600  }
0xa2: {  	[tilespmem:s30], [sflag:$0x1] =	stream.linear.gather [hbm4b:s22+s5], $0x80, $0x38;
	[tilespmem:$0x10080] =	vst v63  }
0xa3: {  	s11 =	simm.s32 $0x3A00  }
0xa4: {  	[tilespmem:s11], [sflag:$0x1] =	stream.linear.gather [hbm4b:s24+s5], $0x80, $0x38;
	[tilespmem:$0x10080] =	vst v63  }
0xa5: {  	s23 =	simm.s32 $0x3E00  }
0xa6: {  	[tilespmem:s23], [sflag:$0x1] =	stream.linear.gather [hbm4b:s25+s5], $0x80, $0x38;
	[tilespmem:$0x10080] =	vst v63  }
0xa7: {  	_ =	swait.ge [sflag:s26], $0x800  }
0xa8: {  	[sflag:s26] =	ssyncset.done $0x0  }
0xa9: {  	s28 =	simm.s32 $0x280;
	[sflag:s26] =	ssyncadd.s32 $0xFFFFF800  }
0xaa: {  	[tilespmem:s28], [sflag:$0x1] =	stream.linear.gather [hbm4b:s0+s5], $0x80, $0x38;
	[tilespmem:$0x10080] =	vst v63  }
0xab: {  	s30 =	simm.s32 $0x680  }
0xac: {  	[tilespmem:s30], [sflag:$0x1] =	stream.linear.gather [hbm4b:s3+s5], $0x80, $0x38;
	[tilespmem:$0x10080] =	vst v63  }
0xad: {  	s11 =	simm.s32 $0xA80  }
0xae: {  	[tilespmem:s11], [sflag:$0x1] =	stream.linear.gather [hbm4b:s7+s5], $0x80, $0x38;
	[tilespmem:$0x10080] =	vst v63  }
0xaf: {  	s23 =	simm.s32 $0xE80  }
0xb0: {  	[tilespmem:s23], [sflag:$0x1] =	stream.linear.gather [hbm4b:s8+s5], $0x80, $0x38;
	[tilespmem:$0x10080] =	vst v63  }
0xb1: {  	s28 =	simm.s32 $0x1280  }
0xb2: {  	[tilespmem:s28], [sflag:$0x1] =	stream.linear.gather [hbm4b:s9+s5], $0x80, $0x38;
	[tilespmem:$0x10080] =	vst v63  }
0xb3: {  	s30 =	simm.s32 $0x1680  }
0xb4: {  	[tilespmem:s30], [sflag:$0x1] =	stream.linear.gather [hbm4b:s10+s5], $0x80, $0x38;
	[tilespmem:$0x10080] =	vst v63  }
0xb5: {  	s11 =	simm.s32 $0x1A80  }
0xb6: {  	[tilespmem:s11], [sflag:$0x1] =	stream.linear.gather [hbm4b:s12+s5], $0x80, $0x38;
	[tilespmem:$0x10080] =	vst v63  }
0xb7: {  	s23 =	simm.s32 $0x1E80  }
0xb8: {  	[tilespmem:s23], [sflag:$0x1] =	stream.linear.gather [hbm4b:s13+s5], $0x80, $0x38;
	[tilespmem:$0x10080] =	vst v63  }
0xb9: {  	s28 =	simm.s32 $0x2280  }
0xba: {  	[tilespmem:s28], [sflag:$0x1] =	stream.linear.gather [hbm4b:s14+s5], $0x80, $0x38;
	[tilespmem:$0x10080] =	vst v63  }
0xbb: {  	s30 =	simm.s32 $0x2680  }
0xbc: {  	[tilespmem:s30], [sflag:$0x1] =	stream.linear.gather [hbm4b:s15+s5], $0x80, $0x38;
	[tilespmem:$0x10080] =	vst v63  }
0xbd: {  	s11 =	simm.s32 $0x2A80  }
0xbe: {  	[tilespmem:s11], [sflag:$0x1] =	stream.linear.gather [hbm4b:s16+s5], $0x80, $0x38;
	[tilespmem:$0x10080] =	vst v63  }
0xbf: {  	s23 =	simm.s32 $0x2E80  }
0xc0: {  	[tilespmem:s23], [sflag:$0x1] =	stream.linear.gather [hbm4b:s17+s5], $0x80, $0x38;
	[tilespmem:$0x10080] =	vst v63  }
0xc1: {  	s28 =	simm.s32 $0x3280  }
0xc2: {  	[tilespmem:s28], [sflag:$0x1] =	stream.linear.gather [hbm4b:s21+s5], $0x80, $0x38;
	[tilespmem:$0x10080] =	vst v63  }
0xc3: {  	s30 =	simm.s32 $0x3680  }
0xc4: {  	[tilespmem:s30], [sflag:$0x1] =	stream.linear.gather [hbm4b:s22+s5], $0x80, $0x38;
	[tilespmem:$0x10080] =	vst v63  }
0xc5: {  	s11 =	simm.s32 $0x3A80  }
0xc6: {  	[tilespmem:s11], [sflag:$0x1] =	stream.linear.gather [hbm4b:s24+s5], $0x80, $0x38;
	[tilespmem:$0x10080] =	vst v63  }
0xc7: {  	s23 =	simm.s32 $0x3E80  }
0xc8: {  	[tilespmem:s23], [sflag:$0x1] =	stream.linear.gather [hbm4b:s25+s5], $0x80, $0x38;
	[tilespmem:$0x10080] =	vst v63  }
0xc9: {  	_ =	swait.ge [sflag:s26], $0x800  }
0xca: {  	[sflag:s26] =	ssyncset.done $0x0  }
0xcb: {  	s28 =	simm.s32 $0x300;
	[sflag:s26] =	ssyncadd.s32 $0xFFFFF800  }
0xcc: {  	[tilespmem:s28], [sflag:$0x1] =	stream.linear.gather [hbm4b:s0+s5], $0x80, $0x38;
	[tilespmem:$0x10080] =	vst v63  }
0xcd: {  	s30 =	simm.s32 $0x700  }
0xce: {  	[tilespmem:s30], [sflag:$0x1] =	stream.linear.gather [hbm4b:s3+s5], $0x80, $0x38;
	[tilespmem:$0x10080] =	vst v63  }
0xcf: {  	s11 =	simm.s32 $0xB00  }
0xd0: {  	[tilespmem:s11], [sflag:$0x1] =	stream.linear.gather [hbm4b:s7+s5], $0x80, $0x38;
	[tilespmem:$0x10080] =	vst v63  }
0xd1: {  	s23 =	simm.s32 $0xF00  }
0xd2: {  	[tilespmem:s23], [sflag:$0x1] =	stream.linear.gather [hbm4b:s8+s5], $0x80, $0x38;
	[tilespmem:$0x10080] =	vst v63  }
0xd3: {  	s28 =	simm.s32 $0x1300  }
0xd4: {  	[tilespmem:s28], [sflag:$0x1] =	stream.linear.gather [hbm4b:s9+s5], $0x80, $0x38;
	[tilespmem:$0x10080] =	vst v63  }
0xd5: {  	s30 =	simm.s32 $0x1700  }
0xd6: {  	[tilespmem:s30], [sflag:$0x1] =	stream.linear.gather [hbm4b:s10+s5], $0x80, $0x38;
	[tilespmem:$0x10080] =	vst v63  }
0xd7: {  	s11 =	simm.s32 $0x1B00  }
0xd8: {  	[tilespmem:s11], [sflag:$0x1] =	stream.linear.gather [hbm4b:s12+s5], $0x80, $0x38;
	[tilespmem:$0x10080] =	vst v63  }
0xd9: {  	s23 =	simm.s32 $0x1F00  }
0xda: {  	[tilespmem:s23], [sflag:$0x1] =	stream.linear.gather [hbm4b:s13+s5], $0x80, $0x38;
	[tilespmem:$0x10080] =	vst v63  }
0xdb: {  	s28 =	simm.s32 $0x2300  }
0xdc: {  	[tilespmem:s28], [sflag:$0x1] =	stream.linear.gather [hbm4b:s14+s5], $0x80, $0x38;
	[tilespmem:$0x10080] =	vst v63  }
0xdd: {  	s30 =	simm.s32 $0x2700  }
0xde: {  	[tilespmem:s30], [sflag:$0x1] =	stream.linear.gather [hbm4b:s15+s5], $0x80, $0x38;
	[tilespmem:$0x10080] =	vst v63  }
0xdf: {  	s11 =	simm.s32 $0x2B00  }
0xe0: {  	[tilespmem:s11], [sflag:$0x1] =	stream.linear.gather [hbm4b:s16+s5], $0x80, $0x38;
	[tilespmem:$0x10080] =	vst v63  }
0xe1: {  	s23 =	simm.s32 $0x2F00  }
0xe2: {  	[tilespmem:s23], [sflag:$0x1] =	stream.linear.gather [hbm4b:s17+s5], $0x80, $0x38;
	[tilespmem:$0x10080] =	vst v63  }
0xe3: {  	s28 =	simm.s32 $0x3300  }
0xe4: {  	[tilespmem:s28], [sflag:$0x1] =	stream.linear.gather [hbm4b:s21+s5], $0x80, $0x38;
	[tilespmem:$0x10080] =	vst v63  }
0xe5: {  	s30 =	simm.s32 $0x3700  }
0xe6: {  	[tilespmem:s30], [sflag:$0x1] =	stream.linear.gather [hbm4b:s22+s5], $0x80, $0x38;
	[tilespmem:$0x10080] =	vst v63  }
0xe7: {  	s11 =	simm.s32 $0x3B00  }
0xe8: {  	[tilespmem:s11], [sflag:$0x1] =	stream.linear.gather [hbm4b:s24+s5], $0x80, $0x38;
	[tilespmem:$0x10080] =	vst v63  }
0xe9: {  	s23 =	simm.s32 $0x3F00  }
0xea: {  	[tilespmem:s23], [sflag:$0x1] =	stream.linear.gather [hbm4b:s25+s5], $0x80, $0x38;
	[tilespmem:$0x10080] =	vst v63  }
0xeb: {  	_ =	swait.ge [sflag:s26], $0x800  }
0xec: {  	[sflag:s26] =	ssyncset.done $0x0  }
0xed: {  	s28 =	simm.s32 $0x380;
	[sflag:s26] =	ssyncadd.s32 $0xFFFFF800  }
0xee: {  	[tilespmem:s28], [sflag:$0x1] =	stream.linear.gather [hbm4b:s0+s5], $0x80, $0x38;
	[tilespmem:$0x10080] =	vst v63  }
0xef: {  	s30 =	simm.s32 $0x780  }
0xf0: {  	[tilespmem:s30], [sflag:$0x1] =	stream.linear.gather [hbm4b:s3+s5], $0x80, $0x38;
	[tilespmem:$0x10080] =	vst v63  }
0xf1: {  	s11 =	simm.s32 $0xB80  }
0xf2: {  	[tilespmem:s11], [sflag:$0x1] =	stream.linear.gather [hbm4b:s7+s5], $0x80, $0x38;
	[tilespmem:$0x10080] =	vst v63  }
0xf3: {  	s23 =	simm.s32 $0xF80  }
0xf4: {  	[tilespmem:s23], [sflag:$0x1] =	stream.linear.gather [hbm4b:s8+s5], $0x80, $0x38;
	[tilespmem:$0x10080] =	vst v63  }
0xf5: {  	s28 =	simm.s32 $0x1380  }
0xf6: {  	[tilespmem:s28], [sflag:$0x1] =	stream.linear.gather [hbm4b:s9+s5], $0x80, $0x38;
	[tilespmem:$0x10080] =	vst v63  }
0xf7: {  	s30 =	simm.s32 $0x1780  }
0xf8: {  	[tilespmem:s30], [sflag:$0x1] =	stream.linear.gather [hbm4b:s10+s5], $0x80, $0x38;
	[tilespmem:$0x10080] =	vst v63  }
0xf9: {  	s11 =	simm.s32 $0x1B80  }
0xfa: {  	[tilespmem:s11], [sflag:$0x1] =	stream.linear.gather [hbm4b:s12+s5], $0x80, $0x38;
	[tilespmem:$0x10080] =	vst v63  }
0xfb: {  	s23 =	simm.s32 $0x1F80  }
0xfc: {  	[tilespmem:s23], [sflag:$0x1] =	stream.linear.gather [hbm4b:s13+s5], $0x80, $0x38;
	[tilespmem:$0x10080] =	vst v63  }
0xfd: {  	s28 =	simm.s32 $0x2380  }
0xfe: {  	[tilespmem:s28], [sflag:$0x1] =	stream.linear.gather [hbm4b:s14+s5], $0x80, $0x38;
	[tilespmem:$0x10080] =	vst v63  }
0xff: {  	s30 =	simm.s32 $0x2780  }
0x100: {  	[tilespmem:s30], [sflag:$0x1] =	stream.linear.gather [hbm4b:s15+s5], $0x80, $0x38;
	[tilespmem:$0x10080] =	vst v63  }
0x101: {  	s11 =	simm.s32 $0x2B80  }
0x102: {  	[tilespmem:s11], [sflag:$0x1] =	stream.linear.gather [hbm4b:s16+s5], $0x80, $0x38;
	[tilespmem:$0x10080] =	vst v63  }
0x103: {  	s23 =	simm.s32 $0x2F80  }
0x104: {  	[tilespmem:s23], [sflag:$0x1] =	stream.linear.gather [hbm4b:s17+s5], $0x80, $0x38;
	[tilespmem:$0x10080] =	vst v63  }
0x105: {  	s28 =	simm.s32 $0x3380  }
0x106: {  	[tilespmem:s28], [sflag:$0x1] =	stream.linear.gather [hbm4b:s21+s5], $0x80, $0x38;
	[tilespmem:$0x10080] =	vst v63  }
0x107: {  	s30 =	simm.s32 $0x3780  }
0x108: {  	[tilespmem:s30], [sflag:$0x1] =	stream.linear.gather [hbm4b:s22+s5], $0x80, $0x38;
	[tilespmem:$0x10080] =	vst v63  }
0x109: {  	s11 =	simm.s32 $0x3B80  }
0x10a: {  	[tilespmem:s11], [sflag:$0x1] =	stream.linear.gather [hbm4b:s24+s5], $0x80, $0x38;
	[tilespmem:$0x10080] =	vst v63  }
0x10b: {  	s23 =	simm.s32 $0x3F80  }
0x10c: {  	[tilespmem:s23], [sflag:$0x1] =	stream.linear.gather [hbm4b:s25+s5], $0x80, $0x38;
	[tilespmem:$0x10080] =	vst v63  }
0x10d: {  	_ =	swait.ge [sflag:s26], $0x800  }
0x10e: {  	[sflag:s26] =	ssyncset.done $0x0  }
0x10f: {  	s28 =	simm.s32 $0x400;
	[sflag:s26] =	ssyncadd.s32 $0xFFFFF800  }
0x110: {  	[tilespmem:s28], [sflag:$0x1] =	stream.linear.gather [hbm4b:s0+s5], $0x80, $0x38;
	[tilespmem:$0x10080] =	vst v63  }
0x111: {  	s30 =	simm.s32 $0x800  }
0x112: {  	[tilespmem:s30], [sflag:$0x1] =	stream.linear.gather [hbm4b:s3+s5], $0x80, $0x38;
	[tilespmem:$0x10080] =	vst v63  }
0x113: {  	s11 =	simm.s32 $0xC00  }
0x114: {  	[tilespmem:s11], [sflag:$0x1] =	stream.linear.gather [hbm4b:s7+s5], $0x80, $0x38;
	[tilespmem:$0x10080] =	vst v63  }
0x115: {  	s23 =	simm.s32 $0x1000  }
0x116: {  	[tilespmem:s23], [sflag:$0x1] =	stream.linear.gather [hbm4b:s8+s5], $0x80, $0x38;
	[tilespmem:$0x10080] =	vst v63  }
0x117: {  	s28 =	simm.s32 $0x1400  }
0x118: {  	[tilespmem:s28], [sflag:$0x1] =	stream.linear.gather [hbm4b:s9+s5], $0x80, $0x38;
	[tilespmem:$0x10080] =	vst v63  }
0x119: {  	s30 =	simm.s32 $0x1800  }
0x11a: {  	[tilespmem:s30], [sflag:$0x1] =	stream.linear.gather [hbm4b:s10+s5], $0x80, $0x38;
	[tilespmem:$0x10080] =	vst v63  }
0x11b: {  	s11 =	simm.s32 $0x1C00  }
0x11c: {  	[tilespmem:s11], [sflag:$0x1] =	stream.linear.gather [hbm4b:s12+s5], $0x80, $0x38;
	[tilespmem:$0x10080] =	vst v63  }
0x11d: {  	s23 =	simm.s32 $0x2000  }
0x11e: {  	[tilespmem:s23], [sflag:$0x1] =	stream.linear.gather [hbm4b:s13+s5], $0x80, $0x38;
	[tilespmem:$0x10080] =	vst v63  }
0x11f: {  	s28 =	simm.s32 $0x2400  }
0x120: {  	[tilespmem:s28], [sflag:$0x1] =	stream.linear.gather [hbm4b:s14+s5], $0x80, $0x38;
	[tilespmem:$0x10080] =	vst v63  }
0x121: {  	s30 =	simm.s32 $0x2800  }
0x122: {  	[tilespmem:s30], [sflag:$0x1] =	stream.linear.gather [hbm4b:s15+s5], $0x80, $0x38;
	[tilespmem:$0x10080] =	vst v63  }
0x123: {  	s11 =	simm.s32 $0x2C00  }
0x124: {  	[tilespmem:s11], [sflag:$0x1] =	stream.linear.gather [hbm4b:s16+s5], $0x80, $0x38;
	[tilespmem:$0x10080] =	vst v63  }
0x125: {  	s23 =	simm.s32 $0x3000  }
0x126: {  	[tilespmem:s23], [sflag:$0x1] =	stream.linear.gather [hbm4b:s17+s5], $0x80, $0x38;
	[tilespmem:$0x10080] =	vst v63  }
0x127: {  	s28 =	simm.s32 $0x3400  }
0x128: {  	[tilespmem:s28], [sflag:$0x1] =	stream.linear.gather [hbm4b:s21+s5], $0x80, $0x38;
	[tilespmem:$0x10080] =	vst v63  }
0x129: {  	s30 =	simm.s32 $0x3800  }
0x12a: {  	[tilespmem:s30], [sflag:$0x1] =	stream.linear.gather [hbm4b:s22+s5], $0x80, $0x38;
	[tilespmem:$0x10080] =	vst v63  }
0x12b: {  	s11 =	simm.s32 $0x3C00  }
0x12c: {  	[tilespmem:s11], [sflag:$0x1] =	stream.linear.gather [hbm4b:s24+s5], $0x80, $0x38;
	[tilespmem:$0x10080] =	vst v63  }
0x12d: {  	s23 =	simm.s32 $0x4000  }
0x12e: {  	[tilespmem:s23], [sflag:$0x1] =	stream.linear.gather [hbm4b:s25+s5], $0x80, $0x38;
	[tilespmem:$0x10080] =	vst v63  }
0x12f: {  	_ =	swait.ge [sflag:s26], $0x800  }
0x130: {  	[sflag:s26] =	ssyncset.done $0x0  }
0x131: {  	s28 =	simm.s32 $0x4080;
	[sflag:s26] =	ssyncadd.s32 $0xFFFFF800  }
0x132: {  	[tilespmem:s28], [sflag:$0x1] =	stream.linear.gather [hbm4b:s0+s5], $0x80, $0x38;
	[tilespmem:$0x10080] =	vst v63  }
0x133: {  	s30 =	simm.s32 $0x4480  }
0x134: {  	[tilespmem:s30], [sflag:$0x1] =	stream.linear.gather [hbm4b:s3+s5], $0x80, $0x38;
	[tilespmem:$0x10080] =	vst v63  }
0x135: {  	s11 =	simm.s32 $0x4880  }
0x136: {  	[tilespmem:s11], [sflag:$0x1] =	stream.linear.gather [hbm4b:s7+s5], $0x80, $0x38;
	[tilespmem:$0x10080] =	vst v63  }
0x137: {  	s23 =	simm.s32 $0x4C80  }
0x138: {  	[tilespmem:s23], [sflag:$0x1] =	stream.linear.gather [hbm4b:s8+s5], $0x80, $0x38;
	[tilespmem:$0x10080] =	vst v63  }
0x139: {  	s28 =	simm.s32 $0x5080  }
0x13a: {  	[tilespmem:s28], [sflag:$0x1] =	stream.linear.gather [hbm4b:s9+s5], $0x80, $0x38;
	[tilespmem:$0x10080] =	vst v63  }
0x13b: {  	s30 =	simm.s32 $0x5480  }
0x13c: {  	[tilespmem:s30], [sflag:$0x1] =	stream.linear.gather [hbm4b:s10+s5], $0x80, $0x38;
	[tilespmem:$0x10080] =	vst v63  }
0x13d: {  	s11 =	simm.s32 $0x5880  }
0x13e: {  	[tilespmem:s11], [sflag:$0x1] =	stream.linear.gather [hbm4b:s12+s5], $0x80, $0x38;
	[tilespmem:$0x10080] =	vst v63  }
0x13f: {  	s23 =	simm.s32 $0x5C80  }
0x140: {  	[tilespmem:s23], [sflag:$0x1] =	stream.linear.gather [hbm4b:s13+s5], $0x80, $0x38;
	[tilespmem:$0x10080] =	vst v63  }
0x141: {  	s28 =	simm.s32 $0x6080  }
0x142: {  	[tilespmem:s28], [sflag:$0x1] =	stream.linear.gather [hbm4b:s14+s5], $0x80, $0x38;
	[tilespmem:$0x10080] =	vst v63  }
0x143: {  	s30 =	simm.s32 $0x6480  }
0x144: {  	[tilespmem:s30], [sflag:$0x1] =	stream.linear.gather [hbm4b:s15+s5], $0x80, $0x38;
	[tilespmem:$0x10080] =	vst v63  }
0x145: {  	s11 =	simm.s32 $0x6880  }
0x146: {  	[tilespmem:s11], [sflag:$0x1] =	stream.linear.gather [hbm4b:s16+s5], $0x80, $0x38;
	[tilespmem:$0x10080] =	vst v63  }
0x147: {  	s23 =	simm.s32 $0x6C80  }
0x148: {  	[tilespmem:s23], [sflag:$0x1] =	stream.linear.gather [hbm4b:s17+s5], $0x80, $0x38;
	[tilespmem:$0x10080] =	vst v63  }
0x149: {  	s28 =	simm.s32 $0x7080  }
0x14a: {  	[tilespmem:s28], [sflag:$0x1] =	stream.linear.gather [hbm4b:s21+s5], $0x80, $0x38;
	[tilespmem:$0x10080] =	vst v63  }
0x14b: {  	s30 =	simm.s32 $0x7480  }
0x14c: {  	[tilespmem:s30], [sflag:$0x1] =	stream.linear.gather [hbm4b:s22+s5], $0x80, $0x38;
	[tilespmem:$0x10080] =	vst v63  }
0x14d: {  	s11 =	simm.s32 $0x7880  }
0x14e: {  	[tilespmem:s11], [sflag:$0x1] =	stream.linear.gather [hbm4b:s24+s5], $0x80, $0x38;
	[tilespmem:$0x10080] =	vst v63  }
0x14f: {  	s23 =	simm.s32 $0x7C80  }
0x150: {  	[tilespmem:s23], [sflag:$0x1] =	stream.linear.gather [hbm4b:s25+s5], $0x80, $0x38;
	[tilespmem:$0x10080] =	vst v63  }
0x151: {  	_ =	swait.ge [sflag:s26], $0x800  }
0x152: {  	[sflag:s26] =	ssyncset.done $0x0  }
0x153: {  	s28 =	simm.s32 $0x4100;
	[sflag:s26] =	ssyncadd.s32 $0xFFFFF800  }
0x154: {  	[tilespmem:s28], [sflag:$0x1] =	stream.linear.gather [hbm4b:s0+s5], $0x80, $0x38;
	[tilespmem:$0x10080] =	vst v63  }
0x155: {  	s30 =	simm.s32 $0x4500  }
0x156: {  	[tilespmem:s30], [sflag:$0x1] =	stream.linear.gather [hbm4b:s3+s5], $0x80, $0x38;
	[tilespmem:$0x10080] =	vst v63  }
0x157: {  	s11 =	simm.s32 $0x4900  }
0x158: {  	[tilespmem:s11], [sflag:$0x1] =	stream.linear.gather [hbm4b:s7+s5], $0x80, $0x38;
	[tilespmem:$0x10080] =	vst v63  }
0x159: {  	s23 =	simm.s32 $0x4D00  }
0x15a: {  	[tilespmem:s23], [sflag:$0x1] =	stream.linear.gather [hbm4b:s8+s5], $0x80, $0x38;
	[tilespmem:$0x10080] =	vst v63  }
0x15b: {  	s28 =	simm.s32 $0x5100  }
0x15c: {  	[tilespmem:s28], [sflag:$0x1] =	stream.linear.gather [hbm4b:s9+s5], $0x80, $0x38;
	[tilespmem:$0x10080] =	vst v63  }
0x15d: {  	s30 =	simm.s32 $0x5500  }
0x15e: {  	[tilespmem:s30], [sflag:$0x1] =	stream.linear.gather [hbm4b:s10+s5], $0x80, $0x38;
	[tilespmem:$0x10080] =	vst v63  }
0x15f: {  	s11 =	simm.s32 $0x5900  }
0x160: {  	[tilespmem:s11], [sflag:$0x1] =	stream.linear.gather [hbm4b:s12+s5], $0x80, $0x38;
	[tilespmem:$0x10080] =	vst v63  }
0x161: {  	s23 =	simm.s32 $0x5D00  }
0x162: {  	[tilespmem:s23], [sflag:$0x1] =	stream.linear.gather [hbm4b:s13+s5], $0x80, $0x38;
	[tilespmem:$0x10080] =	vst v63  }
0x163: {  	s28 =	simm.s32 $0x6100  }
0x164: {  	[tilespmem:s28], [sflag:$0x1] =	stream.linear.gather [hbm4b:s14+s5], $0x80, $0x38;
	[tilespmem:$0x10080] =	vst v63  }
0x165: {  	s30 =	simm.s32 $0x6500  }
0x166: {  	[tilespmem:s30], [sflag:$0x1] =	stream.linear.gather [hbm4b:s15+s5], $0x80, $0x38;
	[tilespmem:$0x10080] =	vst v63  }
0x167: {  	s11 =	simm.s32 $0x6900  }
0x168: {  	[tilespmem:s11], [sflag:$0x1] =	stream.linear.gather [hbm4b:s16+s5], $0x80, $0x38;
	[tilespmem:$0x10080] =	vst v63  }
0x169: {  	s23 =	simm.s32 $0x6D00  }
0x16a: {  	[tilespmem:s23], [sflag:$0x1] =	stream.linear.gather [hbm4b:s17+s5], $0x80, $0x38;
	[tilespmem:$0x10080] =	vst v63  }
0x16b: {  	s28 =	simm.s32 $0x7100  }
0x16c: {  	[tilespmem:s28], [sflag:$0x1] =	stream.linear.gather [hbm4b:s21+s5], $0x80, $0x38;
	[tilespmem:$0x10080] =	vst v63  }
0x16d: {  	s30 =	simm.s32 $0x7500  }
0x16e: {  	[tilespmem:s30], [sflag:$0x1] =	stream.linear.gather [hbm4b:s22+s5], $0x80, $0x38;
	[tilespmem:$0x10080] =	vst v63  }
0x16f: {  	s11 =	simm.s32 $0x7900  }
0x170: {  	[tilespmem:s11], [sflag:$0x1] =	stream.linear.gather [hbm4b:s24+s5], $0x80, $0x38;
	[tilespmem:$0x10080] =	vst v63  }
0x171: {  	s23 =	simm.s32 $0x7D00  }
0x172: {  	[tilespmem:s23], [sflag:$0x1] =	stream.linear.gather [hbm4b:s25+s5], $0x80, $0x38;
	[tilespmem:$0x10080] =	vst v63  }
0x173: {  	_ =	swait.ge [sflag:s26], $0x800  }
0x174: {  	[sflag:s26] =	ssyncset.done $0x0  }
0x175: {  	s28 =	simm.s32 $0x4180;
	[sflag:s26] =	ssyncadd.s32 $0xFFFFF800  }
0x176: {  	[tilespmem:s28], [sflag:$0x1] =	stream.linear.gather [hbm4b:s0+s5], $0x80, $0x38;
	[tilespmem:$0x10080] =	vst v63  }
0x177: {  	s30 =	simm.s32 $0x4580  }
0x178: {  	[tilespmem:s30], [sflag:$0x1] =	stream.linear.gather [hbm4b:s3+s5], $0x80, $0x38;
	[tilespmem:$0x10080] =	vst v63  }
0x179: {  	s11 =	simm.s32 $0x4980  }
0x17a: {  	[tilespmem:s11], [sflag:$0x1] =	stream.linear.gather [hbm4b:s7+s5], $0x80, $0x38;
	[tilespmem:$0x10080] =	vst v63  }
0x17b: {  	s23 =	simm.s32 $0x4D80  }
0x17c: {  	[tilespmem:s23], [sflag:$0x1] =	stream.linear.gather [hbm4b:s8+s5], $0x80, $0x38;
	[tilespmem:$0x10080] =	vst v63  }
0x17d: {  	s28 =	simm.s32 $0x5180  }
0x17e: {  	[tilespmem:s28], [sflag:$0x1] =	stream.linear.gather [hbm4b:s9+s5], $0x80, $0x38;
	[tilespmem:$0x10080] =	vst v63  }
0x17f: {  	s30 =	simm.s32 $0x5580  }
0x180: {  	[tilespmem:s30], [sflag:$0x1] =	stream.linear.gather [hbm4b:s10+s5], $0x80, $0x38;
	[tilespmem:$0x10080] =	vst v63  }
0x181: {  	s11 =	simm.s32 $0x5980  }
0x182: {  	[tilespmem:s11], [sflag:$0x1] =	stream.linear.gather [hbm4b:s12+s5], $0x80, $0x38;
	[tilespmem:$0x10080] =	vst v63  }
0x183: {  	s23 =	simm.s32 $0x5D80  }
0x184: {  	[tilespmem:s23], [sflag:$0x1] =	stream.linear.gather [hbm4b:s13+s5], $0x80, $0x38;
	[tilespmem:$0x10080] =	vst v63  }
0x185: {  	s28 =	simm.s32 $0x6180  }
0x186: {  	[tilespmem:s28], [sflag:$0x1] =	stream.linear.gather [hbm4b:s14+s5], $0x80, $0x38;
	[tilespmem:$0x10080] =	vst v63  }
0x187: {  	s30 =	simm.s32 $0x6580  }
0x188: {  	[tilespmem:s30], [sflag:$0x1] =	stream.linear.gather [hbm4b:s15+s5], $0x80, $0x38;
	[tilespmem:$0x10080] =	vst v63  }
0x189: {  	s11 =	simm.s32 $0x6980  }
0x18a: {  	[tilespmem:s11], [sflag:$0x1] =	stream.linear.gather [hbm4b:s16+s5], $0x80, $0x38;
	[tilespmem:$0x10080] =	vst v63  }
0x18b: {  	s23 =	simm.s32 $0x6D80  }
0x18c: {  	[tilespmem:s23], [sflag:$0x1] =	stream.linear.gather [hbm4b:s17+s5], $0x80, $0x38;
	[tilespmem:$0x10080] =	vst v63  }
0x18d: {  	s28 =	simm.s32 $0x7180  }
0x18e: {  	[tilespmem:s28], [sflag:$0x1] =	stream.linear.gather [hbm4b:s21+s5], $0x80, $0x38;
	[tilespmem:$0x10080] =	vst v63  }
0x18f: {  	s30 =	simm.s32 $0x7580  }
0x190: {  	[tilespmem:s30], [sflag:$0x1] =	stream.linear.gather [hbm4b:s22+s5], $0x80, $0x38;
	[tilespmem:$0x10080] =	vst v63  }
0x191: {  	s11 =	simm.s32 $0x7980  }
0x192: {  	[tilespmem:s11], [sflag:$0x1] =	stream.linear.gather [hbm4b:s24+s5], $0x80, $0x38;
	[tilespmem:$0x10080] =	vst v63  }
0x193: {  	s23 =	simm.s32 $0x7D80  }
0x194: {  	[tilespmem:s23], [sflag:$0x1] =	stream.linear.gather [hbm4b:s25+s5], $0x80, $0x38;
	[tilespmem:$0x10080] =	vst v63  }
0x195: {  	_ =	swait.ge [sflag:s26], $0x800  }
0x196: {  	[sflag:s26] =	ssyncset.done $0x0  }
0x197: {  	s28 =	simm.s32 $0x4200;
	[sflag:s26] =	ssyncadd.s32 $0xFFFFF800  }
0x198: {  	[tilespmem:s28], [sflag:$0x1] =	stream.linear.gather [hbm4b:s0+s5], $0x80, $0x38;
	[tilespmem:$0x10080] =	vst v63  }
0x199: {  	s30 =	simm.s32 $0x4600  }
0x19a: {  	[tilespmem:s30], [sflag:$0x1] =	stream.linear.gather [hbm4b:s3+s5], $0x80, $0x38;
	[tilespmem:$0x10080] =	vst v63  }
0x19b: {  	s11 =	simm.s32 $0x4A00  }
0x19c: {  	[tilespmem:s11], [sflag:$0x1] =	stream.linear.gather [hbm4b:s7+s5], $0x80, $0x38;
	[tilespmem:$0x10080] =	vst v63  }
0x19d: {  	s23 =	simm.s32 $0x4E00  }
0x19e: {  	[tilespmem:s23], [sflag:$0x1] =	stream.linear.gather [hbm4b:s8+s5], $0x80, $0x38;
	[tilespmem:$0x10080] =	vst v63  }
0x19f: {  	s28 =	simm.s32 $0x5200  }
0x1a0: {  	[tilespmem:s28], [sflag:$0x1] =	stream.linear.gather [hbm4b:s9+s5], $0x80, $0x38;
	[tilespmem:$0x10080] =	vst v63  }
0x1a1: {  	s30 =	simm.s32 $0x5600  }
0x1a2: {  	[tilespmem:s30], [sflag:$0x1] =	stream.linear.gather [hbm4b:s10+s5], $0x80, $0x38;
	[tilespmem:$0x10080] =	vst v63  }
0x1a3: {  	s11 =	simm.s32 $0x5A00  }
0x1a4: {  	[tilespmem:s11], [sflag:$0x1] =	stream.linear.gather [hbm4b:s12+s5], $0x80, $0x38;
	[tilespmem:$0x10080] =	vst v63  }
0x1a5: {  	s23 =	simm.s32 $0x5E00  }
0x1a6: {  	[tilespmem:s23], [sflag:$0x1] =	stream.linear.gather [hbm4b:s13+s5], $0x80, $0x38;
	[tilespmem:$0x10080] =	vst v63  }
0x1a7: {  	s28 =	simm.s32 $0x6200  }
0x1a8: {  	[tilespmem:s28], [sflag:$0x1] =	stream.linear.gather [hbm4b:s14+s5], $0x80, $0x38;
	[tilespmem:$0x10080] =	vst v63  }
0x1a9: {  	s30 =	simm.s32 $0x6600  }
0x1aa: {  	[tilespmem:s30], [sflag:$0x1] =	stream.linear.gather [hbm4b:s15+s5], $0x80, $0x38;
	[tilespmem:$0x10080] =	vst v63  }
0x1ab: {  	s11 =	simm.s32 $0x6A00  }
0x1ac: {  	[tilespmem:s11], [sflag:$0x1] =	stream.linear.gather [hbm4b:s16+s5], $0x80, $0x38;
	[tilespmem:$0x10080] =	vst v63  }
0x1ad: {  	s23 =	simm.s32 $0x6E00  }
0x1ae: {  	[tilespmem:s23], [sflag:$0x1] =	stream.linear.gather [hbm4b:s17+s5], $0x80, $0x38;
	[tilespmem:$0x10080] =	vst v63  }
0x1af: {  	s28 =	simm.s32 $0x7200  }
0x1b0: {  	[tilespmem:s28], [sflag:$0x1] =	stream.linear.gather [hbm4b:s21+s5], $0x80, $0x38;
	[tilespmem:$0x10080] =	vst v63  }
0x1b1: {  	s30 =	simm.s32 $0x7600  }
0x1b2: {  	[tilespmem:s30], [sflag:$0x1] =	stream.linear.gather [hbm4b:s22+s5], $0x80, $0x38;
	[tilespmem:$0x10080] =	vst v63  }
0x1b3: {  	s11 =	simm.s32 $0x7A00  }
0x1b4: {  	[tilespmem:s11], [sflag:$0x1] =	stream.linear.gather [hbm4b:s24+s5], $0x80, $0x38;
	[tilespmem:$0x10080] =	vst v63  }
0x1b5: {  	s23 =	simm.s32 $0x7E00  }
0x1b6: {  	[tilespmem:s23], [sflag:$0x1] =	stream.linear.gather [hbm4b:s25+s5], $0x80, $0x38;
	[tilespmem:$0x10080] =	vst v63  }
0x1b7: {  	_ =	swait.ge [sflag:s26], $0x800  }
0x1b8: {  	[sflag:s26] =	ssyncset.done $0x0  }
0x1b9: {  	s28 =	simm.s32 $0x4280;
	[sflag:s26] =	ssyncadd.s32 $0xFFFFF800  }
0x1ba: {  	[tilespmem:s28], [sflag:$0x1] =	stream.linear.gather [hbm4b:s0+s5], $0x80, $0x38;
	[tilespmem:$0x10080] =	vst v63  }
0x1bb: {  	s30 =	simm.s32 $0x4680  }
0x1bc: {  	[tilespmem:s30], [sflag:$0x1] =	stream.linear.gather [hbm4b:s3+s5], $0x80, $0x38;
	[tilespmem:$0x10080] =	vst v63  }
0x1bd: {  	s11 =	simm.s32 $0x4A80  }
0x1be: {  	[tilespmem:s11], [sflag:$0x1] =	stream.linear.gather [hbm4b:s7+s5], $0x80, $0x38;
	[tilespmem:$0x10080] =	vst v63  }
0x1bf: {  	s23 =	simm.s32 $0x4E80  }
0x1c0: {  	[tilespmem:s23], [sflag:$0x1] =	stream.linear.gather [hbm4b:s8+s5], $0x80, $0x38;
	[tilespmem:$0x10080] =	vst v63  }
0x1c1: {  	s28 =	simm.s32 $0x5280  }
0x1c2: {  	[tilespmem:s28], [sflag:$0x1] =	stream.linear.gather [hbm4b:s9+s5], $0x80, $0x38;
	[tilespmem:$0x10080] =	vst v63  }
0x1c3: {  	s30 =	simm.s32 $0x5680  }
0x1c4: {  	[tilespmem:s30], [sflag:$0x1] =	stream.linear.gather [hbm4b:s10+s5], $0x80, $0x38;
	[tilespmem:$0x10080] =	vst v63  }
0x1c5: {  	s11 =	simm.s32 $0x5A80  }
0x1c6: {  	[tilespmem:s11], [sflag:$0x1] =	stream.linear.gather [hbm4b:s12+s5], $0x80, $0x38;
	[tilespmem:$0x10080] =	vst v63  }
0x1c7: {  	s23 =	simm.s32 $0x5E80  }
0x1c8: {  	[tilespmem:s23], [sflag:$0x1] =	stream.linear.gather [hbm4b:s13+s5], $0x80, $0x38;
	[tilespmem:$0x10080] =	vst v63  }
0x1c9: {  	s28 =	simm.s32 $0x6280  }
0x1ca: {  	[tilespmem:s28], [sflag:$0x1] =	stream.linear.gather [hbm4b:s14+s5], $0x80, $0x38;
	[tilespmem:$0x10080] =	vst v63  }
0x1cb: {  	s30 =	simm.s32 $0x6680  }
0x1cc: {  	[tilespmem:s30], [sflag:$0x1] =	stream.linear.gather [hbm4b:s15+s5], $0x80, $0x38;
	[tilespmem:$0x10080] =	vst v63  }
0x1cd: {  	s11 =	simm.s32 $0x6A80  }
0x1ce: {  	[tilespmem:s11], [sflag:$0x1] =	stream.linear.gather [hbm4b:s16+s5], $0x80, $0x38;
	[tilespmem:$0x10080] =	vst v63  }
0x1cf: {  	s23 =	simm.s32 $0x6E80  }
0x1d0: {  	[tilespmem:s23], [sflag:$0x1] =	stream.linear.gather [hbm4b:s17+s5], $0x80, $0x38;
	[tilespmem:$0x10080] =	vst v63  }
0x1d1: {  	s28 =	simm.s32 $0x7280  }
0x1d2: {  	[tilespmem:s28], [sflag:$0x1] =	stream.linear.gather [hbm4b:s21+s5], $0x80, $0x38;
	[tilespmem:$0x10080] =	vst v63  }
0x1d3: {  	s30 =	simm.s32 $0x7680  }
0x1d4: {  	[tilespmem:s30], [sflag:$0x1] =	stream.linear.gather [hbm4b:s22+s5], $0x80, $0x38;
	[tilespmem:$0x10080] =	vst v63  }
0x1d5: {  	s11 =	simm.s32 $0x7A80  }
0x1d6: {  	[tilespmem:s11], [sflag:$0x1] =	stream.linear.gather [hbm4b:s24+s5], $0x80, $0x38;
	[tilespmem:$0x10080] =	vst v63  }
0x1d7: {  	s23 =	simm.s32 $0x7E80  }
0x1d8: {  	[tilespmem:s23], [sflag:$0x1] =	stream.linear.gather [hbm4b:s25+s5], $0x80, $0x38;
	[tilespmem:$0x10080] =	vst v63  }
0x1d9: {  	_ =	swait.ge [sflag:s26], $0x800  }
0x1da: {  	[sflag:s26] =	ssyncset.done $0x0  }
0x1db: {  	s28 =	simm.s32 $0x4300;
	[sflag:s26] =	ssyncadd.s32 $0xFFFFF800  }
0x1dc: {  	[tilespmem:s28], [sflag:$0x1] =	stream.linear.gather [hbm4b:s0+s5], $0x80, $0x38;
	[tilespmem:$0x10080] =	vst v63  }
0x1dd: {  	s30 =	simm.s32 $0x4700  }
0x1de: {  	[tilespmem:s30], [sflag:$0x1] =	stream.linear.gather [hbm4b:s3+s5], $0x80, $0x38;
	[tilespmem:$0x10080] =	vst v63  }
0x1df: {  	s11 =	simm.s32 $0x4B00  }
0x1e0: {  	[tilespmem:s11], [sflag:$0x1] =	stream.linear.gather [hbm4b:s7+s5], $0x80, $0x38;
	[tilespmem:$0x10080] =	vst v63  }
0x1e1: {  	s23 =	simm.s32 $0x4F00  }
0x1e2: {  	[tilespmem:s23], [sflag:$0x1] =	stream.linear.gather [hbm4b:s8+s5], $0x80, $0x38;
	[tilespmem:$0x10080] =	vst v63  }
0x1e3: {  	s28 =	simm.s32 $0x5300  }
0x1e4: {  	[tilespmem:s28], [sflag:$0x1] =	stream.linear.gather [hbm4b:s9+s5], $0x80, $0x38;
	[tilespmem:$0x10080] =	vst v63  }
0x1e5: {  	s30 =	simm.s32 $0x5700  }
0x1e6: {  	[tilespmem:s30], [sflag:$0x1] =	stream.linear.gather [hbm4b:s10+s5], $0x80, $0x38;
	[tilespmem:$0x10080] =	vst v63  }
0x1e7: {  	s11 =	simm.s32 $0x5B00  }
0x1e8: {  	[tilespmem:s11], [sflag:$0x1] =	stream.linear.gather [hbm4b:s12+s5], $0x80, $0x38;
	[tilespmem:$0x10080] =	vst v63  }
0x1e9: {  	s23 =	simm.s32 $0x5F00  }
0x1ea: {  	[tilespmem:s23], [sflag:$0x1] =	stream.linear.gather [hbm4b:s13+s5], $0x80, $0x38;
	[tilespmem:$0x10080] =	vst v63  }
0x1eb: {  	s28 =	simm.s32 $0x6300  }
0x1ec: {  	[tilespmem:s28], [sflag:$0x1] =	stream.linear.gather [hbm4b:s14+s5], $0x80, $0x38;
	[tilespmem:$0x10080] =	vst v63  }
0x1ed: {  	s30 =	simm.s32 $0x6700  }
0x1ee: {  	[tilespmem:s30], [sflag:$0x1] =	stream.linear.gather [hbm4b:s15+s5], $0x80, $0x38;
	[tilespmem:$0x10080] =	vst v63  }
0x1ef: {  	s11 =	simm.s32 $0x6B00  }
0x1f0: {  	[tilespmem:s11], [sflag:$0x1] =	stream.linear.gather [hbm4b:s16+s5], $0x80, $0x38;
	[tilespmem:$0x10080] =	vst v63  }
0x1f1: {  	s23 =	simm.s32 $0x6F00  }
0x1f2: {  	[tilespmem:s23], [sflag:$0x1] =	stream.linear.gather [hbm4b:s17+s5], $0x80, $0x38;
	[tilespmem:$0x10080] =	vst v63  }
0x1f3: {  	s28 =	simm.s32 $0x7300  }
0x1f4: {  	[tilespmem:s28], [sflag:$0x1] =	stream.linear.gather [hbm4b:s21+s5], $0x80, $0x38;
	[tilespmem:$0x10080] =	vst v63  }
0x1f5: {  	s30 =	simm.s32 $0x7700  }
0x1f6: {  	[tilespmem:s30], [sflag:$0x1] =	stream.linear.gather [hbm4b:s22+s5], $0x80, $0x38;
	[tilespmem:$0x10080] =	vst v63  }
0x1f7: {  	s11 =	simm.s32 $0x7B00  }
0x1f8: {  	[tilespmem:s11], [sflag:$0x1] =	stream.linear.gather [hbm4b:s24+s5], $0x80, $0x38;
	[tilespmem:$0x10080] =	vst v63  }
0x1f9: {  	s23 =	simm.s32 $0x7F00  }
0x1fa: {  	[tilespmem:s23], [sflag:$0x1] =	stream.linear.gather [hbm4b:s25+s5], $0x80, $0x38;
	[tilespmem:$0x10080] =	vst v63  }
0x1fb: {  	_ =	swait.ge [sflag:s26], $0x800  }
0x1fc: {  	[sflag:s26] =	ssyncset.done $0x0  }
0x1fd: {  	s28 =	simm.s32 $0x4380;
	[sflag:s26] =	ssyncadd.s32 $0xFFFFF800  }
0x1fe: {  	[tilespmem:s28], [sflag:$0x1] =	stream.linear.gather [hbm4b:s0+s5], $0x80, $0x38;
	[tilespmem:$0x10080] =	vst v63  }
0x1ff: {  	s30 =	simm.s32 $0x4780  }
0x200: {  	[tilespmem:s30], [sflag:$0x1] =	stream.linear.gather [hbm4b:s3+s5], $0x80, $0x38;
	[tilespmem:$0x10080] =	vst v63  }
0x201: {  	s11 =	simm.s32 $0x4B80  }
0x202: {  	[tilespmem:s11], [sflag:$0x1] =	stream.linear.gather [hbm4b:s7+s5], $0x80, $0x38;
	[tilespmem:$0x10080] =	vst v63  }
0x203: {  	s23 =	simm.s32 $0x4F80  }
0x204: {  	[tilespmem:s23], [sflag:$0x1] =	stream.linear.gather [hbm4b:s8+s5], $0x80, $0x38;
	[tilespmem:$0x10080] =	vst v63  }
0x205: {  	s28 =	simm.s32 $0x5380  }
0x206: {  	[tilespmem:s28], [sflag:$0x1] =	stream.linear.gather [hbm4b:s9+s5], $0x80, $0x38;
	[tilespmem:$0x10080] =	vst v63  }
0x207: {  	s30 =	simm.s32 $0x5780  }
0x208: {  	[tilespmem:s30], [sflag:$0x1] =	stream.linear.gather [hbm4b:s10+s5], $0x80, $0x38;
	[tilespmem:$0x10080] =	vst v63  }
0x209: {  	s11 =	simm.s32 $0x5B80  }
0x20a: {  	[tilespmem:s11], [sflag:$0x1] =	stream.linear.gather [hbm4b:s12+s5], $0x80, $0x38;
	[tilespmem:$0x10080] =	vst v63  }
0x20b: {  	s23 =	simm.s32 $0x5F80  }
0x20c: {  	[tilespmem:s23], [sflag:$0x1] =	stream.linear.gather [hbm4b:s13+s5], $0x80, $0x38;
	[tilespmem:$0x10080] =	vst v63  }
0x20d: {  	s28 =	simm.s32 $0x6380  }
0x20e: {  	[tilespmem:s28], [sflag:$0x1] =	stream.linear.gather [hbm4b:s14+s5], $0x80, $0x38;
	[tilespmem:$0x10080] =	vst v63  }
0x20f: {  	s30 =	simm.s32 $0x6780  }
0x210: {  	[tilespmem:s30], [sflag:$0x1] =	stream.linear.gather [hbm4b:s15+s5], $0x80, $0x38;
	[tilespmem:$0x10080] =	vst v63  }
0x211: {  	s11 =	simm.s32 $0x6B80  }
0x212: {  	[tilespmem:s11], [sflag:$0x1] =	stream.linear.gather [hbm4b:s16+s5], $0x80, $0x38;
	[tilespmem:$0x10080] =	vst v63  }
0x213: {  	s23 =	simm.s32 $0x6F80  }
0x214: {  	[tilespmem:s23], [sflag:$0x1] =	stream.linear.gather [hbm4b:s17+s5], $0x80, $0x38;
	[tilespmem:$0x10080] =	vst v63  }
0x215: {  	s28 =	simm.s32 $0x7380  }
0x216: {  	[tilespmem:s28], [sflag:$0x1] =	stream.linear.gather [hbm4b:s21+s5], $0x80, $0x38;
	[tilespmem:$0x10080] =	vst v63  }
0x217: {  	s30 =	simm.s32 $0x7780  }
0x218: {  	[tilespmem:s30], [sflag:$0x1] =	stream.linear.gather [hbm4b:s22+s5], $0x80, $0x38;
	[tilespmem:$0x10080] =	vst v63  }
0x219: {  	s11 =	simm.s32 $0x7B80  }
0x21a: {  	[tilespmem:s11], [sflag:$0x1] =	stream.linear.gather [hbm4b:s24+s5], $0x80, $0x38;
	[tilespmem:$0x10080] =	vst v63  }
0x21b: {  	s23 =	simm.s32 $0x7F80  }
0x21c: {  	[tilespmem:s23], [sflag:$0x1] =	stream.linear.gather [hbm4b:s25+s5], $0x80, $0x38;
	[tilespmem:$0x10080] =	vst v63  }
0x21d: {  	_ =	swait.ge [sflag:s26], $0x800  }
0x21e: {  	[sflag:s26] =	ssyncset.done $0x0  }
0x21f: {  	s28 =	simm.s32 $0x4400;
	[sflag:s26] =	ssyncadd.s32 $0xFFFFF800  }
0x220: {  	[tilespmem:s28], [sflag:$0x1] =	stream.linear.gather [hbm4b:s0+s5], $0x80, $0x38;
	[tilespmem:$0x10080] =	vst v63  }
0x221: {  	s30 =	simm.s32 $0x4800  }
0x222: {  	[tilespmem:s30], [sflag:$0x1] =	stream.linear.gather [hbm4b:s3+s5], $0x80, $0x38;
	[tilespmem:$0x10080] =	vst v63  }
0x223: {  	s11 =	simm.s32 $0x4C00  }
0x224: {  	[tilespmem:s11], [sflag:$0x1] =	stream.linear.gather [hbm4b:s7+s5], $0x80, $0x38;
	[tilespmem:$0x10080] =	vst v63  }
0x225: {  	s23 =	simm.s32 $0x5000  }
0x226: {  	[tilespmem:s23], [sflag:$0x1] =	stream.linear.gather [hbm4b:s8+s5], $0x80, $0x38;
	[tilespmem:$0x10080] =	vst v63  }
0x227: {  	s28 =	simm.s32 $0x5400  }
0x228: {  	[tilespmem:s28], [sflag:$0x1] =	stream.linear.gather [hbm4b:s9+s5], $0x80, $0x38;
	[tilespmem:$0x10080] =	vst v63  }
0x229: {  	s30 =	simm.s32 $0x5800  }
0x22a: {  	[tilespmem:s30], [sflag:$0x1] =	stream.linear.gather [hbm4b:s10+s5], $0x80, $0x38;
	[tilespmem:$0x10080] =	vst v63  }
0x22b: {  	s11 =	simm.s32 $0x5C00  }
0x22c: {  	[tilespmem:s11], [sflag:$0x1] =	stream.linear.gather [hbm4b:s12+s5], $0x80, $0x38;
	[tilespmem:$0x10080] =	vst v63  }
0x22d: {  	s23 =	simm.s32 $0x6000  }
0x22e: {  	[tilespmem:s23], [sflag:$0x1] =	stream.linear.gather [hbm4b:s13+s5], $0x80, $0x38;
	[tilespmem:$0x10080] =	vst v63  }
0x22f: {  	s28 =	simm.s32 $0x6400  }
0x230: {  	[tilespmem:s28], [sflag:$0x1] =	stream.linear.gather [hbm4b:s14+s5], $0x80, $0x38;
	[tilespmem:$0x10080] =	vst v63  }
0x231: {  	s30 =	simm.s32 $0x6800  }
0x232: {  	[tilespmem:s30], [sflag:$0x1] =	stream.linear.gather [hbm4b:s15+s5], $0x80, $0x38;
	[tilespmem:$0x10080] =	vst v63  }
0x233: {  	s11 =	simm.s32 $0x6C00  }
0x234: {  	[tilespmem:s11], [sflag:$0x1] =	stream.linear.gather [hbm4b:s16+s5], $0x80, $0x38;
	[tilespmem:$0x10080] =	vst v63  }
0x235: {  	s23 =	simm.s32 $0x7000  }
0x236: {  	[tilespmem:s23], [sflag:$0x1] =	stream.linear.gather [hbm4b:s17+s5], $0x80, $0x38;
	[tilespmem:$0x10080] =	vst v63  }
0x237: {  	s28 =	simm.s32 $0x7400  }
0x238: {  	[tilespmem:s28], [sflag:$0x1] =	stream.linear.gather [hbm4b:s21+s5], $0x80, $0x38;
	[tilespmem:$0x10080] =	vst v63  }
0x239: {  	s30 =	simm.s32 $0x7800  }
0x23a: {  	[tilespmem:s30], [sflag:$0x1] =	stream.linear.gather [hbm4b:s22+s5], $0x80, $0x38;
	[tilespmem:$0x10080] =	vst v63  }
0x23b: {  	s11 =	simm.s32 $0x7C00  }
0x23c: {  	[tilespmem:s11], [sflag:$0x1] =	stream.linear.gather [hbm4b:s24+s5], $0x80, $0x38;
	[tilespmem:$0x10080] =	vst v63  }
0x23d: {  	s23 =	simm.s32 $0x8000  }
0x23e: {  	[tilespmem:s23], [sflag:$0x1] =	stream.linear.gather [hbm4b:s25+s5], $0x80, $0x38;
	[tilespmem:$0x10080] =	vst v63  }
0x23f: {  	_ =	swait.ge [sflag:s26], $0x800  }
0x240: {  	[sflag:s26] =	ssyncset.done $0x0  }
0x241: {  	s28 =	simm.s32 $0x8080;
	[sflag:s26] =	ssyncadd.s32 $0xFFFFF800  }
0x242: {  	[tilespmem:s28], [sflag:$0x1] =	stream.linear.gather [hbm4b:s0+s5], $0x80, $0x38;
	[tilespmem:$0x10080] =	vst v63  }
0x243: {  	s30 =	simm.s32 $0x8480  }
0x244: {  	[tilespmem:s30], [sflag:$0x1] =	stream.linear.gather [hbm4b:s3+s5], $0x80, $0x38;
	[tilespmem:$0x10080] =	vst v63  }
0x245: {  	s11 =	simm.s32 $0x8880  }
0x246: {  	[tilespmem:s11], [sflag:$0x1] =	stream.linear.gather [hbm4b:s7+s5], $0x80, $0x38;
	[tilespmem:$0x10080] =	vst v63  }
0x247: {  	s23 =	simm.s32 $0x8C80  }
0x248: {  	[tilespmem:s23], [sflag:$0x1] =	stream.linear.gather [hbm4b:s8+s5], $0x80, $0x38;
	[tilespmem:$0x10080] =	vst v63  }
0x249: {  	s28 =	simm.s32 $0x9080  }
0x24a: {  	[tilespmem:s28], [sflag:$0x1] =	stream.linear.gather [hbm4b:s9+s5], $0x80, $0x38;
	[tilespmem:$0x10080] =	vst v63  }
0x24b: {  	s30 =	simm.s32 $0x9480  }
0x24c: {  	[tilespmem:s30], [sflag:$0x1] =	stream.linear.gather [hbm4b:s10+s5], $0x80, $0x38;
	[tilespmem:$0x10080] =	vst v63  }
0x24d: {  	s11 =	simm.s32 $0x9880  }
0x24e: {  	[tilespmem:s11], [sflag:$0x1] =	stream.linear.gather [hbm4b:s12+s5], $0x80, $0x38;
	[tilespmem:$0x10080] =	vst v63  }
0x24f: {  	s23 =	simm.s32 $0x9C80  }
0x250: {  	[tilespmem:s23], [sflag:$0x1] =	stream.linear.gather [hbm4b:s13+s5], $0x80, $0x38;
	[tilespmem:$0x10080] =	vst v63  }
0x251: {  	s28 =	simm.s32 $0xA080  }
0x252: {  	[tilespmem:s28], [sflag:$0x1] =	stream.linear.gather [hbm4b:s14+s5], $0x80, $0x38;
	[tilespmem:$0x10080] =	vst v63  }
0x253: {  	s30 =	simm.s32 $0xA480  }
0x254: {  	[tilespmem:s30], [sflag:$0x1] =	stream.linear.gather [hbm4b:s15+s5], $0x80, $0x38;
	[tilespmem:$0x10080] =	vst v63  }
0x255: {  	s11 =	simm.s32 $0xA880  }
0x256: {  	[tilespmem:s11], [sflag:$0x1] =	stream.linear.gather [hbm4b:s16+s5], $0x80, $0x38;
	[tilespmem:$0x10080] =	vst v63  }
0x257: {  	s23 =	simm.s32 $0xAC80  }
0x258: {  	[tilespmem:s23], [sflag:$0x1] =	stream.linear.gather [hbm4b:s17+s5], $0x80, $0x38;
	[tilespmem:$0x10080] =	vst v63  }
0x259: {  	s28 =	simm.s32 $0xB080  }
0x25a: {  	[tilespmem:s28], [sflag:$0x1] =	stream.linear.gather [hbm4b:s21+s5], $0x80, $0x38;
	[tilespmem:$0x10080] =	vst v63  }
0x25b: {  	s30 =	simm.s32 $0xB480  }
0x25c: {  	[tilespmem:s30], [sflag:$0x1] =	stream.linear.gather [hbm4b:s22+s5], $0x80, $0x38;
	[tilespmem:$0x10080] =	vst v63  }
0x25d: {  	s11 =	simm.s32 $0xB880  }
0x25e: {  	[tilespmem:s11], [sflag:$0x1] =	stream.linear.gather [hbm4b:s24+s5], $0x80, $0x38;
	[tilespmem:$0x10080] =	vst v63  }
0x25f: {  	s23 =	simm.s32 $0xBC80  }
0x260: {  	[tilespmem:s23], [sflag:$0x1] =	stream.linear.gather [hbm4b:s25+s5], $0x80, $0x38;
	[tilespmem:$0x10080] =	vst v63  }
0x261: {  	_ =	swait.ge [sflag:s26], $0x800  }
0x262: {  	[sflag:s26] =	ssyncset.done $0x0  }
0x263: {  	s28 =	simm.s32 $0x8100;
	[sflag:s26] =	ssyncadd.s32 $0xFFFFF800  }
0x264: {  	[tilespmem:s28], [sflag:$0x1] =	stream.linear.gather [hbm4b:s0+s5], $0x80, $0x38;
	[tilespmem:$0x10080] =	vst v63  }
0x265: {  	s30 =	simm.s32 $0x8500  }
0x266: {  	[tilespmem:s30], [sflag:$0x1] =	stream.linear.gather [hbm4b:s3+s5], $0x80, $0x38;
	[tilespmem:$0x10080] =	vst v63  }
0x267: {  	s11 =	simm.s32 $0x8900  }
0x268: {  	[tilespmem:s11], [sflag:$0x1] =	stream.linear.gather [hbm4b:s7+s5], $0x80, $0x38;
	[tilespmem:$0x10080] =	vst v63  }
0x269: {  	s23 =	simm.s32 $0x8D00  }
0x26a: {  	[tilespmem:s23], [sflag:$0x1] =	stream.linear.gather [hbm4b:s8+s5], $0x80, $0x38;
	[tilespmem:$0x10080] =	vst v63  }
0x26b: {  	s28 =	simm.s32 $0x9100  }
0x26c: {  	[tilespmem:s28], [sflag:$0x1] =	stream.linear.gather [hbm4b:s9+s5], $0x80, $0x38;
	[tilespmem:$0x10080] =	vst v63  }
0x26d: {  	s30 =	simm.s32 $0x9500  }
0x26e: {  	[tilespmem:s30], [sflag:$0x1] =	stream.linear.gather [hbm4b:s10+s5], $0x80, $0x38;
	[tilespmem:$0x10080] =	vst v63  }
0x26f: {  	s11 =	simm.s32 $0x9900  }
0x270: {  	[tilespmem:s11], [sflag:$0x1] =	stream.linear.gather [hbm4b:s12+s5], $0x80, $0x38;
	[tilespmem:$0x10080] =	vst v63  }
0x271: {  	s23 =	simm.s32 $0x9D00  }
0x272: {  	[tilespmem:s23], [sflag:$0x1] =	stream.linear.gather [hbm4b:s13+s5], $0x80, $0x38;
	[tilespmem:$0x10080] =	vst v63  }
0x273: {  	s28 =	simm.s32 $0xA100  }
0x274: {  	[tilespmem:s28], [sflag:$0x1] =	stream.linear.gather [hbm4b:s14+s5], $0x80, $0x38;
	[tilespmem:$0x10080] =	vst v63  }
0x275: {  	s30 =	simm.s32 $0xA500  }
0x276: {  	[tilespmem:s30], [sflag:$0x1] =	stream.linear.gather [hbm4b:s15+s5], $0x80, $0x38;
	[tilespmem:$0x10080] =	vst v63  }
0x277: {  	s11 =	simm.s32 $0xA900  }
0x278: {  	[tilespmem:s11], [sflag:$0x1] =	stream.linear.gather [hbm4b:s16+s5], $0x80, $0x38;
	[tilespmem:$0x10080] =	vst v63  }
0x279: {  	s23 =	simm.s32 $0xAD00  }
0x27a: {  	[tilespmem:s23], [sflag:$0x1] =	stream.linear.gather [hbm4b:s17+s5], $0x80, $0x38;
	[tilespmem:$0x10080] =	vst v63  }
0x27b: {  	s28 =	simm.s32 $0xB100  }
0x27c: {  	[tilespmem:s28], [sflag:$0x1] =	stream.linear.gather [hbm4b:s21+s5], $0x80, $0x38;
	[tilespmem:$0x10080] =	vst v63  }
0x27d: {  	s30 =	simm.s32 $0xB500  }
0x27e: {  	[tilespmem:s30], [sflag:$0x1] =	stream.linear.gather [hbm4b:s22+s5], $0x80, $0x38;
	[tilespmem:$0x10080] =	vst v63  }
0x27f: {  	s11 =	simm.s32 $0xB900  }
0x280: {  	[tilespmem:s11], [sflag:$0x1] =	stream.linear.gather [hbm4b:s24+s5], $0x80, $0x38;
	[tilespmem:$0x10080] =	vst v63  }
0x281: {  	s23 =	simm.s32 $0xBD00  }
0x282: {  	[tilespmem:s23], [sflag:$0x1] =	stream.linear.gather [hbm4b:s25+s5], $0x80, $0x38;
	[tilespmem:$0x10080] =	vst v63  }
0x283: {  	_ =	swait.ge [sflag:s26], $0x800  }
0x284: {  	[sflag:s26] =	ssyncset.done $0x0  }
0x285: {  	s28 =	simm.s32 $0x8180;
	[sflag:s26] =	ssyncadd.s32 $0xFFFFF800  }
0x286: {  	[tilespmem:s28], [sflag:$0x1] =	stream.linear.gather [hbm4b:s0+s5], $0x80, $0x38;
	[tilespmem:$0x10080] =	vst v63  }
0x287: {  	s30 =	simm.s32 $0x8580  }
0x288: {  	[tilespmem:s30], [sflag:$0x1] =	stream.linear.gather [hbm4b:s3+s5], $0x80, $0x38;
	[tilespmem:$0x10080] =	vst v63  }
0x289: {  	s11 =	simm.s32 $0x8980  }
0x28a: {  	[tilespmem:s11], [sflag:$0x1] =	stream.linear.gather [hbm4b:s7+s5], $0x80, $0x38;
	[tilespmem:$0x10080] =	vst v63  }
0x28b: {  	s23 =	simm.s32 $0x8D80  }
0x28c: {  	[tilespmem:s23], [sflag:$0x1] =	stream.linear.gather [hbm4b:s8+s5], $0x80, $0x38;
	[tilespmem:$0x10080] =	vst v63  }
0x28d: {  	s28 =	simm.s32 $0x9180  }
0x28e: {  	[tilespmem:s28], [sflag:$0x1] =	stream.linear.gather [hbm4b:s9+s5], $0x80, $0x38;
	[tilespmem:$0x10080] =	vst v63  }
0x28f: {  	s30 =	simm.s32 $0x9580  }
0x290: {  	[tilespmem:s30], [sflag:$0x1] =	stream.linear.gather [hbm4b:s10+s5], $0x80, $0x38;
	[tilespmem:$0x10080] =	vst v63  }
0x291: {  	s11 =	simm.s32 $0x9980  }
0x292: {  	[tilespmem:s11], [sflag:$0x1] =	stream.linear.gather [hbm4b:s12+s5], $0x80, $0x38;
	[tilespmem:$0x10080] =	vst v63  }
0x293: {  	s23 =	simm.s32 $0x9D80  }
0x294: {  	[tilespmem:s23], [sflag:$0x1] =	stream.linear.gather [hbm4b:s13+s5], $0x80, $0x38;
	[tilespmem:$0x10080] =	vst v63  }
0x295: {  	s28 =	simm.s32 $0xA180  }
0x296: {  	[tilespmem:s28], [sflag:$0x1] =	stream.linear.gather [hbm4b:s14+s5], $0x80, $0x38;
	[tilespmem:$0x10080] =	vst v63  }
0x297: {  	s30 =	simm.s32 $0xA580  }
0x298: {  	[tilespmem:s30], [sflag:$0x1] =	stream.linear.gather [hbm4b:s15+s5], $0x80, $0x38;
	[tilespmem:$0x10080] =	vst v63  }
0x299: {  	s11 =	simm.s32 $0xA980  }
0x29a: {  	[tilespmem:s11], [sflag:$0x1] =	stream.linear.gather [hbm4b:s16+s5], $0x80, $0x38;
	[tilespmem:$0x10080] =	vst v63  }
0x29b: {  	s23 =	simm.s32 $0xAD80  }
0x29c: {  	[tilespmem:s23], [sflag:$0x1] =	stream.linear.gather [hbm4b:s17+s5], $0x80, $0x38;
	[tilespmem:$0x10080] =	vst v63  }
0x29d: {  	s28 =	simm.s32 $0xB180  }
0x29e: {  	[tilespmem:s28], [sflag:$0x1] =	stream.linear.gather [hbm4b:s21+s5], $0x80, $0x38;
	[tilespmem:$0x10080] =	vst v63  }
0x29f: {  	s30 =	simm.s32 $0xB580  }
0x2a0: {  	[tilespmem:s30], [sflag:$0x1] =	stream.linear.gather [hbm4b:s22+s5], $0x80, $0x38;
	[tilespmem:$0x10080] =	vst v63  }
0x2a1: {  	s11 =	simm.s32 $0xB980  }
0x2a2: {  	[tilespmem:s11], [sflag:$0x1] =	stream.linear.gather [hbm4b:s24+s5], $0x80, $0x38;
	[tilespmem:$0x10080] =	vst v63  }
0x2a3: {  	s23 =	simm.s32 $0xBD80  }
0x2a4: {  	[tilespmem:s23], [sflag:$0x1] =	stream.linear.gather [hbm4b:s25+s5], $0x80, $0x38;
	[tilespmem:$0x10080] =	vst v63  }
0x2a5: {  	_ =	swait.ge [sflag:s26], $0x800  }
0x2a6: {  	[sflag:s26] =	ssyncset.done $0x0  }
0x2a7: {  	s28 =	simm.s32 $0x8200;
	[sflag:s26] =	ssyncadd.s32 $0xFFFFF800  }
0x2a8: {  	[tilespmem:s28], [sflag:$0x1] =	stream.linear.gather [hbm4b:s0+s5], $0x80, $0x38;
	[tilespmem:$0x10080] =	vst v63  }
0x2a9: {  	s30 =	simm.s32 $0x8600  }
0x2aa: {  	[tilespmem:s30], [sflag:$0x1] =	stream.linear.gather [hbm4b:s3+s5], $0x80, $0x38;
	[tilespmem:$0x10080] =	vst v63  }
0x2ab: {  	s11 =	simm.s32 $0x8A00  }
0x2ac: {  	[tilespmem:s11], [sflag:$0x1] =	stream.linear.gather [hbm4b:s7+s5], $0x80, $0x38;
	[tilespmem:$0x10080] =	vst v63  }
0x2ad: {  	s23 =	simm.s32 $0x8E00  }
0x2ae: {  	[tilespmem:s23], [sflag:$0x1] =	stream.linear.gather [hbm4b:s8+s5], $0x80, $0x38;
	[tilespmem:$0x10080] =	vst v63  }
0x2af: {  	s28 =	simm.s32 $0x9200  }
0x2b0: {  	[tilespmem:s28], [sflag:$0x1] =	stream.linear.gather [hbm4b:s9+s5], $0x80, $0x38;
	[tilespmem:$0x10080] =	vst v63  }
0x2b1: {  	s30 =	simm.s32 $0x9600  }
0x2b2: {  	[tilespmem:s30], [sflag:$0x1] =	stream.linear.gather [hbm4b:s10+s5], $0x80, $0x38;
	[tilespmem:$0x10080] =	vst v63  }
0x2b3: {  	s11 =	simm.s32 $0x9A00  }
0x2b4: {  	[tilespmem:s11], [sflag:$0x1] =	stream.linear.gather [hbm4b:s12+s5], $0x80, $0x38;
	[tilespmem:$0x10080] =	vst v63  }
0x2b5: {  	s23 =	simm.s32 $0x9E00  }
0x2b6: {  	[tilespmem:s23], [sflag:$0x1] =	stream.linear.gather [hbm4b:s13+s5], $0x80, $0x38;
	[tilespmem:$0x10080] =	vst v63  }
0x2b7: {  	s28 =	simm.s32 $0xA200  }
0x2b8: {  	[tilespmem:s28], [sflag:$0x1] =	stream.linear.gather [hbm4b:s14+s5], $0x80, $0x38;
	[tilespmem:$0x10080] =	vst v63  }
0x2b9: {  	s30 =	simm.s32 $0xA600  }
0x2ba: {  	[tilespmem:s30], [sflag:$0x1] =	stream.linear.gather [hbm4b:s15+s5], $0x80, $0x38;
	[tilespmem:$0x10080] =	vst v63  }
0x2bb: {  	s11 =	simm.s32 $0xAA00  }
0x2bc: {  	[tilespmem:s11], [sflag:$0x1] =	stream.linear.gather [hbm4b:s16+s5], $0x80, $0x38;
	[tilespmem:$0x10080] =	vst v63  }
0x2bd: {  	s23 =	simm.s32 $0xAE00  }
0x2be: {  	[tilespmem:s23], [sflag:$0x1] =	stream.linear.gather [hbm4b:s17+s5], $0x80, $0x38;
	[tilespmem:$0x10080] =	vst v63  }
0x2bf: {  	s28 =	simm.s32 $0xB200  }
0x2c0: {  	[tilespmem:s28], [sflag:$0x1] =	stream.linear.gather [hbm4b:s21+s5], $0x80, $0x38;
	[tilespmem:$0x10080] =	vst v63  }
0x2c1: {  	s30 =	simm.s32 $0xB600  }
0x2c2: {  	[tilespmem:s30], [sflag:$0x1] =	stream.linear.gather [hbm4b:s22+s5], $0x80, $0x38;
	[tilespmem:$0x10080] =	vst v63  }
0x2c3: {  	s11 =	simm.s32 $0xBA00  }
0x2c4: {  	[tilespmem:s11], [sflag:$0x1] =	stream.linear.gather [hbm4b:s24+s5], $0x80, $0x38;
	[tilespmem:$0x10080] =	vst v63  }
0x2c5: {  	s23 =	simm.s32 $0xBE00  }
0x2c6: {  	[tilespmem:s23], [sflag:$0x1] =	stream.linear.gather [hbm4b:s25+s5], $0x80, $0x38;
	[tilespmem:$0x10080] =	vst v63  }
0x2c7: {  	_ =	swait.ge [sflag:s26], $0x800  }
0x2c8: {  	[sflag:s26] =	ssyncset.done $0x0  }
0x2c9: {  	s28 =	simm.s32 $0x8280;
	[sflag:s26] =	ssyncadd.s32 $0xFFFFF800  }
0x2ca: {  	[tilespmem:s28], [sflag:$0x1] =	stream.linear.gather [hbm4b:s0+s5], $0x80, $0x38;
	[tilespmem:$0x10080] =	vst v63  }
0x2cb: {  	s30 =	simm.s32 $0x8680  }
0x2cc: {  	[tilespmem:s30], [sflag:$0x1] =	stream.linear.gather [hbm4b:s3+s5], $0x80, $0x38;
	[tilespmem:$0x10080] =	vst v63  }
0x2cd: {  	s11 =	simm.s32 $0x8A80  }
0x2ce: {  	[tilespmem:s11], [sflag:$0x1] =	stream.linear.gather [hbm4b:s7+s5], $0x80, $0x38;
	[tilespmem:$0x10080] =	vst v63  }
0x2cf: {  	s23 =	simm.s32 $0x8E80  }
0x2d0: {  	[tilespmem:s23], [sflag:$0x1] =	stream.linear.gather [hbm4b:s8+s5], $0x80, $0x38;
	[tilespmem:$0x10080] =	vst v63  }
0x2d1: {  	s28 =	simm.s32 $0x9280  }
0x2d2: {  	[tilespmem:s28], [sflag:$0x1] =	stream.linear.gather [hbm4b:s9+s5], $0x80, $0x38;
	[tilespmem:$0x10080] =	vst v63  }
0x2d3: {  	s30 =	simm.s32 $0x9680  }
0x2d4: {  	[tilespmem:s30], [sflag:$0x1] =	stream.linear.gather [hbm4b:s10+s5], $0x80, $0x38;
	[tilespmem:$0x10080] =	vst v63  }
0x2d5: {  	s11 =	simm.s32 $0x9A80  }
0x2d6: {  	[tilespmem:s11], [sflag:$0x1] =	stream.linear.gather [hbm4b:s12+s5], $0x80, $0x38;
	[tilespmem:$0x10080] =	vst v63  }
0x2d7: {  	s23 =	simm.s32 $0x9E80  }
0x2d8: {  	[tilespmem:s23], [sflag:$0x1] =	stream.linear.gather [hbm4b:s13+s5], $0x80, $0x38;
	[tilespmem:$0x10080] =	vst v63  }
0x2d9: {  	s28 =	simm.s32 $0xA280  }
0x2da: {  	[tilespmem:s28], [sflag:$0x1] =	stream.linear.gather [hbm4b:s14+s5], $0x80, $0x38;
	[tilespmem:$0x10080] =	vst v63  }
0x2db: {  	s30 =	simm.s32 $0xA680  }
0x2dc: {  	[tilespmem:s30], [sflag:$0x1] =	stream.linear.gather [hbm4b:s15+s5], $0x80, $0x38;
	[tilespmem:$0x10080] =	vst v63  }
0x2dd: {  	s11 =	simm.s32 $0xAA80  }
0x2de: {  	[tilespmem:s11], [sflag:$0x1] =	stream.linear.gather [hbm4b:s16+s5], $0x80, $0x38;
	[tilespmem:$0x10080] =	vst v63  }
0x2df: {  	s23 =	simm.s32 $0xAE80  }
0x2e0: {  	[tilespmem:s23], [sflag:$0x1] =	stream.linear.gather [hbm4b:s17+s5], $0x80, $0x38;
	[tilespmem:$0x10080] =	vst v63  }
0x2e1: {  	s28 =	simm.s32 $0xB280  }
0x2e2: {  	[tilespmem:s28], [sflag:$0x1] =	stream.linear.gather [hbm4b:s21+s5], $0x80, $0x38;
	[tilespmem:$0x10080] =	vst v63  }
0x2e3: {  	s30 =	simm.s32 $0xB680  }
0x2e4: {  	[tilespmem:s30], [sflag:$0x1] =	stream.linear.gather [hbm4b:s22+s5], $0x80, $0x38;
	[tilespmem:$0x10080] =	vst v63  }
0x2e5: {  	s11 =	simm.s32 $0xBA80  }
0x2e6: {  	[tilespmem:s11], [sflag:$0x1] =	stream.linear.gather [hbm4b:s24+s5], $0x80, $0x38;
	[tilespmem:$0x10080] =	vst v63  }
0x2e7: {  	s23 =	simm.s32 $0xBE80  }
0x2e8: {  	[tilespmem:s23], [sflag:$0x1] =	stream.linear.gather [hbm4b:s25+s5], $0x80, $0x38;
	[tilespmem:$0x10080] =	vst v63  }
0x2e9: {  	_ =	swait.ge [sflag:s26], $0x800  }
0x2ea: {  	[sflag:s26] =	ssyncset.done $0x0  }
0x2eb: {  	s28 =	simm.s32 $0x8300;
	[sflag:s26] =	ssyncadd.s32 $0xFFFFF800  }
0x2ec: {  	[tilespmem:s28], [sflag:$0x1] =	stream.linear.gather [hbm4b:s0+s5], $0x80, $0x38;
	[tilespmem:$0x10080] =	vst v63  }
0x2ed: {  	s30 =	simm.s32 $0x8700  }
0x2ee: {  	[tilespmem:s30], [sflag:$0x1] =	stream.linear.gather [hbm4b:s3+s5], $0x80, $0x38;
	[tilespmem:$0x10080] =	vst v63  }
0x2ef: {  	s11 =	simm.s32 $0x8B00  }
0x2f0: {  	[tilespmem:s11], [sflag:$0x1] =	stream.linear.gather [hbm4b:s7+s5], $0x80, $0x38;
	[tilespmem:$0x10080] =	vst v63  }
0x2f1: {  	s23 =	simm.s32 $0x8F00  }
0x2f2: {  	[tilespmem:s23], [sflag:$0x1] =	stream.linear.gather [hbm4b:s8+s5], $0x80, $0x38;
	[tilespmem:$0x10080] =	vst v63  }
0x2f3: {  	s28 =	simm.s32 $0x9300  }
0x2f4: {  	[tilespmem:s28], [sflag:$0x1] =	stream.linear.gather [hbm4b:s9+s5], $0x80, $0x38;
	[tilespmem:$0x10080] =	vst v63  }
0x2f5: {  	s30 =	simm.s32 $0x9700  }
0x2f6: {  	[tilespmem:s30], [sflag:$0x1] =	stream.linear.gather [hbm4b:s10+s5], $0x80, $0x38;
	[tilespmem:$0x10080] =	vst v63  }
0x2f7: {  	s11 =	simm.s32 $0x9B00  }
0x2f8: {  	[tilespmem:s11], [sflag:$0x1] =	stream.linear.gather [hbm4b:s12+s5], $0x80, $0x38;
	[tilespmem:$0x10080] =	vst v63  }
0x2f9: {  	s23 =	simm.s32 $0x9F00  }
0x2fa: {  	[tilespmem:s23], [sflag:$0x1] =	stream.linear.gather [hbm4b:s13+s5], $0x80, $0x38;
	[tilespmem:$0x10080] =	vst v63  }
0x2fb: {  	s28 =	simm.s32 $0xA300  }
0x2fc: {  	[tilespmem:s28], [sflag:$0x1] =	stream.linear.gather [hbm4b:s14+s5], $0x80, $0x38;
	[tilespmem:$0x10080] =	vst v63  }
0x2fd: {  	s30 =	simm.s32 $0xA700  }
0x2fe: {  	[tilespmem:s30], [sflag:$0x1] =	stream.linear.gather [hbm4b:s15+s5], $0x80, $0x38;
	[tilespmem:$0x10080] =	vst v63  }
0x2ff: {  	s11 =	simm.s32 $0xAB00  }
0x300: {  	[tilespmem:s11], [sflag:$0x1] =	stream.linear.gather [hbm4b:s16+s5], $0x80, $0x38;
	[tilespmem:$0x10080] =	vst v63  }
0x301: {  	s23 =	simm.s32 $0xAF00  }
0x302: {  	[tilespmem:s23], [sflag:$0x1] =	stream.linear.gather [hbm4b:s17+s5], $0x80, $0x38;
	[tilespmem:$0x10080] =	vst v63  }
0x303: {  	s28 =	simm.s32 $0xB300  }
0x304: {  	[tilespmem:s28], [sflag:$0x1] =	stream.linear.gather [hbm4b:s21+s5], $0x80, $0x38;
	[tilespmem:$0x10080] =	vst v63  }
0x305: {  	s30 =	simm.s32 $0xB700  }
0x306: {  	[tilespmem:s30], [sflag:$0x1] =	stream.linear.gather [hbm4b:s22+s5], $0x80, $0x38;
	[tilespmem:$0x10080] =	vst v63  }
0x307: {  	s11 =	simm.s32 $0xBB00  }
0x308: {  	[tilespmem:s11], [sflag:$0x1] =	stream.linear.gather [hbm4b:s24+s5], $0x80, $0x38;
	[tilespmem:$0x10080] =	vst v63  }
0x309: {  	s23 =	simm.s32 $0xBF00  }
0x30a: {  	[tilespmem:s23], [sflag:$0x1] =	stream.linear.gather [hbm4b:s25+s5], $0x80, $0x38;
	[tilespmem:$0x10080] =	vst v63  }
0x30b: {  	_ =	swait.ge [sflag:s26], $0x800  }
0x30c: {  	[sflag:s26] =	ssyncset.done $0x0  }
0x30d: {  	s28 =	simm.s32 $0x8380;
	[sflag:s26] =	ssyncadd.s32 $0xFFFFF800  }
0x30e: {  	[tilespmem:s28], [sflag:$0x1] =	stream.linear.gather [hbm4b:s0+s5], $0x80, $0x38;
	[tilespmem:$0x10080] =	vst v63  }
0x30f: {  	s30 =	simm.s32 $0x8780  }
0x310: {  	[tilespmem:s30], [sflag:$0x1] =	stream.linear.gather [hbm4b:s3+s5], $0x80, $0x38;
	[tilespmem:$0x10080] =	vst v63  }
0x311: {  	s11 =	simm.s32 $0x8B80  }
0x312: {  	[tilespmem:s11], [sflag:$0x1] =	stream.linear.gather [hbm4b:s7+s5], $0x80, $0x38;
	[tilespmem:$0x10080] =	vst v63  }
0x313: {  	s23 =	simm.s32 $0x8F80  }
0x314: {  	[tilespmem:s23], [sflag:$0x1] =	stream.linear.gather [hbm4b:s8+s5], $0x80, $0x38;
	[tilespmem:$0x10080] =	vst v63  }
0x315: {  	s28 =	simm.s32 $0x9380  }
0x316: {  	[tilespmem:s28], [sflag:$0x1] =	stream.linear.gather [hbm4b:s9+s5], $0x80, $0x38;
	[tilespmem:$0x10080] =	vst v63  }
0x317: {  	s30 =	simm.s32 $0x9780  }
0x318: {  	[tilespmem:s30], [sflag:$0x1] =	stream.linear.gather [hbm4b:s10+s5], $0x80, $0x38;
	[tilespmem:$0x10080] =	vst v63  }
0x319: {  	s11 =	simm.s32 $0x9B80  }
0x31a: {  	[tilespmem:s11], [sflag:$0x1] =	stream.linear.gather [hbm4b:s12+s5], $0x80, $0x38;
	[tilespmem:$0x10080] =	vst v63  }
0x31b: {  	s23 =	simm.s32 $0x9F80  }
0x31c: {  	[tilespmem:s23], [sflag:$0x1] =	stream.linear.gather [hbm4b:s13+s5], $0x80, $0x38;
	[tilespmem:$0x10080] =	vst v63  }
0x31d: {  	s28 =	simm.s32 $0xA380  }
0x31e: {  	[tilespmem:s28], [sflag:$0x1] =	stream.linear.gather [hbm4b:s14+s5], $0x80, $0x38;
	[tilespmem:$0x10080] =	vst v63  }
0x31f: {  	s30 =	simm.s32 $0xA780  }
0x320: {  	[tilespmem:s30], [sflag:$0x1] =	stream.linear.gather [hbm4b:s15+s5], $0x80, $0x38;
	[tilespmem:$0x10080] =	vst v63  }
0x321: {  	s11 =	simm.s32 $0xAB80  }
0x322: {  	[tilespmem:s11], [sflag:$0x1] =	stream.linear.gather [hbm4b:s16+s5], $0x80, $0x38;
	[tilespmem:$0x10080] =	vst v63  }
0x323: {  	s23 =	simm.s32 $0xAF80  }
0x324: {  	[tilespmem:s23], [sflag:$0x1] =	stream.linear.gather [hbm4b:s17+s5], $0x80, $0x38;
	[tilespmem:$0x10080] =	vst v63  }
0x325: {  	s28 =	simm.s32 $0xB380  }
0x326: {  	[tilespmem:s28], [sflag:$0x1] =	stream.linear.gather [hbm4b:s21+s5], $0x80, $0x38;
	[tilespmem:$0x10080] =	vst v63  }
0x327: {  	s30 =	simm.s32 $0xB780  }
0x328: {  	[tilespmem:s30], [sflag:$0x1] =	stream.linear.gather [hbm4b:s22+s5], $0x80, $0x38;
	[tilespmem:$0x10080] =	vst v63  }
0x329: {  	s11 =	simm.s32 $0xBB80  }
0x32a: {  	[tilespmem:s11], [sflag:$0x1] =	stream.linear.gather [hbm4b:s24+s5], $0x80, $0x38;
	[tilespmem:$0x10080] =	vst v63  }
0x32b: {  	s23 =	simm.s32 $0xBF80  }
0x32c: {  	[tilespmem:s23], [sflag:$0x1] =	stream.linear.gather [hbm4b:s25+s5], $0x80, $0x38;
	[tilespmem:$0x10080] =	vst v63  }
0x32d: {  	_ =	swait.ge [sflag:s26], $0x800  }
0x32e: {  	[sflag:s26] =	ssyncset.done $0x0  }
0x32f: {  	s28 =	simm.s32 $0x8400;
	[sflag:s26] =	ssyncadd.s32 $0xFFFFF800  }
0x330: {  	[tilespmem:s28], [sflag:$0x1] =	stream.linear.gather [hbm4b:s0+s5], $0x80, $0x38;
	[tilespmem:$0x10080] =	vst v63  }
0x331: {  	s30 =	simm.s32 $0x8800  }
0x332: {  	[tilespmem:s30], [sflag:$0x1] =	stream.linear.gather [hbm4b:s3+s5], $0x80, $0x38;
	[tilespmem:$0x10080] =	vst v63  }
0x333: {  	s11 =	simm.s32 $0x8C00  }
0x334: {  	[tilespmem:s11], [sflag:$0x1] =	stream.linear.gather [hbm4b:s7+s5], $0x80, $0x38;
	[tilespmem:$0x10080] =	vst v63  }
0x335: {  	s23 =	simm.s32 $0x9000  }
0x336: {  	[tilespmem:s23], [sflag:$0x1] =	stream.linear.gather [hbm4b:s8+s5], $0x80, $0x38;
	[tilespmem:$0x10080] =	vst v63  }
0x337: {  	s28 =	simm.s32 $0x9400  }
0x338: {  	[tilespmem:s28], [sflag:$0x1] =	stream.linear.gather [hbm4b:s9+s5], $0x80, $0x38;
	[tilespmem:$0x10080] =	vst v63  }
0x339: {  	s30 =	simm.s32 $0x9800  }
0x33a: {  	[tilespmem:s30], [sflag:$0x1] =	stream.linear.gather [hbm4b:s10+s5], $0x80, $0x38;
	[tilespmem:$0x10080] =	vst v63  }
0x33b: {  	s11 =	simm.s32 $0x9C00  }
0x33c: {  	[tilespmem:s11], [sflag:$0x1] =	stream.linear.gather [hbm4b:s12+s5], $0x80, $0x38;
	[tilespmem:$0x10080] =	vst v63  }
0x33d: {  	s23 =	simm.s32 $0xA000  }
0x33e: {  	[tilespmem:s23], [sflag:$0x1] =	stream.linear.gather [hbm4b:s13+s5], $0x80, $0x38;
	[tilespmem:$0x10080] =	vst v63  }
0x33f: {  	s28 =	simm.s32 $0xA400  }
0x340: {  	[tilespmem:s28], [sflag:$0x1] =	stream.linear.gather [hbm4b:s14+s5], $0x80, $0x38;
	[tilespmem:$0x10080] =	vst v63  }
0x341: {  	s30 =	simm.s32 $0xA800  }
0x342: {  	[tilespmem:s30], [sflag:$0x1] =	stream.linear.gather [hbm4b:s15+s5], $0x80, $0x38;
	[tilespmem:$0x10080] =	vst v63  }
0x343: {  	s11 =	simm.s32 $0xAC00  }
0x344: {  	[tilespmem:s11], [sflag:$0x1] =	stream.linear.gather [hbm4b:s16+s5], $0x80, $0x38;
	[tilespmem:$0x10080] =	vst v63  }
0x345: {  	s23 =	simm.s32 $0xB000  }
0x346: {  	[tilespmem:s23], [sflag:$0x1] =	stream.linear.gather [hbm4b:s17+s5], $0x80, $0x38;
	[tilespmem:$0x10080] =	vst v63  }
0x347: {  	s28 =	simm.s32 $0xB400  }
0x348: {  	[tilespmem:s28], [sflag:$0x1] =	stream.linear.gather [hbm4b:s21+s5], $0x80, $0x38;
	[tilespmem:$0x10080] =	vst v63  }
0x349: {  	s30 =	simm.s32 $0xB800  }
0x34a: {  	[tilespmem:s30], [sflag:$0x1] =	stream.linear.gather [hbm4b:s22+s5], $0x80, $0x38;
	[tilespmem:$0x10080] =	vst v63  }
0x34b: {  	s11 =	simm.s32 $0xBC00  }
0x34c: {  	[tilespmem:s11], [sflag:$0x1] =	stream.linear.gather [hbm4b:s24+s5], $0x80, $0x38;
	[tilespmem:$0x10080] =	vst v63  }
0x34d: {  	s23 =	simm.s32 $0xC000  }
0x34e: {  	[tilespmem:s23], [sflag:$0x1] =	stream.linear.gather [hbm4b:s25+s5], $0x80, $0x38;
	[tilespmem:$0x10080] =	vst v63  }
0x34f: {  	_ =	swait.ge [sflag:s26], $0x800  }
0x350: {  	[sflag:s26] =	ssyncset.done $0x0  }
0x351: {  	s28 =	simm.s32 $0xC080;
	[sflag:s26] =	ssyncadd.s32 $0xFFFFF800  }
0x352: {  	[tilespmem:s28], [sflag:$0x1] =	stream.linear.gather [hbm4b:s0+s5], $0x80, $0x38;
	[tilespmem:$0x10080] =	vst v63  }
0x353: {  	s30 =	simm.s32 $0xC480  }
0x354: {  	[tilespmem:s30], [sflag:$0x1] =	stream.linear.gather [hbm4b:s3+s5], $0x80, $0x38;
	[tilespmem:$0x10080] =	vst v63  }
0x355: {  	s11 =	simm.s32 $0xC880  }
0x356: {  	[tilespmem:s11], [sflag:$0x1] =	stream.linear.gather [hbm4b:s7+s5], $0x80, $0x38;
	[tilespmem:$0x10080] =	vst v63  }
0x357: {  	s23 =	simm.s32 $0xCC80  }
0x358: {  	[tilespmem:s23], [sflag:$0x1] =	stream.linear.gather [hbm4b:s8+s5], $0x80, $0x38;
	[tilespmem:$0x10080] =	vst v63  }
0x359: {  	s28 =	simm.s32 $0xD080  }
0x35a: {  	[tilespmem:s28], [sflag:$0x1] =	stream.linear.gather [hbm4b:s9+s5], $0x80, $0x38;
	[tilespmem:$0x10080] =	vst v63  }
0x35b: {  	s30 =	simm.s32 $0xD480  }
0x35c: {  	[tilespmem:s30], [sflag:$0x1] =	stream.linear.gather [hbm4b:s10+s5], $0x80, $0x38;
	[tilespmem:$0x10080] =	vst v63  }
0x35d: {  	s11 =	simm.s32 $0xD880  }
0x35e: {  	[tilespmem:s11], [sflag:$0x1] =	stream.linear.gather [hbm4b:s12+s5], $0x80, $0x38;
	[tilespmem:$0x10080] =	vst v63  }
0x35f: {  	s23 =	simm.s32 $0xDC80  }
0x360: {  	[tilespmem:s23], [sflag:$0x1] =	stream.linear.gather [hbm4b:s13+s5], $0x80, $0x38;
	[tilespmem:$0x10080] =	vst v63  }
0x361: {  	s28 =	simm.s32 $0xE080  }
0x362: {  	[tilespmem:s28], [sflag:$0x1] =	stream.linear.gather [hbm4b:s14+s5], $0x80, $0x38;
	[tilespmem:$0x10080] =	vst v63  }
0x363: {  	s30 =	simm.s32 $0xE480  }
0x364: {  	[tilespmem:s30], [sflag:$0x1] =	stream.linear.gather [hbm4b:s15+s5], $0x80, $0x38;
	[tilespmem:$0x10080] =	vst v63  }
0x365: {  	s11 =	simm.s32 $0xE880  }
0x366: {  	[tilespmem:s11], [sflag:$0x1] =	stream.linear.gather [hbm4b:s16+s5], $0x80, $0x38;
	[tilespmem:$0x10080] =	vst v63  }
0x367: {  	s23 =	simm.s32 $0xEC80  }
0x368: {  	[tilespmem:s23], [sflag:$0x1] =	stream.linear.gather [hbm4b:s17+s5], $0x80, $0x38;
	[tilespmem:$0x10080] =	vst v63  }
0x369: {  	s28 =	simm.s32 $0xF080  }
0x36a: {  	[tilespmem:s28], [sflag:$0x1] =	stream.linear.gather [hbm4b:s21+s5], $0x80, $0x38;
	[tilespmem:$0x10080] =	vst v63  }
0x36b: {  	s30 =	simm.s32 $0xF480  }
0x36c: {  	[tilespmem:s30], [sflag:$0x1] =	stream.linear.gather [hbm4b:s22+s5], $0x80, $0x38;
	[tilespmem:$0x10080] =	vst v63  }
0x36d: {  	s11 =	simm.s32 $0xF880  }
0x36e: {  	[tilespmem:s11], [sflag:$0x1] =	stream.linear.gather [hbm4b:s24+s5], $0x80, $0x38;
	[tilespmem:$0x10080] =	vst v63  }
0x36f: {  	s23 =	simm.s32 $0xFC80  }
0x370: {  	[tilespmem:s23], [sflag:$0x1] =	stream.linear.gather [hbm4b:s25+s5], $0x80, $0x38;
	[tilespmem:$0x10080] =	vst v63  }
0x371: {  	_ =	swait.ge [sflag:s26], $0x800  }
0x372: {  	[sflag:s26] =	ssyncset.done $0x0  }
0x373: {  	s28 =	simm.s32 $0xC100;
	[sflag:s26] =	ssyncadd.s32 $0xFFFFF800  }
0x374: {  	[tilespmem:s28], [sflag:$0x1] =	stream.linear.gather [hbm4b:s0+s5], $0x80, $0x38;
	[tilespmem:$0x10080] =	vst v63  }
0x375: {  	s30 =	simm.s32 $0xC500  }
0x376: {  	[tilespmem:s30], [sflag:$0x1] =	stream.linear.gather [hbm4b:s3+s5], $0x80, $0x38;
	[tilespmem:$0x10080] =	vst v63  }
0x377: {  	s11 =	simm.s32 $0xC900  }
0x378: {  	[tilespmem:s11], [sflag:$0x1] =	stream.linear.gather [hbm4b:s7+s5], $0x80, $0x38;
	[tilespmem:$0x10080] =	vst v63  }
0x379: {  	s23 =	simm.s32 $0xCD00  }
0x37a: {  	[tilespmem:s23], [sflag:$0x1] =	stream.linear.gather [hbm4b:s8+s5], $0x80, $0x38;
	[tilespmem:$0x10080] =	vst v63  }
0x37b: {  	s28 =	simm.s32 $0xD100  }
0x37c: {  	[tilespmem:s28], [sflag:$0x1] =	stream.linear.gather [hbm4b:s9+s5], $0x80, $0x38;
	[tilespmem:$0x10080] =	vst v63  }
0x37d: {  	s30 =	simm.s32 $0xD500  }
0x37e: {  	[tilespmem:s30], [sflag:$0x1] =	stream.linear.gather [hbm4b:s10+s5], $0x80, $0x38;
	[tilespmem:$0x10080] =	vst v63  }
0x37f: {  	s11 =	simm.s32 $0xD900  }
0x380: {  	[tilespmem:s11], [sflag:$0x1] =	stream.linear.gather [hbm4b:s12+s5], $0x80, $0x38;
	[tilespmem:$0x10080] =	vst v63  }
0x381: {  	s23 =	simm.s32 $0xDD00  }
0x382: {  	[tilespmem:s23], [sflag:$0x1] =	stream.linear.gather [hbm4b:s13+s5], $0x80, $0x38;
	[tilespmem:$0x10080] =	vst v63  }
0x383: {  	s28 =	simm.s32 $0xE100  }
0x384: {  	[tilespmem:s28], [sflag:$0x1] =	stream.linear.gather [hbm4b:s14+s5], $0x80, $0x38;
	[tilespmem:$0x10080] =	vst v63  }
0x385: {  	s30 =	simm.s32 $0xE500  }
0x386: {  	[tilespmem:s30], [sflag:$0x1] =	stream.linear.gather [hbm4b:s15+s5], $0x80, $0x38;
	[tilespmem:$0x10080] =	vst v63  }
0x387: {  	s11 =	simm.s32 $0xE900  }
0x388: {  	[tilespmem:s11], [sflag:$0x1] =	stream.linear.gather [hbm4b:s16+s5], $0x80, $0x38;
	[tilespmem:$0x10080] =	vst v63  }
0x389: {  	s23 =	simm.s32 $0xED00  }
0x38a: {  	[tilespmem:s23], [sflag:$0x1] =	stream.linear.gather [hbm4b:s17+s5], $0x80, $0x38;
	[tilespmem:$0x10080] =	vst v63  }
0x38b: {  	s28 =	simm.s32 $0xF100  }
0x38c: {  	[tilespmem:s28], [sflag:$0x1] =	stream.linear.gather [hbm4b:s21+s5], $0x80, $0x38;
	[tilespmem:$0x10080] =	vst v63  }
0x38d: {  	s30 =	simm.s32 $0xF500  }
0x38e: {  	[tilespmem:s30], [sflag:$0x1] =	stream.linear.gather [hbm4b:s22+s5], $0x80, $0x38;
	[tilespmem:$0x10080] =	vst v63  }
0x38f: {  	s11 =	simm.s32 $0xF900  }
0x390: {  	[tilespmem:s11], [sflag:$0x1] =	stream.linear.gather [hbm4b:s24+s5], $0x80, $0x38;
	[tilespmem:$0x10080] =	vst v63  }
0x391: {  	s23 =	simm.s32 $0xFD00  }
0x392: {  	[tilespmem:s23], [sflag:$0x1] =	stream.linear.gather [hbm4b:s25+s5], $0x80, $0x38;
	[tilespmem:$0x10080] =	vst v63  }
0x393: {  	_ =	swait.ge [sflag:s26], $0x800  }
0x394: {  	[sflag:s26] =	ssyncset.done $0x0  }
0x395: {  	s28 =	simm.s32 $0xC180;
	[sflag:s26] =	ssyncadd.s32 $0xFFFFF800  }
0x396: {  	[tilespmem:s28], [sflag:$0x1] =	stream.linear.gather [hbm4b:s0+s5], $0x80, $0x38;
	[tilespmem:$0x10080] =	vst v63  }
0x397: {  	s30 =	simm.s32 $0xC580  }
0x398: {  	[tilespmem:s30], [sflag:$0x1] =	stream.linear.gather [hbm4b:s3+s5], $0x80, $0x38;
	[tilespmem:$0x10080] =	vst v63  }
0x399: {  	s11 =	simm.s32 $0xC980  }
0x39a: {  	[tilespmem:s11], [sflag:$0x1] =	stream.linear.gather [hbm4b:s7+s5], $0x80, $0x38;
	[tilespmem:$0x10080] =	vst v63  }
0x39b: {  	s23 =	simm.s32 $0xCD80  }
0x39c: {  	[tilespmem:s23], [sflag:$0x1] =	stream.linear.gather [hbm4b:s8+s5], $0x80, $0x38;
	[tilespmem:$0x10080] =	vst v63  }
0x39d: {  	s28 =	simm.s32 $0xD180  }
0x39e: {  	[tilespmem:s28], [sflag:$0x1] =	stream.linear.gather [hbm4b:s9+s5], $0x80, $0x38;
	[tilespmem:$0x10080] =	vst v63  }
0x39f: {  	s30 =	simm.s32 $0xD580  }
0x3a0: {  	[tilespmem:s30], [sflag:$0x1] =	stream.linear.gather [hbm4b:s10+s5], $0x80, $0x38;
	[tilespmem:$0x10080] =	vst v63  }
0x3a1: {  	s11 =	simm.s32 $0xD980  }
0x3a2: {  	[tilespmem:s11], [sflag:$0x1] =	stream.linear.gather [hbm4b:s12+s5], $0x80, $0x38;
	[tilespmem:$0x10080] =	vst v63  }
0x3a3: {  	s23 =	simm.s32 $0xDD80  }
0x3a4: {  	[tilespmem:s23], [sflag:$0x1] =	stream.linear.gather [hbm4b:s13+s5], $0x80, $0x38;
	[tilespmem:$0x10080] =	vst v63  }
0x3a5: {  	s28 =	simm.s32 $0xE180  }
0x3a6: {  	[tilespmem:s28], [sflag:$0x1] =	stream.linear.gather [hbm4b:s14+s5], $0x80, $0x38;
	[tilespmem:$0x10080] =	vst v63  }
0x3a7: {  	s30 =	simm.s32 $0xE580  }
0x3a8: {  	[tilespmem:s30], [sflag:$0x1] =	stream.linear.gather [hbm4b:s15+s5], $0x80, $0x38;
	[tilespmem:$0x10080] =	vst v63  }
0x3a9: {  	s11 =	simm.s32 $0xE980  }
0x3aa: {  	[tilespmem:s11], [sflag:$0x1] =	stream.linear.gather [hbm4b:s16+s5], $0x80, $0x38;
	[tilespmem:$0x10080] =	vst v63  }
0x3ab: {  	s23 =	simm.s32 $0xED80  }
0x3ac: {  	[tilespmem:s23], [sflag:$0x1] =	stream.linear.gather [hbm4b:s17+s5], $0x80, $0x38;
	[tilespmem:$0x10080] =	vst v63  }
0x3ad: {  	s28 =	simm.s32 $0xF180  }
0x3ae: {  	[tilespmem:s28], [sflag:$0x1] =	stream.linear.gather [hbm4b:s21+s5], $0x80, $0x38;
	[tilespmem:$0x10080] =	vst v63  }
0x3af: {  	s30 =	simm.s32 $0xF580  }
0x3b0: {  	[tilespmem:s30], [sflag:$0x1] =	stream.linear.gather [hbm4b:s22+s5], $0x80, $0x38;
	[tilespmem:$0x10080] =	vst v63  }
0x3b1: {  	s11 =	simm.s32 $0xF980  }
0x3b2: {  	[tilespmem:s11], [sflag:$0x1] =	stream.linear.gather [hbm4b:s24+s5], $0x80, $0x38;
	[tilespmem:$0x10080] =	vst v63  }
0x3b3: {  	s23 =	simm.s32 $0xFD80  }
0x3b4: {  	[tilespmem:s23], [sflag:$0x1] =	stream.linear.gather [hbm4b:s25+s5], $0x80, $0x38;
	[tilespmem:$0x10080] =	vst v63  }
0x3b5: {  	_ =	swait.ge [sflag:s26], $0x800  }
0x3b6: {  	[sflag:s26] =	ssyncset.done $0x0  }
0x3b7: {  	s28 =	simm.s32 $0xC200;
	[sflag:s26] =	ssyncadd.s32 $0xFFFFF800  }
0x3b8: {  	[tilespmem:s28], [sflag:$0x1] =	stream.linear.gather [hbm4b:s0+s5], $0x80, $0x38;
	[tilespmem:$0x10080] =	vst v63  }
0x3b9: {  	s30 =	simm.s32 $0xC600  }
0x3ba: {  	[tilespmem:s30], [sflag:$0x1] =	stream.linear.gather [hbm4b:s3+s5], $0x80, $0x38;
	[tilespmem:$0x10080] =	vst v63  }
0x3bb: {  	s11 =	simm.s32 $0xCA00  }
0x3bc: {  	[tilespmem:s11], [sflag:$0x1] =	stream.linear.gather [hbm4b:s7+s5], $0x80, $0x38;
	[tilespmem:$0x10080] =	vst v63  }
0x3bd: {  	s23 =	simm.s32 $0xCE00  }
0x3be: {  	[tilespmem:s23], [sflag:$0x1] =	stream.linear.gather [hbm4b:s8+s5], $0x80, $0x38;
	[tilespmem:$0x10080] =	vst v63  }
0x3bf: {  	s28 =	simm.s32 $0xD200  }
0x3c0: {  	[tilespmem:s28], [sflag:$0x1] =	stream.linear.gather [hbm4b:s9+s5], $0x80, $0x38;
	[tilespmem:$0x10080] =	vst v63  }
0x3c1: {  	s30 =	simm.s32 $0xD600  }
0x3c2: {  	[tilespmem:s30], [sflag:$0x1] =	stream.linear.gather [hbm4b:s10+s5], $0x80, $0x38;
	[tilespmem:$0x10080] =	vst v63  }
0x3c3: {  	s11 =	simm.s32 $0xDA00  }
0x3c4: {  	[tilespmem:s11], [sflag:$0x1] =	stream.linear.gather [hbm4b:s12+s5], $0x80, $0x38;
	[tilespmem:$0x10080] =	vst v63  }
0x3c5: {  	s23 =	simm.s32 $0xDE00  }
0x3c6: {  	[tilespmem:s23], [sflag:$0x1] =	stream.linear.gather [hbm4b:s13+s5], $0x80, $0x38;
	[tilespmem:$0x10080] =	vst v63  }
0x3c7: {  	s28 =	simm.s32 $0xE200  }
0x3c8: {  	[tilespmem:s28], [sflag:$0x1] =	stream.linear.gather [hbm4b:s14+s5], $0x80, $0x38;
	[tilespmem:$0x10080] =	vst v63  }
0x3c9: {  	s30 =	simm.s32 $0xE600  }
0x3ca: {  	[tilespmem:s30], [sflag:$0x1] =	stream.linear.gather [hbm4b:s15+s5], $0x80, $0x38;
	[tilespmem:$0x10080] =	vst v63  }
0x3cb: {  	s11 =	simm.s32 $0xEA00  }
0x3cc: {  	[tilespmem:s11], [sflag:$0x1] =	stream.linear.gather [hbm4b:s16+s5], $0x80, $0x38;
	[tilespmem:$0x10080] =	vst v63  }
0x3cd: {  	s23 =	simm.s32 $0xEE00  }
0x3ce: {  	[tilespmem:s23], [sflag:$0x1] =	stream.linear.gather [hbm4b:s17+s5], $0x80, $0x38;
	[tilespmem:$0x10080] =	vst v63  }
0x3cf: {  	s28 =	simm.s32 $0xF200  }
0x3d0: {  	[tilespmem:s28], [sflag:$0x1] =	stream.linear.gather [hbm4b:s21+s5], $0x80, $0x38;
	[tilespmem:$0x10080] =	vst v63  }
0x3d1: {  	s30 =	simm.s32 $0xF600  }
0x3d2: {  	[tilespmem:s30], [sflag:$0x1] =	stream.linear.gather [hbm4b:s22+s5], $0x80, $0x38;
	[tilespmem:$0x10080] =	vst v63  }
0x3d3: {  	s11 =	simm.s32 $0xFA00  }
0x3d4: {  	[tilespmem:s11], [sflag:$0x1] =	stream.linear.gather [hbm4b:s24+s5], $0x80, $0x38;
	[tilespmem:$0x10080] =	vst v63  }
0x3d5: {  	s23 =	simm.s32 $0xFE00  }
0x3d6: {  	[tilespmem:s23], [sflag:$0x1] =	stream.linear.gather [hbm4b:s25+s5], $0x80, $0x38;
	[tilespmem:$0x10080] =	vst v63  }
0x3d7: {  	_ =	swait.ge [sflag:s26], $0x800  }
0x3d8: {  	[sflag:s26] =	ssyncset.done $0x0  }
0x3d9: {  	s28 =	simm.s32 $0xC280;
	[sflag:s26] =	ssyncadd.s32 $0xFFFFF800  }
0x3da: {  	[tilespmem:s28], [sflag:$0x1] =	stream.linear.gather [hbm4b:s0+s5], $0x80, $0x38;
	[tilespmem:$0x10080] =	vst v63  }
0x3db: {  	s30 =	simm.s32 $0xC680  }
0x3dc: {  	[tilespmem:s30], [sflag:$0x1] =	stream.linear.gather [hbm4b:s3+s5], $0x80, $0x38;
	[tilespmem:$0x10080] =	vst v63  }
0x3dd: {  	s11 =	simm.s32 $0xCA80  }
0x3de: {  	[tilespmem:s11], [sflag:$0x1] =	stream.linear.gather [hbm4b:s7+s5], $0x80, $0x38;
	[tilespmem:$0x10080] =	vst v63  }
0x3df: {  	s23 =	simm.s32 $0xCE80  }
0x3e0: {  	[tilespmem:s23], [sflag:$0x1] =	stream.linear.gather [hbm4b:s8+s5], $0x80, $0x38;
	[tilespmem:$0x10080] =	vst v63  }
0x3e1: {  	s28 =	simm.s32 $0xD280  }
0x3e2: {  	[tilespmem:s28], [sflag:$0x1] =	stream.linear.gather [hbm4b:s9+s5], $0x80, $0x38;
	[tilespmem:$0x10080] =	vst v63  }
0x3e3: {  	s30 =	simm.s32 $0xD680  }
0x3e4: {  	[tilespmem:s30], [sflag:$0x1] =	stream.linear.gather [hbm4b:s10+s5], $0x80, $0x38;
	[tilespmem:$0x10080] =	vst v63  }
0x3e5: {  	s11 =	simm.s32 $0xDA80  }
0x3e6: {  	[tilespmem:s11], [sflag:$0x1] =	stream.linear.gather [hbm4b:s12+s5], $0x80, $0x38;
	[tilespmem:$0x10080] =	vst v63  }
0x3e7: {  	s23 =	simm.s32 $0xDE80  }
0x3e8: {  	[tilespmem:s23], [sflag:$0x1] =	stream.linear.gather [hbm4b:s13+s5], $0x80, $0x38;
	[tilespmem:$0x10080] =	vst v63  }
0x3e9: {  	s28 =	simm.s32 $0xE280  }
0x3ea: {  	[tilespmem:s28], [sflag:$0x1] =	stream.linear.gather [hbm4b:s14+s5], $0x80, $0x38;
	[tilespmem:$0x10080] =	vst v63  }
0x3eb: {  	s30 =	simm.s32 $0xE680  }
0x3ec: {  	[tilespmem:s30], [sflag:$0x1] =	stream.linear.gather [hbm4b:s15+s5], $0x80, $0x38;
	[tilespmem:$0x10080] =	vst v63  }
0x3ed: {  	s11 =	simm.s32 $0xEA80  }
0x3ee: {  	[tilespmem:s11], [sflag:$0x1] =	stream.linear.gather [hbm4b:s16+s5], $0x80, $0x38;
	[tilespmem:$0x10080] =	vst v63  }
0x3ef: {  	s23 =	simm.s32 $0xEE80  }
0x3f0: {  	[tilespmem:s23], [sflag:$0x1] =	stream.linear.gather [hbm4b:s17+s5], $0x80, $0x38;
	[tilespmem:$0x10080] =	vst v63  }
0x3f1: {  	s28 =	simm.s32 $0xF280  }
0x3f2: {  	[tilespmem:s28], [sflag:$0x1] =	stream.linear.gather [hbm4b:s21+s5], $0x80, $0x38;
	[tilespmem:$0x10080] =	vst v63  }
0x3f3: {  	s30 =	simm.s32 $0xF680  }
0x3f4: {  	[tilespmem:s30], [sflag:$0x1] =	stream.linear.gather [hbm4b:s22+s5], $0x80, $0x38;
	[tilespmem:$0x10080] =	vst v63  }
0x3f5: {  	s11 =	simm.s32 $0xFA80  }
0x3f6: {  	[tilespmem:s11], [sflag:$0x1] =	stream.linear.gather [hbm4b:s24+s5], $0x80, $0x38;
	[tilespmem:$0x10080] =	vst v63  }
0x3f7: {  	s23 =	simm.s32 $0xFE80  }
0x3f8: {  	[tilespmem:s23], [sflag:$0x1] =	stream.linear.gather [hbm4b:s25+s5], $0x80, $0x38;
	[tilespmem:$0x10080] =	vst v63  }
0x3f9: {  	_ =	swait.ge [sflag:s26], $0x800  }
0x3fa: {  	[sflag:s26] =	ssyncset.done $0x0  }
0x3fb: {  	s28 =	simm.s32 $0xC300;
	[sflag:s26] =	ssyncadd.s32 $0xFFFFF800  }
0x3fc: {  	[tilespmem:s28], [sflag:$0x1] =	stream.linear.gather [hbm4b:s0+s5], $0x80, $0x38;
	[tilespmem:$0x10080] =	vst v63  }
0x3fd: {  	s30 =	simm.s32 $0xC700  }
0x3fe: {  	[tilespmem:s30], [sflag:$0x1] =	stream.linear.gather [hbm4b:s3+s5], $0x80, $0x38;
	[tilespmem:$0x10080] =	vst v63  }
0x3ff: {  	s11 =	simm.s32 $0xCB00  }
0x400: {  	[tilespmem:s11], [sflag:$0x1] =	stream.linear.gather [hbm4b:s7+s5], $0x80, $0x38;
	[tilespmem:$0x10080] =	vst v63  }
0x401: {  	s23 =	simm.s32 $0xCF00  }
0x402: {  	[tilespmem:s23], [sflag:$0x1] =	stream.linear.gather [hbm4b:s8+s5], $0x80, $0x38;
	[tilespmem:$0x10080] =	vst v63  }
0x403: {  	s28 =	simm.s32 $0xD300  }
0x404: {  	[tilespmem:s28], [sflag:$0x1] =	stream.linear.gather [hbm4b:s9+s5], $0x80, $0x38;
	[tilespmem:$0x10080] =	vst v63  }
0x405: {  	s30 =	simm.s32 $0xD700  }
0x406: {  	[tilespmem:s30], [sflag:$0x1] =	stream.linear.gather [hbm4b:s10+s5], $0x80, $0x38;
	[tilespmem:$0x10080] =	vst v63  }
0x407: {  	s11 =	simm.s32 $0xDB00  }
0x408: {  	[tilespmem:s11], [sflag:$0x1] =	stream.linear.gather [hbm4b:s12+s5], $0x80, $0x38;
	[tilespmem:$0x10080] =	vst v63  }
0x409: {  	s23 =	simm.s32 $0xDF00  }
0x40a: {  	[tilespmem:s23], [sflag:$0x1] =	stream.linear.gather [hbm4b:s13+s5], $0x80, $0x38;
	[tilespmem:$0x10080] =	vst v63  }
0x40b: {  	s28 =	simm.s32 $0xE300  }
0x40c: {  	[tilespmem:s28], [sflag:$0x1] =	stream.linear.gather [hbm4b:s14+s5], $0x80, $0x38;
	[tilespmem:$0x10080] =	vst v63  }
0x40d: {  	s30 =	simm.s32 $0xE700  }
0x40e: {  	[tilespmem:s30], [sflag:$0x1] =	stream.linear.gather [hbm4b:s15+s5], $0x80, $0x38;
	[tilespmem:$0x10080] =	vst v63  }
0x40f: {  	s11 =	simm.s32 $0xEB00  }
0x410: {  	[tilespmem:s11], [sflag:$0x1] =	stream.linear.gather [hbm4b:s16+s5], $0x80, $0x38;
	[tilespmem:$0x10080] =	vst v63  }
0x411: {  	s23 =	simm.s32 $0xEF00  }
0x412: {  	[tilespmem:s23], [sflag:$0x1] =	stream.linear.gather [hbm4b:s17+s5], $0x80, $0x38;
	[tilespmem:$0x10080] =	vst v63  }
0x413: {  	s28 =	simm.s32 $0xF300  }
0x414: {  	[tilespmem:s28], [sflag:$0x1] =	stream.linear.gather [hbm4b:s21+s5], $0x80, $0x38;
	[tilespmem:$0x10080] =	vst v63  }
0x415: {  	s30 =	simm.s32 $0xF700  }
0x416: {  	[tilespmem:s30], [sflag:$0x1] =	stream.linear.gather [hbm4b:s22+s5], $0x80, $0x38;
	[tilespmem:$0x10080] =	vst v63  }
0x417: {  	s11 =	simm.s32 $0xFB00  }
0x418: {  	[tilespmem:s11], [sflag:$0x1] =	stream.linear.gather [hbm4b:s24+s5], $0x80, $0x38;
	[tilespmem:$0x10080] =	vst v63  }
0x419: {  	s23 =	simm.s32 $0xFF00  }
0x41a: {  	[tilespmem:s23], [sflag:$0x1] =	stream.linear.gather [hbm4b:s25+s5], $0x80, $0x38;
	[tilespmem:$0x10080] =	vst v63  }
0x41b: {  	_ =	swait.ge [sflag:s26], $0x800  }
0x41c: {  	[sflag:s26] =	ssyncset.done $0x0  }
0x41d: {  	s28 =	simm.s32 $0xC380;
	[sflag:s26] =	ssyncadd.s32 $0xFFFFF800  }
0x41e: {  	[tilespmem:s28], [sflag:$0x1] =	stream.linear.gather [hbm4b:s0+s5], $0x80, $0x38;
	[tilespmem:$0x10080] =	vst v63  }
0x41f: {  	s30 =	simm.s32 $0xC780  }
0x420: {  	[tilespmem:s30], [sflag:$0x1] =	stream.linear.gather [hbm4b:s3+s5], $0x80, $0x38;
	[tilespmem:$0x10080] =	vst v63  }
0x421: {  	s11 =	simm.s32 $0xCB80  }
0x422: {  	[tilespmem:s11], [sflag:$0x1] =	stream.linear.gather [hbm4b:s7+s5], $0x80, $0x38;
	[tilespmem:$0x10080] =	vst v63  }
0x423: {  	s23 =	simm.s32 $0xCF80  }
0x424: {  	[tilespmem:s23], [sflag:$0x1] =	stream.linear.gather [hbm4b:s8+s5], $0x80, $0x38;
	[tilespmem:$0x10080] =	vst v63  }
0x425: {  	s28 =	simm.s32 $0xD380  }
0x426: {  	[tilespmem:s28], [sflag:$0x1] =	stream.linear.gather [hbm4b:s9+s5], $0x80, $0x38;
	[tilespmem:$0x10080] =	vst v63  }
0x427: {  	s30 =	simm.s32 $0xD780  }
0x428: {  	[tilespmem:s30], [sflag:$0x1] =	stream.linear.gather [hbm4b:s10+s5], $0x80, $0x38;
	[tilespmem:$0x10080] =	vst v63  }
0x429: {  	s11 =	simm.s32 $0xDB80  }
0x42a: {  	[tilespmem:s11], [sflag:$0x1] =	stream.linear.gather [hbm4b:s12+s5], $0x80, $0x38;
	[tilespmem:$0x10080] =	vst v63  }
0x42b: {  	s23 =	simm.s32 $0xDF80  }
0x42c: {  	[tilespmem:s23], [sflag:$0x1] =	stream.linear.gather [hbm4b:s13+s5], $0x80, $0x38;
	[tilespmem:$0x10080] =	vst v63  }
0x42d: {  	s28 =	simm.s32 $0xE380  }
0x42e: {  	[tilespmem:s28], [sflag:$0x1] =	stream.linear.gather [hbm4b:s14+s5], $0x80, $0x38;
	[tilespmem:$0x10080] =	vst v63  }
0x42f: {  	s30 =	simm.s32 $0xE780  }
0x430: {  	[tilespmem:s30], [sflag:$0x1] =	stream.linear.gather [hbm4b:s15+s5], $0x80, $0x38;
	[tilespmem:$0x10080] =	vst v63  }
0x431: {  	s11 =	simm.s32 $0xEB80  }
0x432: {  	[tilespmem:s11], [sflag:$0x1] =	stream.linear.gather [hbm4b:s16+s5], $0x80, $0x38;
	[tilespmem:$0x10080] =	vst v63  }
0x433: {  	s23 =	simm.s32 $0xEF80  }
0x434: {  	[tilespmem:s23], [sflag:$0x1] =	stream.linear.gather [hbm4b:s17+s5], $0x80, $0x38;
	[tilespmem:$0x10080] =	vst v63  }
0x435: {  	s28 =	simm.s32 $0xF380  }
0x436: {  	[tilespmem:s28], [sflag:$0x1] =	stream.linear.gather [hbm4b:s21+s5], $0x80, $0x38;
	[tilespmem:$0x10080] =	vst v63  }
0x437: {  	s30 =	simm.s32 $0xF780  }
0x438: {  	[tilespmem:s30], [sflag:$0x1] =	stream.linear.gather [hbm4b:s22+s5], $0x80, $0x38;
	[tilespmem:$0x10080] =	vst v63  }
0x439: {  	s11 =	simm.s32 $0xFB80  }
0x43a: {  	[tilespmem:s11], [sflag:$0x1] =	stream.linear.gather [hbm4b:s24+s5], $0x80, $0x38;
	[tilespmem:$0x10080] =	vst v63  }
0x43b: {  	s23 =	simm.s32 $0xFF80  }
0x43c: {  	[tilespmem:s23], [sflag:$0x1] =	stream.linear.gather [hbm4b:s25+s5], $0x80, $0x38;
	[tilespmem:$0x10080] =	vst v63  }
0x43d: {  	_ =	swait.ge [sflag:s26], $0x800  }
0x43e: {  	[sflag:s26] =	ssyncset.done $0x0  }
0x43f: {  	s28 =	simm.s32 $0xC400;
	[sflag:s26] =	ssyncadd.s32 $0xFFFFF800  }
0x440: {  	[tilespmem:s28], [sflag:$0x1] =	stream.linear.gather [hbm4b:s0+s5], $0x80, $0x38;
	[tilespmem:$0x10080] =	vst v63  }
0x441: {  	s30 =	simm.s32 $0xC800  }
0x442: {  	[tilespmem:s30], [sflag:$0x1] =	stream.linear.gather [hbm4b:s3+s5], $0x80, $0x38;
	[tilespmem:$0x10080] =	vst v63  }
0x443: {  	s3 =	simm.s32 $0xCC00  }
0x444: {  	[tilespmem:s3], [sflag:$0x1] =	stream.linear.gather [hbm4b:s7+s5], $0x80, $0x38;
	[tilespmem:$0x10080] =	vst v63  }
0x445: {  	s7 =	simm.s32 $0xD000  }
0x446: {  	[tilespmem:s7], [sflag:$0x1] =	stream.linear.gather [hbm4b:s8+s5], $0x80, $0x38;
	[tilespmem:$0x10080] =	vst v63  }
0x447: {  	s8 =	simm.s32 $0xD400  }
0x448: {  	(v2sf) =	vpush v0, $0x0;
	[tilespmem:s8], [sflag:$0x1] =	stream.linear.gather [hbm4b:s9+s5], $0x80, $0x38;
	[tilespmem:$0x10080] =	vst v63  }
0x449: {  	s9 =	simm.s32 $0xD800  }
0x44a: {  	(v2sf) =	vpush v0, $0x1;
	[tilespmem:s9], [sflag:$0x1] =	stream.linear.gather [hbm4b:s10+s5], $0x80, $0x38;
	[tilespmem:$0x10080] =	vst v63  }
0x44b: {  	s11 =	simm.s32 $0xDC00  }
0x44c: {  	(v2sf) =	vpush v0, $0x2;
	[tilespmem:s11], [sflag:$0x1] =	stream.linear.gather [hbm4b:s12+s5], $0x80, $0x38;
	[tilespmem:$0x10080] =	vst v63  }
0x44d: {  	s12 =	simm.s32 $0xE000  }
0x44e: {  	(v2sf) =	vpush v0, $0x3;
	[tilespmem:s12], [sflag:$0x1] =	stream.linear.gather [hbm4b:s13+s5], $0x80, $0x38;
	[tilespmem:$0x10080] =	vst v63  }
0x44f: {  	s13 =	simm.s32 $0xE400  }
0x450: {  	[tilespmem:s13], [sflag:$0x1] =	stream.linear.gather [hbm4b:s14+s5], $0x80, $0x38;
	[tilespmem:$0x10080] =	vst v63  }
0x451: {  	s14 =	simm.s32 $0xE800  }
0x452: {  	[tilespmem:s14], [sflag:$0x1] =	stream.linear.gather [hbm4b:s15+s5], $0x80, $0x38;
	[tilespmem:$0x10080] =	vst v63  }
0x453: {  	s15 =	simm.s32 $0xEC00  }
0x454: {  	[tilespmem:s15], [sflag:$0x1] =	stream.linear.gather [hbm4b:s16+s5], $0x80, $0x38;
	[tilespmem:$0x10080] =	vst v63  }
0x455: {  	s16 =	simm.s32 $0xF000  }
0x456: {  	[tilespmem:s16], [sflag:$0x1] =	stream.linear.gather [hbm4b:s17+s5], $0x80, $0x38;
	[tilespmem:$0x10080] =	vst v63  }
0x457: {  	s19 =	simm.s32 $0xF400;
	s31 =	spop (v2sf)  }
0x458: {  	[tilespmem:s19], [sflag:$0x1] =	stream.linear.gather [hbm4b:s21+s5], $0x80, $0x38;
	[tilespmem:$0x10080] =	vst v63  }
0x459: {  	s23 =	simm.s32 $0xF800;
	s0 =	spop (v2sf)  }
0x45a: {  	[tilespmem:s23], [sflag:$0x1] =	stream.linear.gather [hbm4b:s22+s5], $0x80, $0x38;
	[tilespmem:$0x10080] =	vst v63  }
0x45b: {  	s28 =	simm.s32 $0xFC00;
	s3 =	spop (v2sf)  }
0x45c: {  	[tilespmem:s28], [sflag:$0x1] =	stream.linear.gather [hbm4b:s24+s5], $0x80, $0x38;
	[tilespmem:$0x10080] =	vst v63  }
.Ltmp2:
0x45d: {  	s30 =	simm.s32 $0x10000;
	s7 =	spop (v2sf);
	(pc) =	sbr.rel .LBB2_2-.Ltmp2, $4  }
0x45e: {  	[tilespmem:s30], [sflag:$0x1] =	stream.linear.gather [hbm4b:s25+s5], $0x80, $0x38;
	[tilespmem:$0x10080] =	vst v63  }
0x45f: {  	s29 =	simm.s32 $0x0;
	s31 =	smov.u32 @p2 s0;
	_ =	swait.ge [sflag:s26], $0x800  }
0x460: {  	s8 =	smov.u32 s2;
	s31 =	smov.u32 @p1 s3;
	[sflag:s26] =	ssyncset.done $0x0  }
0x461: {  	s31 =	smov.u32 @p0 s7;
	s23 =	rddreg [dreg:$0x11];
	[sflag:s26] =	ssyncadd.s32 $0xFFFFF800  }
.LBB2_8:
0x462: {  	s0 =	sshll.u32 s3, $0x8  }
0x463: {  	s0 =	sadd.s32 s4, s0  }
0x464: {  	[hbm4b:s0+s5] =	stream.linear.scatter [tilespmem:s18], [sflag:$0x1], $0x10000, $0x38;
	[tilespmem:$0x10080] =	vst v63  }
0x465: {  	_ =	swait.ge [sflag:s26], $0x10000  }
0x466: {  	[sflag:s26] =	ssyncset.done $0x0  }
0x467: {  	[sflag:s26] =	ssyncadd.s32 $0xFFFF0000  }
.LBB2_9:
0x468: {  	s29 =	sadd.s32 $0x1, s29  }
0x469: {  	p3 =	sne.s32 s29, $0x10  }
.Ltmp3:
0x46a: {  	_ = 	snop;
	(pc) =	sbr.rel @!p3 .LBB2_10-.Ltmp3, $2  }
0x46b: {  	_ =	sdelay $0x2  }
0x46c: {  	s8 =	sadd.s32 $0x20, s8;
	s23 =	sadd.s32 $0x2000, s23  }
.LBB2_2:
0x46d: {  	s0 =	sshll.u32 s29, $0x5  }
0x46e: {  	s7 =	sor.u32 s2, s0  }
0x46f: {  	s3 =	sadd.s32 $0x20, s7  }
0x470: {  	p4 =	sle.s32 s3, s31  }
.Ltmp4:
0x471: {  	_ = 	snop;
	(pc) =	sbr.rel @p4 .LBB2_7-.Ltmp4, $2  }
0x472: {  	_ =	sdelay $0x2  }
0x473: {  	p3 =	slt.s32 s7, s31;
	s3 =	sor.u32 s20, s0  }
.Ltmp5:
0x474: {  	(pc) =	sbr.rel @!p3 .LBB2_8-.Ltmp5, $2  }
0x475: {  	_ =	sdelay $0x2  }
0x476: {  	s0 =	simm.s32 $0x0  }
0x477: {  	p3 =	sge.s32 s8, s31  }
0x478: {  	s3 =	sand.u32 @p3 $0x70, s0  }
0x479: {  	s7 =	sand.u32 @p3 $0xFFFF800, s23;
	s3 =	sadd.s32 @p3 s4, s3  }
0x47a: {  	s9 =	simm.s32 @p3 $0x0;
	s3 =	sadd.s32 @p3 s7, s3;
	s7 =	simm.s32 @p3 $0x80  }
0x47b: {  	[hbm4b:s3+s9] =	stream.linear.scatter @p3 [tilespmem:s7], [sflag:$0x1], $0x80, $0x38;
	[tilespmem:$0x10080] =	vst v63  }
0x47c: {  	s10 =	simm.s32 @p3 $0x480;
	s7 =	sadd.s32 @p3 $0x80, s3  }
0x47d: {  	[hbm4b:s7+s9] =	stream.linear.scatter @p3 [tilespmem:s10], [sflag:$0x1], $0x80, $0x38;
	[tilespmem:$0x10080] =	vst v63  }
0x47e: {  	s7 =	sadd.s32 @p3 $0x100, s3;
	s10 =	simm.s32 @p3 $0x880  }
0x47f: {  	[hbm4b:s7+s9] =	stream.linear.scatter @p3 [tilespmem:s10], [sflag:$0x1], $0x80, $0x38;
	[tilespmem:$0x10080] =	vst v63  }
0x480: {  	s7 =	sadd.s32 @p3 $0x180, s3;
	s10 =	simm.s32 @p3 $0xC80  }
0x481: {  	[hbm4b:s7+s9] =	stream.linear.scatter @p3 [tilespmem:s10], [sflag:$0x1], $0x80, $0x38;
	[tilespmem:$0x10080] =	vst v63  }
0x482: {  	s7 =	sadd.s32 @p3 $0x200, s3;
	s10 =	simm.s32 @p3 $0x1080  }
0x483: {  	[hbm4b:s7+s9] =	stream.linear.scatter @p3 [tilespmem:s10], [sflag:$0x1], $0x80, $0x38;
	[tilespmem:$0x10080] =	vst v63  }
0x484: {  	s7 =	sadd.s32 @p3 $0x280, s3;
	s10 =	simm.s32 @p3 $0x1480  }
0x485: {  	[hbm4b:s7+s9] =	stream.linear.scatter @p3 [tilespmem:s10], [sflag:$0x1], $0x80, $0x38;
	[tilespmem:$0x10080] =	vst v63  }
0x486: {  	s28 =	simm.s32 @p3 $0x1880;
	s0 =	sand.u32 @!p3 $0x70, s0;
	s7 =	sadd.s32 @p3 $0x300, s3  }
0x487: {  	[hbm4b:s7+s9] =	stream.linear.scatter @p3 [tilespmem:s28], [sflag:$0x1], $0x80, $0x38;
	[tilespmem:$0x10080] =	vst v63  }
0x488: {  	s30 =	simm.s32 @p3 $0x2080;
	s7 =	sadd.s32 @p3 $0x380, s3;
	s28 =	simm.s32 @p3 $0x1C80  }
0x489: {  	[hbm4b:s7+s9] =	stream.linear.scatter @p3 [tilespmem:s28], [sflag:$0x1], $0x80, $0x38;
	[tilespmem:$0x10080] =	vst v63  }
0x48a: {  	s11 =	simm.s32 @p3 $0x2480;
	s12 =	simm.s32 @p3 $0x2880;
	s7 =	sadd.s32 @p3 $0x400, s3  }
0x48b: {  	[hbm4b:s7+s9] =	stream.linear.scatter @p3 [tilespmem:s30], [sflag:$0x1], $0x80, $0x38;
	[tilespmem:$0x10080] =	vst v63  }
0x48c: {  	p4 =	por p3, p3;
	s10 =	simm.s32 $0x10;
	s28 =	sadd.s32 @p3 $0x480, s3  }
0x48d: {  	[hbm4b:s28+s9] =	stream.linear.scatter @p3 [tilespmem:s11], [sflag:$0x1], $0x80, $0x38;
	[tilespmem:$0x10080] =	vst v63  }
0x48e: {  	s7 =	sadd.s32 @p3 $0x500, s3;
	s30 =	sadd.s32 @p3 $0x580, s3;
	s11 =	sadd.s32 @p3 $0x600, s3  }
0x48f: {  	[hbm4b:s7+s9] =	stream.linear.scatter @p3 [tilespmem:s12], [sflag:$0x1], $0x80, $0x38;
	[tilespmem:$0x10080] =	vst v63  }
0x490: {  	s28 =	sadd.s32 @p3 $0x680, s3;
	s7 =	sadd.s32 @p3 $0x700, s3;
	s12 =	simm.s32 @p3 $0x2C80  }
0x491: {  	[hbm4b:s30+s9] =	stream.linear.scatter @p4 [tilespmem:s12], [sflag:$0x1], $0x80, $0x38;
	[tilespmem:$0x10080] =	vst v63  }
0x492: {  	s3 =	sadd.s32 @p3 $0x780, s3;
	s12 =	sand.u32 @!p3 $0xFFFF800, s23;
	s30 =	simm.s32 @p4 $0x3080  }
0x493: {  	[hbm4b:s11+s9] =	stream.linear.scatter @p4 [tilespmem:s30], [sflag:$0x1], $0x80, $0x38;
	[tilespmem:$0x10080] =	vst v63  }
0x494: {  	s12 =	sor.u32 @!p3 s0, s12;
	s0 =	simm.s32 @p4 $0x3480;
	s11 =	sshll.u32 @!p3 s6, $0x6  }
0x495: {  	[hbm4b:s28+s9] =	stream.linear.scatter @p4 [tilespmem:s0], [sflag:$0x1], $0x80, $0x38;
	[tilespmem:$0x10080] =	vst v63  }
0x496: {  	s30 =	simm.s32 @p4 $0x1;
	s13 =	sadd.s32 @!p4 s4, s12;
	s28 =	simm.s32 @p4 $0x3880  }
0x497: {  	[hbm4b:s7+s9] =	stream.linear.scatter @p4 [tilespmem:s28], [sflag:$0x1], $0x80, $0x38;
	[tilespmem:$0x10080] =	vst v63  }
0x498: {  	s12 =	sadd.s32 @!p4 s1, s12;
	s11 =	sor.u32 @!p3 $0x1C02, s11;
	s7 =	simm.s32 @p4 $0x3C80  }
0x499: {  	[hbm4b:s3+s9] =	stream.linear.scatter @p4 [tilespmem:s7], [sflag:$0x1], $0x80, $0x38;
	[tilespmem:$0x10080] =	vst v63  }
0x49a: {  	s0 =	simm.s32 $0x20;
	s28 =	sadd.s32 $0x1, s8;
	_ =	swait.ge @p4 [sflag:s30], $0x800  }
0x49b: {  	p3 =	sge.s32 s28, s31;
	s9 =	sadd.s32 $0x100, s23;
	[sflag:s30] =	ssyncset.done @p4 $0x0  }
0x49c: {  	s3 =	simm.s32 @!p4 $0x80;
	s7 =	simm.s32 @!p4 $0x1;
	[sflag:s30] =	ssyncadd.s32 @p4 $0xFFFFF800  }
0x49d: {  	[hbm:s13@s3], [sflag:s11] =	dma.strided @!p4 [hbm:s12@s3], $0x100, s7, $0x10   }
0x49e: {  	s30 =	sand.u32 @!p3 $0x70, s10;
	s7 =	simm.s32 @!p4 $0x2;
	s11 =	sand.u32 @p3 $0x70, s10  }
0x49f: {  	s3 =	sand.u32 @p3 $0xFFFF800, s9;
	s10 =	sadd.s32 @p3 s4, s11;
	_ =	swait.ge @!p4 [sflag:s7], $0x100  }
.LBB2_5:
0x4a0: {  	s10 =	sadd.s32 @p3 s3, s10;
	s11 =	simm.s32 @p3 $0x80;
	[sflag:s7] =	ssyncset.done @!p4 $0x0  }
0x4a1: {  	s3 =	simm.s32 @p3 $0x0;
	s12 =	sadd.s32 @p3 $0x80, s10;
	[sflag:s7] =	ssyncadd.s32 @!p4 $0xFFFFFF00  }
0x4a2: {  	[hbm4b:s10+s3] =	stream.linear.scatter @p3 [tilespmem:s11], [sflag:$0x1], $0x80, $0x38;
	[tilespmem:$0x10080] =	vst v63  }
0x4a3: {  	s7 =	simm.s32 @p3 $0x480;
	s13 =	sadd.s32 @p3 $0x180, s10;
	s11 =	sadd.s32 @p3 $0x100, s10  }
0x4a4: {  	[hbm4b:s12+s3] =	stream.linear.scatter @p3 [tilespmem:s7], [sflag:$0x1], $0x80, $0x38;
	[tilespmem:$0x10080] =	vst v63  }
0x4a5: {  	s14 =	sadd.s32 @p3 $0x280, s10;
	s7 =	simm.s32 @p3 $0x880;
	s12 =	sadd.s32 @p3 $0x200, s10  }
0x4a6: {  	[hbm4b:s11+s3] =	stream.linear.scatter @p3 [tilespmem:s7], [sflag:$0x1], $0x80, $0x38;
	[tilespmem:$0x10080] =	vst v63  }
0x4a7: {  	s15 =	sadd.s32 @p3 $0x380, s10;
	s7 =	simm.s32 @p3 $0xC80;
	s11 =	sadd.s32 @p3 $0x300, s10  }
0x4a8: {  	[hbm4b:s13+s3] =	stream.linear.scatter @p3 [tilespmem:s7], [sflag:$0x1], $0x80, $0x38;
	[tilespmem:$0x10080] =	vst v63  }
0x4a9: {  	s16 =	sadd.s32 @p3 $0x480, s10;
	s7 =	simm.s32 @p3 $0x1080;
	s13 =	sadd.s32 @p3 $0x400, s10  }
0x4aa: {  	[hbm4b:s12+s3] =	stream.linear.scatter @p3 [tilespmem:s7], [sflag:$0x1], $0x80, $0x38;
	[tilespmem:$0x10080] =	vst v63  }
0x4ab: {  	s17 =	sadd.s32 @p3 $0x580, s10;
	s7 =	simm.s32 @p3 $0x1480;
	s12 =	sadd.s32 @p3 $0x500, s10  }
0x4ac: {  	[hbm4b:s14+s3] =	stream.linear.scatter @p3 [tilespmem:s7], [sflag:$0x1], $0x80, $0x38;
	[tilespmem:$0x10080] =	vst v63  }
0x4ad: {  	s18 =	sadd.s32 @p3 $0x680, s10;
	s7 =	simm.s32 @p3 $0x1880;
	s14 =	sadd.s32 @p3 $0x600, s10  }
0x4ae: {  	[hbm4b:s11+s3] =	stream.linear.scatter @p3 [tilespmem:s7], [sflag:$0x1], $0x80, $0x38;
	[tilespmem:$0x10080] =	vst v63  }
0x4af: {  	s7 =	simm.s32 @p3 $0x1C80;
	s11 =	sadd.s32 @p3 $0x700, s10;
	s10 =	sadd.s32 @p3 $0x780, s10  }
0x4b0: {  	[hbm4b:s15+s3] =	stream.linear.scatter @p3 [tilespmem:s7], [sflag:$0x1], $0x80, $0x38;
	[tilespmem:$0x10080] =	vst v63  }
0x4b1: {  	s19 =	sshll.u32 @!p3 s6, $0x6;
	s7 =	simm.s32 @p3 $0x2080;
	s15 =	sand.u32 @!p3 $0xFFFF800, s9  }
0x4b2: {  	[hbm4b:s13+s3] =	stream.linear.scatter @p3 [tilespmem:s7], [sflag:$0x1], $0x80, $0x38;
	[tilespmem:$0x10080] =	vst v63  }
0x4b3: {  	s7 =	simm.s32 @p3 $0x2480;
	s13 =	sor.u32 @!p3 s30, s15;
	s15 =	sor.u32 @!p3 $0x1C02, s19  }
0x4b4: {  	[hbm4b:s16+s3] =	stream.linear.scatter @p3 [tilespmem:s7], [sflag:$0x1], $0x80, $0x38;
	[tilespmem:$0x10080] =	vst v63  }
0x4b5: {  	s7 =	simm.s32 @p3 $0x2880;
	s16 =	smov.u32 s0;
	s0 =	sadd.s32 $0x10, s0  }
0x4b6: {  	[hbm4b:s12+s3] =	stream.linear.scatter @p3 [tilespmem:s7], [sflag:$0x1], $0x80, $0x38;
	[tilespmem:$0x10080] =	vst v63  }
0x4b7: {  	p4 =	por p3, p3;
	p5 =	sne.s32 s0, $0x200;
	s7 =	simm.s32 @p3 $0x2C80  }
0x4b8: {  	[hbm4b:s17+s3] =	stream.linear.scatter @p4 [tilespmem:s7], [sflag:$0x1], $0x80, $0x38;
	[tilespmem:$0x10080] =	vst v63  }
0x4b9: {  	s7 =	simm.s32 @p4 $0x3080  }
0x4ba: {  	[hbm4b:s14+s3] =	stream.linear.scatter @p4 [tilespmem:s7], [sflag:$0x1], $0x80, $0x38;
	[tilespmem:$0x10080] =	vst v63  }
0x4bb: {  	s28 =	sadd.s32 $0x1, s28;
	s9 =	sadd.s32 $0x100, s9;
	s7 =	simm.s32 @p4 $0x3480  }
0x4bc: {  	[hbm4b:s18+s3] =	stream.linear.scatter @p4 [tilespmem:s7], [sflag:$0x1], $0x80, $0x38;
	[tilespmem:$0x10080] =	vst v63  }
0x4bd: {  	s12 =	simm.s32 @p4 $0x3880;
	s14 =	simm.s32 @!p4 $0x80;
	s7 =	simm.s32 @!p4 $0x2  }
0x4be: {  	[hbm4b:s11+s3] =	stream.linear.scatter @p4 [tilespmem:s12], [sflag:$0x1], $0x80, $0x38;
	[tilespmem:$0x10080] =	vst v63  }
0x4bf: {  	s17 =	simm.s32 @!p4 $0x1;
	s11 =	simm.s32 @p4 $0x3C80;
	s12 =	simm.s32 @p4 $0x1  }
0x4c0: {  	[hbm4b:s10+s3] =	stream.linear.scatter @p4 [tilespmem:s11], [sflag:$0x1], $0x80, $0x38;
	[tilespmem:$0x10080] =	vst v63  }
.Ltmp6:
0x4c1: {  	s3 =	sadd.s32 @!p4 s4, s13;
	_ =	swait.ge @p4 [sflag:s12], $0x800;
	(pc) =	sbr.rel @p5 .LBB2_5-.Ltmp6, $4  }
0x4c2: {  	p3 =	sge.s32 s28, s31;
	s10 =	sadd.s32 @!p4 s1, s13;
	[sflag:s12] =	ssyncset.done @p4 $0x0  }
0x4c3: {  	s30 =	sand.u32 @!p3 $0x70, s16;
	s11 =	sand.u32 @p3 $0x70, s16;
	[sflag:s12] =	ssyncadd.s32 @p4 $0xFFFFF800  }
0x4c4: {  	[hbm:s3@s14], [sflag:s15] =	dma.strided @!p4 [hbm:s10@s14], $0x100, s17, $0x10   }
0x4c5: {  	s3 =	sand.u32 @p3 $0xFFFF800, s9;
	s10 =	sadd.s32 @p3 s4, s11;
	_ =	swait.ge @!p4 [sflag:s7], $0x100  }
0x4c6: {  	s0 =	sadd.s32 @p3 s3, s10;
	[sflag:s7] =	ssyncset.done @!p4 $0x0  }
0x4c7: {  	s3 =	simm.s32 @p3 $0x80;
	s10 =	simm.s32 @p3 $0x0;
	[sflag:s7] =	ssyncadd.s32 @!p4 $0xFFFFFF00  }
0x4c8: {  	[hbm4b:s0+s10] =	stream.linear.scatter @p3 [tilespmem:s3], [sflag:$0x1], $0x80, $0x38;
	[tilespmem:$0x10080] =	vst v63  }
0x4c9: {  	s7 =	simm.s32 @p3 $0x480;
	s3 =	sadd.s32 @p3 $0x80, s0  }
0x4ca: {  	[hbm4b:s3+s10] =	stream.linear.scatter @p3 [tilespmem:s7], [sflag:$0x1], $0x80, $0x38;
	[tilespmem:$0x10080] =	vst v63  }
0x4cb: {  	s3 =	sadd.s32 @p3 $0x100, s0;
	s7 =	simm.s32 @p3 $0x880  }
0x4cc: {  	[hbm4b:s3+s10] =	stream.linear.scatter @p3 [tilespmem:s7], [sflag:$0x1], $0x80, $0x38;
	[tilespmem:$0x10080] =	vst v63  }
0x4cd: {  	s3 =	sadd.s32 @p3 $0x180, s0;
	s7 =	simm.s32 @p3 $0xC80  }
0x4ce: {  	[hbm4b:s3+s10] =	stream.linear.scatter @p3 [tilespmem:s7], [sflag:$0x1], $0x80, $0x38;
	[tilespmem:$0x10080] =	vst v63  }
0x4cf: {  	s3 =	sadd.s32 @p3 $0x200, s0;
	s7 =	simm.s32 @p3 $0x1080  }
0x4d0: {  	[hbm4b:s3+s10] =	stream.linear.scatter @p3 [tilespmem:s7], [sflag:$0x1], $0x80, $0x38;
	[tilespmem:$0x10080] =	vst v63  }
0x4d1: {  	s3 =	sadd.s32 @p3 $0x280, s0;
	s7 =	simm.s32 @p3 $0x1480  }
0x4d2: {  	[hbm4b:s3+s10] =	stream.linear.scatter @p3 [tilespmem:s7], [sflag:$0x1], $0x80, $0x38;
	[tilespmem:$0x10080] =	vst v63  }
0x4d3: {  	s3 =	sadd.s32 @p3 $0x300, s0;
	s7 =	simm.s32 @p3 $0x1880  }
0x4d4: {  	[hbm4b:s3+s10] =	stream.linear.scatter @p3 [tilespmem:s7], [sflag:$0x1], $0x80, $0x38;
	[tilespmem:$0x10080] =	vst v63  }
0x4d5: {  	s3 =	sadd.s32 @p3 $0x380, s0;
	s7 =	simm.s32 @p3 $0x1C80  }
0x4d6: {  	[hbm4b:s3+s10] =	stream.linear.scatter @p3 [tilespmem:s7], [sflag:$0x1], $0x80, $0x38;
	[tilespmem:$0x10080] =	vst v63  }
0x4d7: {  	s3 =	sadd.s32 @p3 $0x400, s0;
	s7 =	simm.s32 @p3 $0x2080  }
0x4d8: {  	[hbm4b:s3+s10] =	stream.linear.scatter @p3 [tilespmem:s7], [sflag:$0x1], $0x80, $0x38;
	[tilespmem:$0x10080] =	vst v63  }
0x4d9: {  	s3 =	sadd.s32 @p3 $0x480, s0;
	s7 =	simm.s32 @p3 $0x2480  }
0x4da: {  	[hbm4b:s3+s10] =	stream.linear.scatter @p3 [tilespmem:s7], [sflag:$0x1], $0x80, $0x38;
	[tilespmem:$0x10080] =	vst v63  }
0x4db: {  	s3 =	sadd.s32 @p3 $0x500, s0;
	s7 =	simm.s32 @p3 $0x2880  }
0x4dc: {  	[hbm4b:s3+s10] =	stream.linear.scatter @p3 [tilespmem:s7], [sflag:$0x1], $0x80, $0x38;
	[tilespmem:$0x10080] =	vst v63  }
0x4dd: {  	p4 =	por p3, p3;
	s3 =	sadd.s32 @p3 $0x580, s0;
	s7 =	simm.s32 @p3 $0x2C80  }
0x4de: {  	[hbm4b:s3+s10] =	stream.linear.scatter @p4 [tilespmem:s7], [sflag:$0x1], $0x80, $0x38;
	[tilespmem:$0x10080] =	vst v63  }
0x4df: {  	s11 =	simm.s32 @p4 $0x3080;
	s3 =	sadd.s32 @p3 $0x600, s0  }
0x4e0: {  	[hbm4b:s3+s10] =	stream.linear.scatter @p4 [tilespmem:s11], [sflag:$0x1], $0x80, $0x38;
	[tilespmem:$0x10080] =	vst v63  }
0x4e1: {  	s7 =	sadd.s32 @p3 $0x680, s0;
	s11 =	simm.s32 @p4 $0x3480  }
0x4e2: {  	[hbm4b:s7+s10] =	stream.linear.scatter @p4 [tilespmem:s11], [sflag:$0x1], $0x80, $0x38;
	[tilespmem:$0x10080] =	vst v63  }
0x4e3: {  	s3 =	sadd.s32 @p3 $0x700, s0;
	s7 =	sand.u32 @!p3 $0xFFFF800, s9;
	s11 =	simm.s32 @p4 $0x3880  }
0x4e4: {  	[hbm4b:s3+s10] =	stream.linear.scatter @p4 [tilespmem:s11], [sflag:$0x1], $0x80, $0x38;
	[tilespmem:$0x10080] =	vst v63  }
0x4e5: {  	s0 =	sadd.s32 @p3 $0x780, s0;
	s9 =	sshll.u32 @!p3 s6, $0x6;
	s3 =	sor.u32 @!p3 s30, s7  }
0x4e6: {  	s7 =	simm.s32 @p4 $0x3C80;
	s11 =	simm.s32 @p4 $0x1;
	s12 =	sadd.s32 @!p4 s4, s3  }
0x4e7: {  	[hbm4b:s0+s10] =	stream.linear.scatter @p4 [tilespmem:s7], [sflag:$0x1], $0x80, $0x38;
	[tilespmem:$0x10080] =	vst v63  }
0x4e8: {  	s3 =	sadd.s32 @!p4 s1, s3;
	s0 =	sor.u32 @!p3 $0x1C02, s9;
	_ =	swait.ge @p4 [sflag:s11], $0x800  }
0x4e9: {  	s7 =	simm.s32 @!p4 $0x80;
	s9 =	simm.s32 @!p4 $0x2;
	[sflag:s11] =	ssyncset.done @p4 $0x0  }
.Ltmp7:
0x4ea: {  	s10 =	simm.s32 @!p4 $0x1;
	[sflag:s11] =	ssyncadd.s32 @p4 $0xFFFFF800;
	(pc) =	sbr.rel .LBB2_9-.Ltmp7, $4  }
0x4eb: {  	[hbm:s12@s7], [sflag:s0] =	dma.strided @!p4 [hbm:s3@s7], $0x100, s10, $0x10   }
0x4ec: {  	_ =	swait.ge @!p4 [sflag:s9], $0x100  }
0x4ed: {  	[sflag:s9] =	ssyncset.done @!p4 $0x0  }
0x4ee: {  	s18 =	simm.s32 $0x80;
	[sflag:s9] =	ssyncadd.s32 @!p4 $0xFFFFFF00  }
.LBB2_7:
0x4ef: {  	s0 =	sshll.u32 s3, $0x8;
	s7 =	sshll.u32 s6, $0x6  }
0x4f0: {  	s9 =	sadd.s32 s1, s0;
	s0 =	sadd.s32 s4, s0;
	s7 =	sor.u32 $0x1C01, s7  }
0x4f1: {  	[hbm:s0], [sflag:s7] =	dma.local [hbm:s9], $0x2000  }
.Ltmp8:
0x4f2: {  	_ = 	snop;
	(pc) =	sbr.rel @p3 .LBB2_9-.Ltmp8, $4  }
.Ltmp9:
0x4f3: {  	_ = 	snop;
	(pc) =	sbr.rel @!p3 .LBB2_8-.Ltmp9, $4  }
0x4f4: {  	_ =	swait.ge [sflag:s26], $0x2000  }
0x4f5: {  	[sflag:s26] =	ssyncset.done $0x0  }
0x4f6: {  	[sflag:s26] =	ssyncadd.s32 $0xFFFFE000  }
0x4f7: {  	_ = 	snop  }
.LBB2_11:
0x4f8: {  	_ =	sfence.sel $0x180000  }
0x4f9: {  	[bflag:$0x0] =	sbarrier.arrive $0xFFFF  }
0x4fa: {  	_ =	strace $0x90000047  }
0x4fb: {  	[bflag:$0x2] =	sbarrier.arrive $0xFFFF  }
0x4fc: {  	p0 =	sne.s32 s6, $0x0;
	s0 =	rddreg [dreg:$0x4]  }
0x4fd: {  	s0 =	sadd.s32 @!p0 $0x100000, s0  }
0x4fe: {  	[sflag:s0] =	ssyncadd.tile.s32 @!p0 $0x1;
	_ =	shalt  }
.Lfunc_end2:
_tile_overlayer_lowered:
.L_overlay_start_2:
0x4ff: {  	(tag) =	ssettag $0x2  }
0x500: {  	s0 =	rddreg [dreg:$0x0];
	s2 =	stileid.u32  }
0x501: {  	s1 =	rddreg [dreg:$0x1];
	p0 =	sne.s32 s2, $0x0  }
0x502: {  	s3 =	rddreg [dreg:$0x2];
	[bflag:$0x3] =	sbarrier.arrive $0xFFFF;
	s2 =	simm.s32 @!p0 $0x1C01  }
0x503: {  	[timem:s3], [sflag:s2] =	dma.local @!p0 [hbm:s0], s1  }
0x504: {  	s0 =	simm.s32 @!p0 $0x1  }
0x505: {  	_ =	swait.ge @!p0 [sflag:s0], s1  }
0x506: {  	s1 =	ssub.s32 @!p0 $0x0, s1;
	[sflag:s0] =	ssyncset.done @!p0 $0x0  }
0x507: {  	[sflag:s0] =	ssyncadd.s32 @!p0 s1  }
0x508: {  	[bflag:$0x3] =	sbarrier.arrive $0xFFFF  }
0x509: {  	_ =	shalt  }

</sc_bundles>
